<compile_context>
chip_gen: v7x
topology: tpu7x:2x2x1
jax: 0.10.2.dev20260603
libtpu: 0.0.44.dev20260713+nightly
codegen_flags: <defaults>
</compile_context>

<pallas_src>
import functools

import jax
import jax.numpy as jnp
from jax import lax
from jax.experimental import pallas as pl
from jax.experimental.pallas import tpu as pltpu
from jax.experimental.pallas import tpu_sc as plsc

N = 10000
G = 64
D = 128
NCORES = 2
NSUB = 16
NW = NCORES * NSUB
CH = 128
NCH = 80
HALF = NCH // 2
EPW = CH * NCH
EP = NW * EPW
NROW = 10240
DEGW = 16
ZPT = NROW // NSUB

_MESH = plsc.VectorSubcoreMesh(core_axis_name="c", subcore_axis_name="s")



def _deg_body(dst_hbm, out_hbm, dstv, buf, acc):
    c = lax.axis_index("c")
    s = lax.axis_index("s")
    wid = c * NSUB + s
    pltpu.sync_copy(dst_hbm.at[pl.ds(wid * NCH, NCH)], dstv)

    def fill(val):
        def row(i, _):
            buf[i, :] = jnp.full((DEGW,), val, jnp.float32)
            return ()
        lax.fori_loop(0, CH, row, ())

    fill(0.0)
    for j in range(ZPT // CH):
        pltpu.sync_copy(buf, acc.at[pl.ds(s * ZPT + j * CH, CH)])
    fill(1.0)
    plsc.subcore_barrier()

    def body(k, _):
        pltpu.sync_copy(buf, acc.at[dstv.at[k]], add=True)
        return ()
    lax.fori_loop(0, NCH, body, ())

    plsc.subcore_barrier()
    pltpu.sync_copy(acc.at[pl.ds(s * ZPT, ZPT)],
                    out_hbm.at[pl.ds(c * NROW + s * ZPT, ZPT)])


_deg_call = functools.partial(
    pl.kernel,
    out_type=jax.ShapeDtypeStruct((NCORES * NROW, DEGW), jnp.float32),
    mesh=_MESH,
    scratch_types=[
        pltpu.VMEM((NCH, CH), jnp.int32),
        pltpu.VMEM((CH, DEGW), jnp.float32),
        pltpu.VMEM_SHARED((NROW, DEGW), jnp.float32),
    ],
)(_deg_body)


def _agg_body(hs_hbm, src_hbm, dst_hbm, out_hbm,
              srcv, dstv, bufa, bufb, acc, sema, semb):
    c = lax.axis_index("c")
    s = lax.axis_index("s")
    wid = c * NSUB + s

    def zrow(i, _):
        for j in range(D // 16):
            bufa[i, pl.ds(j * 16, 16)] = jnp.zeros((16,), jnp.float32)
        return ()
    lax.fori_loop(0, CH, zrow, ())
    for j in range(ZPT // CH):
        pltpu.sync_copy(bufa, acc.at[pl.ds(s * ZPT + j * CH, CH)])
    plsc.subcore_barrier()

    for p in range(2):
        base = wid * NCH + p * HALF
        pltpu.sync_copy(src_hbm.at[pl.ds(base, HALF)], srcv)
        pltpu.sync_copy(dst_hbm.at[pl.ds(base, HALF)], dstv)

        pltpu.async_copy(hs_hbm.at[srcv.at[0]], bufa, sema)

        def body(i, _):
            k = 2 * i
            pltpu.async_copy(hs_hbm.at[srcv.at[k + 1]], bufb, semb)
            pltpu.make_async_copy(hs_hbm.at[srcv.at[0]], bufa, sema).wait()
            pltpu.sync_copy(bufa, acc.at[dstv.at[k]], add=True)

            @pl.when(k + 2 < HALF)
            def _():
                pltpu.async_copy(hs_hbm.at[srcv.at[k + 2]], bufa, sema)

            pltpu.make_async_copy(hs_hbm.at[srcv.at[0]], bufb, semb).wait()
            pltpu.sync_copy(bufb, acc.at[dstv.at[k + 1]], add=True)
            return ()
        lax.fori_loop(0, HALF // 2, body, ())

    plsc.subcore_barrier()
    pltpu.sync_copy(acc.at[pl.ds(s * ZPT, ZPT)],
                    out_hbm.at[pl.ds(c * NROW + s * ZPT, ZPT)])


_agg = functools.partial(
    pl.kernel,
    out_type=jax.ShapeDtypeStruct((NCORES * NROW, D), jnp.float32),
    mesh=_MESH,
    scratch_types=[
        pltpu.VMEM((HALF, CH), jnp.int32),
        pltpu.VMEM((HALF, CH), jnp.int32),
        pltpu.VMEM((CH, D), jnp.float32),
        pltpu.VMEM((CH, D), jnp.float32),
        pltpu.VMEM_SHARED((NROW, D), jnp.float32),
        pltpu.SemaphoreType.DMA,
        pltpu.SemaphoreType.DMA,
    ],
)(_agg_body)



_RB = 1000
_NBLK = N // _RB


def _dinv(degp_ref):
    d = degp_ref[0, :, 0:1] + degp_ref[1, :, 0:1] + 1.0
    return lax.rsqrt(d)


def _tc_matmul_body(x_ref, w_ref, out_ref):
    out_ref[...] = jnp.dot(x_ref[...], w_ref[...],
                           preferred_element_type=jnp.float32)


def _tc_matmul(x, w):
    return pl.pallas_call(
        _tc_matmul_body,
        grid=(_NBLK,),
        in_specs=[
            pl.BlockSpec((_RB, 128), lambda i: (i, 0)),
            pl.BlockSpec((128, 128), lambda i: (0, 0)),
        ],
        out_specs=pl.BlockSpec((_RB, 128), lambda i: (i, 0)),
        out_shape=jax.ShapeDtypeStruct((N, 128), jnp.float32),
    )(x, w)


def _tc_scale_body(h_ref, degp_ref, out_ref):
    out_ref[...] = h_ref[...] * _dinv(degp_ref)


def _tc_scale(h, degp):
    return pl.pallas_call(
        _tc_scale_body,
        grid=(_NBLK,),
        in_specs=[
            pl.BlockSpec((_RB, 128), lambda i: (i, 0)),
            pl.BlockSpec((2, _RB, DEGW), lambda i: (0, i, 0)),
        ],
        out_specs=pl.BlockSpec((_RB, 128), lambda i: (i, 0)),
        out_shape=jax.ShapeDtypeStruct((N, 128), jnp.float32),
    )(h, degp)


def _tc_mid_body(raw_ref, hs_ref, degp_ref, b_ref, w_ref, out_ref):
    dinv = _dinv(degp_ref)
    agg = (raw_ref[0] + raw_ref[1] + hs_ref[...]) * dinv
    act = jnp.maximum(agg + b_ref[...], 0.0)
    h = jnp.dot(act, w_ref[...], preferred_element_type=jnp.float32)
    out_ref[...] = h * dinv


def _tc_mid(raw, hs, degp, b, w):
    return pl.pallas_call(
        _tc_mid_body,
        grid=(_NBLK,),
        in_specs=[
            pl.BlockSpec((2, _RB, 128), lambda i: (0, i, 0)),
            pl.BlockSpec((_RB, 128), lambda i: (i, 0)),
            pl.BlockSpec((2, _RB, DEGW), lambda i: (0, i, 0)),
            pl.BlockSpec((1, 128), lambda i: (0, 0)),
            pl.BlockSpec((128, 128), lambda i: (0, 0)),
        ],
        out_specs=pl.BlockSpec((_RB, 128), lambda i: (i, 0)),
        out_shape=jax.ShapeDtypeStruct((N, 128), jnp.float32),
    )(raw, hs, degp, b, w)


_DF = 64


def _tc_final_body(raw_ref, hs_ref, degp_ref, b_ref, batch_ref,
                   hw1_ref, hb1_ref, hw2_ref, hb2_ref, out_ref,
                   sums_ref, counts_ref):
    i = pl.program_id(0)
    dinv = _dinv(degp_ref)
    act = jnp.maximum(
        (raw_ref[0] + raw_ref[1] + hs_ref[...]) * dinv + b_ref[...], 0.0)

    gids = lax.broadcasted_iota(jnp.int32, (1, G), 1)
    oh = jnp.where(batch_ref[...] == gids, 1.0, 0.0)

    psum = lax.dot_general(oh, act, (((0,), (0,)), ((), ())),
                           preferred_element_type=jnp.float32)
    ones = jnp.ones((_RB, 1), jnp.float32)
    pcnt = lax.dot_general(oh, ones, (((0,), (0,)), ((), ())),
                           preferred_element_type=jnp.float32)

    @pl.when(i == 0)
    def _():
        sums_ref[...] = jnp.zeros_like(sums_ref)
        counts_ref[...] = jnp.zeros_like(counts_ref)

    sums_ref[...] += psum
    counts_ref[...] += pcnt

    @pl.when(i == _NBLK - 1)
    def _():
        g = sums_ref[...] / jnp.maximum(counts_ref[...], 1.0)
        for h in range(5):
            hid = jnp.dot(g, hw1_ref[h],
                          preferred_element_type=jnp.float32)
            hid = jnp.maximum(hid + hb1_ref[h], 0.0)
            row = lax.dot_general(hw2_ref[h], hid, (((0,), (1,)), ((), ())),
                                  preferred_element_type=jnp.float32)
            out_ref[pl.ds(h, 1), :] = row + hb2_ref[h, 0]


def _tc_final(raw, hs, degp, b, batch2d, hw1, hb1, hw2, hb2):
    return pl.pallas_call(
        _tc_final_body,
        grid=(_NBLK,),
        in_specs=[
            pl.BlockSpec((2, _RB, 128), lambda i: (0, i, 0)),
            pl.BlockSpec((_RB, 128), lambda i: (i, 0)),
            pl.BlockSpec((2, _RB, DEGW), lambda i: (0, i, 0)),
            pl.BlockSpec((1, 128), lambda i: (0, 0)),
            pl.BlockSpec((_RB, 1), lambda i: (i, 0)),
            pl.BlockSpec((5, 128, 32), lambda i: (0, 0, 0)),
            pl.BlockSpec((5, 32), lambda i: (0, 0)),
            pl.BlockSpec((5, 32, 1), lambda i: (0, 0, 0)),
            pl.BlockSpec((5, 1), lambda i: (0, 0)),
        ],
        out_specs=pl.BlockSpec((5, G), lambda i: (0, 0)),
        out_shape=jax.ShapeDtypeStruct((5, G), jnp.float32),
        scratch_shapes=[
            pltpu.VMEM((G, 128), jnp.float32),
            pltpu.VMEM((G, 1), jnp.float32),
        ],
    )(raw, hs, degp, b, batch2d, hw1, hb1, hw2, hb2)



def kernel(x, edge_index, batch, W1, b1, W2, b2, W3, b3, hW1, hb1, hW2, hb2):
    e = edge_index.shape[1]
    pad_src = jnp.arange(EP - e, dtype=jnp.int32) % N
    src = jnp.concatenate([edge_index[0], pad_src]).reshape(NW * NCH, CH)
    pad_dst = jnp.arange(EP - e, dtype=jnp.int32) % (NROW - N) + N
    dst = jnp.concatenate([edge_index[1], pad_dst]).reshape(NW * NCH, CH)

    xw1 = _tc_matmul(x, W1)
    degp = _deg_call(dst).reshape(NCORES, NROW, DEGW)
    hs1 = _tc_scale(xw1, degp)
    raw1 = _agg(hs1, src, dst).reshape(NCORES, NROW, D)
    hs2 = _tc_mid(raw1, hs1, degp, b1.reshape(1, -1), W2)
    raw2 = _agg(hs2, src, dst).reshape(NCORES, NROW, D)
    w3pad = jnp.concatenate(
        [W3, jnp.zeros((128, 128 - _DF), jnp.float32)], axis=1)
    hs3 = _tc_mid(raw2, hs2, degp, b2.reshape(1, -1), w3pad)
    raw3 = _agg(hs3, src, dst).reshape(NCORES, NROW, D)

    b3pad = jnp.concatenate(
        [b3, jnp.zeros((128 - _DF,), jnp.float32)]).reshape(1, -1)
    hw1pad = jnp.concatenate(
        [hW1, jnp.zeros((5, 128 - _DF, 32), jnp.float32)], axis=1)
    out = _tc_final(raw3, hs3, degp, b3pad,
                    batch.reshape(-1, 1), hw1pad, hb1, hW2, hb2)

    tasks = ['solubility', 'permeability', 'logp', 'cyp3a4', 'herg']
    return {t: out[i] for i, t in enumerate(tasks)}

# --- scband reference (transcript-rebuilt; emitter-appended) ---
"""Pipeline reference for scband-admepredictor-84524956385586 (READ-ONLY COPY).

The authoritative reference and input builder live on the scoring server;
editing this copy changes nothing except your own understanding.
"""

import jax, jax.numpy as jnp
import numpy as np

N_NODES = 10000
N_EDGES = 320000
D_FEAT = 128
HIDDEN = 128
N_GRAPHS = 64


def gcn_conv(x, edge_index, W, b, num_nodes):
    # PyG GCNConv: linear transform, add self-loops, symmetric normalization, scatter-add, bias
    h = x @ W
    loop = jnp.arange(num_nodes, dtype=edge_index.dtype)
    src = jnp.concatenate([edge_index[0], loop])
    dst = jnp.concatenate([edge_index[1], loop])
    deg = jnp.zeros((num_nodes,), dtype=h.dtype).at[dst].add(1.0)
    dinv = jnp.where(deg > 0, deg ** -0.5, 0.0)
    norm = dinv[src] * dinv[dst]
    msg = h[src] * norm[:, None]
    out = jnp.zeros((num_nodes, W.shape[1]), dtype=h.dtype).at[dst].add(msg)
    return out + b


def global_mean_pool(x, batch, num_graphs):
    sums = jax.ops.segment_sum(x, batch, num_segments=num_graphs)
    counts = jax.ops.segment_sum(jnp.ones((x.shape[0],), dtype=x.dtype), batch, num_segments=num_graphs)
    return sums / jnp.clip(counts, 1.0)[:, None]


def setup_inputs(seed: int = 0) -> dict:
    key = jax.random.key(seed)
    ks = jax.random.split(key, 16)
    x = jax.random.normal(ks[0], (N_NODES, D_FEAT), dtype=jnp.float32)
    edge_index = jax.random.randint(ks[1], (2, N_EDGES), 0, N_NODES, dtype=jnp.int64 if jax.config.jax_enable_x64 else jnp.int32).astype(jnp.int32)
    batch = jnp.sort(jax.random.randint(ks[2], (N_NODES,), 0, N_GRAPHS)).astype(jnp.int32)
    s1 = (2.0 / D_FEAT) ** 0.5
    s2 = (2.0 / HIDDEN) ** 0.5
    W1 = jax.random.normal(ks[3], (D_FEAT, HIDDEN), dtype=jnp.float32) * s1
    b1 = jnp.zeros((HIDDEN,), dtype=jnp.float32)
    W2 = jax.random.normal(ks[4], (HIDDEN, HIDDEN), dtype=jnp.float32) * s2
    b2 = jnp.zeros((HIDDEN,), dtype=jnp.float32)
    W3 = jax.random.normal(ks[5], (HIDDEN, HIDDEN // 2), dtype=jnp.float32) * s2
    b3 = jnp.zeros((HIDDEN // 2,), dtype=jnp.float32)
    pool_out = HIDDEN // 2
    # 5 heads (solubility, permeability, logp, cyp3a4, herg), each MLP [pool_out, 32, 1]; stacked
    hW1 = jax.random.normal(ks[6], (5, pool_out, 32), dtype=jnp.float32) * (2.0 / pool_out) ** 0.5
    hb1 = jnp.zeros((5, 32), dtype=jnp.float32)
    hW2 = jax.random.normal(ks[7], (5, 32, 1), dtype=jnp.float32) * (2.0 / 32) ** 0.5
    hb2 = jnp.zeros((5, 1), dtype=jnp.float32)
    return {"x": x, "edge_index": edge_index, "batch": batch,
            "W1": W1, "b1": b1, "W2": W2, "b2": b2, "W3": W3, "b3": b3,
            "hW1": hW1, "hb1": hb1, "hW2": hW2, "hb2": hb2}


def reference(x, edge_index, batch, W1, b1, W2, b2, W3, b3, hW1, hb1, hW2, hb2):
    # eval mode: dropout is identity
    h = jax.nn.relu(gcn_conv(x, edge_index, W1, b1, N_NODES))
    h = jax.nn.relu(gcn_conv(h, edge_index, W2, b2, N_NODES))
    h = jax.nn.relu(gcn_conv(h, edge_index, W3, b3, N_NODES))
    g = global_mean_pool(h, batch, N_GRAPHS)  # [G, pool_out]
    hid = jax.nn.relu(jnp.einsum('gd,hdk->hgk', g, hW1) + hb1[:, None, :])
    out = jnp.einsum('hgk,hko->hgo', hid, hW2) + hb2[:, None, :]
    out = jnp.squeeze(out, -1)  # [5, G]
    tasks = ['solubility', 'permeability', 'logp', 'cyp3a4', 'herg']
    return {t: out[i] for i, t in enumerate(tasks)}

if __name__ == "__main__":
    import jax
    _d = setup_inputs()
    print(jax.jit(kernel)(*tuple(_d.values())))

</pallas_src>

<mosaic_0001>
#map = affine_map<(d0, d1) -> (0, 0)>
module attributes {stable_mosaic.version = 14 : i64} {
  func.func @_deg_body(%arg0: i32, %arg1: i32, %arg2: memref<2560x128xi32, #tpu.memory_space<hbm>>, %arg3: memref<20480x16xf32, #tpu.memory_space<hbm>>, %arg4: memref<80x128xi32, #tpu.memory_space<vmem>>, %arg5: memref<128x16xf32, #tpu.memory_space<vmem>>, %arg6: memref<10240x16xf32, #tpu.memory_space<vmem_shared>>) attributes {dimension_semantics = [#tpu.dimension_semantics<core_parallel>, #tpu.dimension_semantics<subcore_parallel>], iteration_bounds = array<i64: 2, 16>, scalar_prefetch = 0 : i64, scratch_operands = 3 : i64, tpu.core_type = #tpu.core_type<sc_vector_subcore>, window_params = [{transform_indices = #map}, {transform_indices = #map}]} {
    %mul3A = arith.constant 16 : i32
    %mul3A_0 = arith.muli %arg0, %mul3A : i32
    %add3A = arith.addi %mul3A_0, %arg1 : i32
    %mul3A_1 = arith.constant 80 : i32
    %mul3A_2 = arith.muli %add3A, %mul3A_1 : i32
    "tpu.region"() ({
      %run_scoped3A = tpu.sem_alloc : memref<!tpu.dma_semaphore, #tpu.memory_space<semaphore_mem>>
      %dma_start3A = arith.constant 0 : i32
      %dma_start3A_45 = tpu.memref_slice %arg2[%mul3A_2, %dma_start3A] : memref<2560x128xi32, #tpu.memory_space<hbm>> -> memref<80x128xi32, #tpu.memory_space<hbm>>
      %dma_start3A_46 = arith.constant 0 : i32
      %dma_start3A_47 = tpu.memref_slice %arg2[%mul3A_2, %dma_start3A_46] : memref<2560x128xi32, #tpu.memory_space<hbm>> -> memref<80x128xi32, #tpu.memory_space<hbm>>
      tpu.enqueue_dma source(%dma_start3A_47 : memref<80x128xi32, #tpu.memory_space<hbm>>) target(%arg4 : memref<80x128xi32, #tpu.memory_space<vmem>>) target_semaphore(%run_scoped3A : memref<!tpu.dma_semaphore, #tpu.memory_space<semaphore_mem>>)
      %dma_wait3A = arith.constant 0 : i32
      %dma_wait3A_48 = tpu.memref_slice %arg2[%mul3A_2, %dma_wait3A] : memref<2560x128xi32, #tpu.memory_space<hbm>> -> memref<80x128xi32, #tpu.memory_space<hbm>>
      %dma_wait3A_49 = arith.constant 0 : i32
      %dma_wait3A_50 = tpu.memref_slice %arg2[%mul3A_2, %dma_wait3A_49] : memref<2560x128xi32, #tpu.memory_space<hbm>> -> memref<80x128xi32, #tpu.memory_space<hbm>>
      tpu.wait_dma2 semaphore(%run_scoped3A : memref<!tpu.dma_semaphore, #tpu.memory_space<semaphore_mem>>) src(%dma_wait3A_50 : memref<80x128xi32, #tpu.memory_space<hbm>>) dst(%arg4 : memref<80x128xi32, #tpu.memory_space<vmem>>)
      tpu.yield
    }) : () -> ()
    %scan3A = arith.constant 0 : i32
    %scan3A_3 = arith.constant 128 : i32
    %scan3A_4 = arith.addi %scan3A, %scan3A_3 : i32
    %scan3A_5 = arith.constant 1 : i32
    scf.for %scan3A_45 = %scan3A to %scan3A_4 step %scan3A_5  : i32 {
      %broadcast_in_dim3A = arith.constant 0.000000e+00 : f32
      %broadcast_in_dim3A_46 = vector.broadcast %broadcast_in_dim3A : f32 to vector<16xf32>
      %swap3A = arith.index_cast %scan3A_45 : i32 to index
      %swap3A_47 = arith.constant 0 : index
      %swap3A_48 = tpu.vector_load %arg5[%swap3A, %swap3A_47] {strides = array<i32>} : memref<128x16xf32, #tpu.memory_space<vmem>>, vector<1x16xf32>,
      %swap3A_49 = vector.shape_cast %swap3A_48 : vector<1x16xf32> to vector<16xf32>
      %swap3A_50 = vector.shape_cast %broadcast_in_dim3A_46 : vector<16xf32> to vector<1x16xf32>
      tpu.vector_store %arg5[%swap3A, %swap3A_47], %swap3A_50 {strides = array<i32>} : memref<128x16xf32, #tpu.memory_space<vmem>>, vector<1x16xf32>,
    }
    %scan3A_6 = arith.constant 128 : i32
    %mul3A_7 = arith.constant 640 : i32
    %mul3A_8 = arith.muli %arg1, %mul3A_7 : i32
    %add3A_9 = arith.constant 0 : i32
    %add3A_10 = arith.addi %mul3A_8, %add3A_9 : i32
    "tpu.region"() ({
      %run_scoped3A = tpu.sem_alloc : memref<!tpu.dma_semaphore, #tpu.memory_space<semaphore_mem>>
      %dma_start3A = arith.constant 0 : i32
      %dma_start3A_45 = tpu.memref_slice %arg6[%add3A_10, %dma_start3A] : memref<10240x16xf32, #tpu.memory_space<vmem_shared>> -> memref<128x16xf32, #tpu.memory_space<vmem_shared>>
      %dma_start3A_46 = arith.constant 0 : i32
      %dma_start3A_47 = tpu.memref_slice %arg6[%add3A_10, %dma_start3A_46] : memref<10240x16xf32, #tpu.memory_space<vmem_shared>> -> memref<128x16xf32, #tpu.memory_space<vmem_shared>>
      tpu.enqueue_dma source(%arg5 : memref<128x16xf32, #tpu.memory_space<vmem>>) target(%dma_start3A_47 : memref<128x16xf32, #tpu.memory_space<vmem_shared>>) target_semaphore(%run_scoped3A : memref<!tpu.dma_semaphore, #tpu.memory_space<semaphore_mem>>)
      %dma_wait3A = arith.constant 0 : i32
      %dma_wait3A_48 = tpu.memref_slice %arg6[%add3A_10, %dma_wait3A] : memref<10240x16xf32, #tpu.memory_space<vmem_shared>> -> memref<128x16xf32, #tpu.memory_space<vmem_shared>>
      %dma_wait3A_49 = arith.constant 0 : i32
      %dma_wait3A_50 = tpu.memref_slice %arg6[%add3A_10, %dma_wait3A_49] : memref<10240x16xf32, #tpu.memory_space<vmem_shared>> -> memref<128x16xf32, #tpu.memory_space<vmem_shared>>
      tpu.wait_dma2 semaphore(%run_scoped3A : memref<!tpu.dma_semaphore, #tpu.memory_space<semaphore_mem>>) src(%arg5 : memref<128x16xf32, #tpu.memory_space<vmem>>) dst(%dma_wait3A_50 : memref<128x16xf32, #tpu.memory_space<vmem_shared>>)
      tpu.yield
    }) : () -> ()
    %mul3A_11 = arith.constant 640 : i32
    %mul3A_12 = arith.muli %arg1, %mul3A_11 : i32
    %add3A_13 = arith.constant 128 : i32
    %add3A_14 = arith.addi %mul3A_12, %add3A_13 : i32
    "tpu.region"() ({
      %run_scoped3A = tpu.sem_alloc : memref<!tpu.dma_semaphore, #tpu.memory_space<semaphore_mem>>
      %dma_start3A = arith.constant 0 : i32
      %dma_start3A_45 = tpu.memref_slice %arg6[%add3A_14, %dma_start3A] : memref<10240x16xf32, #tpu.memory_space<vmem_shared>> -> memref<128x16xf32, #tpu.memory_space<vmem_shared>>
      %dma_start3A_46 = arith.constant 0 : i32
      %dma_start3A_47 = tpu.memref_slice %arg6[%add3A_14, %dma_start3A_46] : memref<10240x16xf32, #tpu.memory_space<vmem_shared>> -> memref<128x16xf32, #tpu.memory_space<vmem_shared>>
      tpu.enqueue_dma source(%arg5 : memref<128x16xf32, #tpu.memory_space<vmem>>) target(%dma_start3A_47 : memref<128x16xf32, #tpu.memory_space<vmem_shared>>) target_semaphore(%run_scoped3A : memref<!tpu.dma_semaphore, #tpu.memory_space<semaphore_mem>>)
      %dma_wait3A = arith.constant 0 : i32
      %dma_wait3A_48 = tpu.memref_slice %arg6[%add3A_14, %dma_wait3A] : memref<10240x16xf32, #tpu.memory_space<vmem_shared>> -> memref<128x16xf32, #tpu.memory_space<vmem_shared>>
      %dma_wait3A_49 = arith.constant 0 : i32
      %dma_wait3A_50 = tpu.memref_slice %arg6[%add3A_14, %dma_wait3A_49] : memref<10240x16xf32, #tpu.memory_space<vmem_shared>> -> memref<128x16xf32, #tpu.memory_space<vmem_shared>>
      tpu.wait_dma2 semaphore(%run_scoped3A : memref<!tpu.dma_semaphore, #tpu.memory_space<semaphore_mem>>) src(%arg5 : memref<128x16xf32, #tpu.memory_space<vmem>>) dst(%dma_wait3A_50 : memref<128x16xf32, #tpu.memory_space<vmem_shared>>)
      tpu.yield
    }) : () -> ()
    %mul3A_15 = arith.constant 640 : i32
    %mul3A_16 = arith.muli %arg1, %mul3A_15 : i32
    %add3A_17 = arith.constant 256 : i32
    %add3A_18 = arith.addi %mul3A_16, %add3A_17 : i32
    "tpu.region"() ({
      %run_scoped3A = tpu.sem_alloc : memref<!tpu.dma_semaphore, #tpu.memory_space<semaphore_mem>>
      %dma_start3A = arith.constant 0 : i32
      %dma_start3A_45 = tpu.memref_slice %arg6[%add3A_18, %dma_start3A] : memref<10240x16xf32, #tpu.memory_space<vmem_shared>> -> memref<128x16xf32, #tpu.memory_space<vmem_shared>>
      %dma_start3A_46 = arith.constant 0 : i32
      %dma_start3A_47 = tpu.memref_slice %arg6[%add3A_18, %dma_start3A_46] : memref<10240x16xf32, #tpu.memory_space<vmem_shared>> -> memref<128x16xf32, #tpu.memory_space<vmem_shared>>
      tpu.enqueue_dma source(%arg5 : memref<128x16xf32, #tpu.memory_space<vmem>>) target(%dma_start3A_47 : memref<128x16xf32, #tpu.memory_space<vmem_shared>>) target_semaphore(%run_scoped3A : memref<!tpu.dma_semaphore, #tpu.memory_space<semaphore_mem>>)
      %dma_wait3A = arith.constant 0 : i32
      %dma_wait3A_48 = tpu.memref_slice %arg6[%add3A_18, %dma_wait3A] : memref<10240x16xf32, #tpu.memory_space<vmem_shared>> -> memref<128x16xf32, #tpu.memory_space<vmem_shared>>
      %dma_wait3A_49 = arith.constant 0 : i32
      %dma_wait3A_50 = tpu.memref_slice %arg6[%add3A_18, %dma_wait3A_49] : memref<10240x16xf32, #tpu.memory_space<vmem_shared>> -> memref<128x16xf32, #tpu.memory_space<vmem_shared>>
      tpu.wait_dma2 semaphore(%run_scoped3A : memref<!tpu.dma_semaphore, #tpu.memory_space<semaphore_mem>>) src(%arg5 : memref<128x16xf32, #tpu.memory_space<vmem>>) dst(%dma_wait3A_50 : memref<128x16xf32, #tpu.memory_space<vmem_shared>>)
      tpu.yield
    }) : () -> ()
    %mul3A_19 = arith.constant 640 : i32
    %mul3A_20 = arith.muli %arg1, %mul3A_19 : i32
    %add3A_21 = arith.constant 384 : i32
    %add3A_22 = arith.addi %mul3A_20, %add3A_21 : i32
    "tpu.region"() ({
      %run_scoped3A = tpu.sem_alloc : memref<!tpu.dma_semaphore, #tpu.memory_space<semaphore_mem>>
      %dma_start3A = arith.constant 0 : i32
      %dma_start3A_45 = tpu.memref_slice %arg6[%add3A_22, %dma_start3A] : memref<10240x16xf32, #tpu.memory_space<vmem_shared>> -> memref<128x16xf32, #tpu.memory_space<vmem_shared>>
      %dma_start3A_46 = arith.constant 0 : i32
      %dma_start3A_47 = tpu.memref_slice %arg6[%add3A_22, %dma_start3A_46] : memref<10240x16xf32, #tpu.memory_space<vmem_shared>> -> memref<128x16xf32, #tpu.memory_space<vmem_shared>>
      tpu.enqueue_dma source(%arg5 : memref<128x16xf32, #tpu.memory_space<vmem>>) target(%dma_start3A_47 : memref<128x16xf32, #tpu.memory_space<vmem_shared>>) target_semaphore(%run_scoped3A : memref<!tpu.dma_semaphore, #tpu.memory_space<semaphore_mem>>)
      %dma_wait3A = arith.constant 0 : i32
      %dma_wait3A_48 = tpu.memref_slice %arg6[%add3A_22, %dma_wait3A] : memref<10240x16xf32, #tpu.memory_space<vmem_shared>> -> memref<128x16xf32, #tpu.memory_space<vmem_shared>>
      %dma_wait3A_49 = arith.constant 0 : i32
      %dma_wait3A_50 = tpu.memref_slice %arg6[%add3A_22, %dma_wait3A_49] : memref<10240x16xf32, #tpu.memory_space<vmem_shared>> -> memref<128x16xf32, #tpu.memory_space<vmem_shared>>
      tpu.wait_dma2 semaphore(%run_scoped3A : memref<!tpu.dma_semaphore, #tpu.memory_space<semaphore_mem>>) src(%arg5 : memref<128x16xf32, #tpu.memory_space<vmem>>) dst(%dma_wait3A_50 : memref<128x16xf32, #tpu.memory_space<vmem_shared>>)
      tpu.yield
    }) : () -> ()
    %mul3A_23 = arith.constant 640 : i32
    %mul3A_24 = arith.muli %arg1, %mul3A_23 : i32
    %add3A_25 = arith.constant 512 : i32
    %add3A_26 = arith.addi %mul3A_24, %add3A_25 : i32
    "tpu.region"() ({
      %run_scoped3A = tpu.sem_alloc : memref<!tpu.dma_semaphore, #tpu.memory_space<semaphore_mem>>
      %dma_start3A = arith.constant 0 : i32
      %dma_start3A_45 = tpu.memref_slice %arg6[%add3A_26, %dma_start3A] : memref<10240x16xf32, #tpu.memory_space<vmem_shared>> -> memref<128x16xf32, #tpu.memory_space<vmem_shared>>
      %dma_start3A_46 = arith.constant 0 : i32
      %dma_start3A_47 = tpu.memref_slice %arg6[%add3A_26, %dma_start3A_46] : memref<10240x16xf32, #tpu.memory_space<vmem_shared>> -> memref<128x16xf32, #tpu.memory_space<vmem_shared>>
      tpu.enqueue_dma source(%arg5 : memref<128x16xf32, #tpu.memory_space<vmem>>) target(%dma_start3A_47 : memref<128x16xf32, #tpu.memory_space<vmem_shared>>) target_semaphore(%run_scoped3A : memref<!tpu.dma_semaphore, #tpu.memory_space<semaphore_mem>>)
      %dma_wait3A = arith.constant 0 : i32
      %dma_wait3A_48 = tpu.memref_slice %arg6[%add3A_26, %dma_wait3A] : memref<10240x16xf32, #tpu.memory_space<vmem_shared>> -> memref<128x16xf32, #tpu.memory_space<vmem_shared>>
      %dma_wait3A_49 = arith.constant 0 : i32
      %dma_wait3A_50 = tpu.memref_slice %arg6[%add3A_26, %dma_wait3A_49] : memref<10240x16xf32, #tpu.memory_space<vmem_shared>> -> memref<128x16xf32, #tpu.memory_space<vmem_shared>>
      tpu.wait_dma2 semaphore(%run_scoped3A : memref<!tpu.dma_semaphore, #tpu.memory_space<semaphore_mem>>) src(%arg5 : memref<128x16xf32, #tpu.memory_space<vmem>>) dst(%dma_wait3A_50 : memref<128x16xf32, #tpu.memory_space<vmem_shared>>)
      tpu.yield
    }) : () -> ()
    %scan3A_27 = arith.constant 0 : i32
    %scan3A_28 = arith.constant 128 : i32
    %scan3A_29 = arith.addi %scan3A_27, %scan3A_28 : i32
    %scan3A_30 = arith.constant 1 : i32
    scf.for %scan3A_45 = %scan3A_27 to %scan3A_29 step %scan3A_30  : i32 {
      %broadcast_in_dim3A = arith.constant 1.000000e+00 : f32
      %broadcast_in_dim3A_46 = vector.broadcast %broadcast_in_dim3A : f32 to vector<16xf32>
      %swap3A = arith.index_cast %scan3A_45 : i32 to index
      %swap3A_47 = arith.constant 0 : index
      %swap3A_48 = tpu.vector_load %arg5[%swap3A, %swap3A_47] {strides = array<i32>} : memref<128x16xf32, #tpu.memory_space<vmem>>, vector<1x16xf32>,
      %swap3A_49 = vector.shape_cast %swap3A_48 : vector<1x16xf32> to vector<16xf32>
      %swap3A_50 = vector.shape_cast %broadcast_in_dim3A_46 : vector<16xf32> to vector<1x16xf32>
      tpu.vector_store %arg5[%swap3A, %swap3A_47], %swap3A_50 {strides = array<i32>} : memref<128x16xf32, #tpu.memory_space<vmem>>, vector<1x16xf32>,
    }
    %scan3A_31 = arith.constant 128 : i32
    %barrier3A = arith.constant 0 : index
    tpu.barrier barrier_id(%barrier3A)
    %scan3A_32 = arith.constant 0 : i32
    %scan3A_33 = arith.constant 80 : i32
    %scan3A_34 = arith.addi %scan3A_32, %scan3A_33 : i32
    %scan3A_35 = arith.constant 1 : i32
    scf.for %scan3A_45 = %scan3A_32 to %scan3A_34 step %scan3A_35  : i32 {
      "tpu.region"() ({
        %run_scoped3A = tpu.sem_alloc : memref<!tpu.dma_semaphore, #tpu.memory_space<semaphore_mem>>
        %dma_start3A = arith.constant 0 : i32
        %dma_start3A_46 = tpu.memref_slice %arg4[%scan3A_45, %dma_start3A] : memref<80x128xi32, #tpu.memory_space<vmem>> -> memref<1x128xi32, #tpu.memory_space<vmem>>
        %dma_start3A_47 = tpu.memref_squeeze %dma_start3A_46 : memref<1x128xi32, #tpu.memory_space<vmem>> -> memref<128xi32, #tpu.memory_space<vmem>>
        %dma_start3A_48 = arith.constant 0 : i32
        %dma_start3A_49 = arith.constant 0 : i32
        %dma_start3A_50 = tpu.memref_slice %arg6[%dma_start3A_48, %dma_start3A_49] : memref<10240x16xf32, #tpu.memory_space<vmem_shared>> -> memref<10240x16xf32, #tpu.memory_space<vmem_shared>>
        tpu.enqueue_indirect_dma source(%arg5 : memref<128x16xf32, #tpu.memory_space<vmem>>) target(%dma_start3A_50 : memref<10240x16xf32, #tpu.memory_space<vmem_shared>>) offsets(%dma_start3A_47 : memref<128xi32, #tpu.memory_space<vmem>>) semaphore(%run_scoped3A : memref<!tpu.dma_semaphore, #tpu.memory_space<semaphore_mem>>) {add = true}
        %dma_wait3A = arith.constant 0 : i32
        %dma_wait3A_51 = tpu.memref_slice %arg4[%scan3A_45, %dma_wait3A] : memref<80x128xi32, #tpu.memory_space<vmem>> -> memref<1x128xi32, #tpu.memory_space<vmem>>
        %dma_wait3A_52 = tpu.memref_squeeze %dma_wait3A_51 : memref<1x128xi32, #tpu.memory_space<vmem>> -> memref<128xi32, #tpu.memory_space<vmem>>
        %dma_wait3A_53 = arith.constant 0 : i32
        %dma_wait3A_54 = arith.constant 0 : i32
        %dma_wait3A_55 = tpu.memref_slice %arg6[%dma_wait3A_53, %dma_wait3A_54] : memref<10240x16xf32, #tpu.memory_space<vmem_shared>> -> memref<10240x16xf32, #tpu.memory_space<vmem_shared>>
        tpu.wait_indirect_dma semaphore(%run_scoped3A : memref<!tpu.dma_semaphore, #tpu.memory_space<semaphore_mem>>) src(%arg5 : memref<128x16xf32, #tpu.memory_space<vmem>>) dst(%dma_wait3A_55 : memref<10240x16xf32, #tpu.memory_space<vmem_shared>>)
        tpu.yield
      }) : () -> ()
    }
    %scan3A_36 = arith.constant 80 : i32
    %barrier3A_37 = arith.constant 0 : index
    tpu.barrier barrier_id(%barrier3A_37)
    %mul3A_38 = arith.constant 640 : i32
    %mul3A_39 = arith.muli %arg1, %mul3A_38 : i32
    %mul3A_40 = arith.constant 10240 : i32
    %mul3A_41 = arith.muli %arg0, %mul3A_40 : i32
    %mul3A_42 = arith.constant 640 : i32
    %mul3A_43 = arith.muli %arg1, %mul3A_42 : i32
    %add3A_44 = arith.addi %mul3A_41, %mul3A_43 : i32
    "tpu.region"() ({
      %run_scoped3A = tpu.sem_alloc : memref<!tpu.dma_semaphore, #tpu.memory_space<semaphore_mem>>
      %dma_start3A = arith.constant 0 : i32
      %dma_start3A_45 = tpu.memref_slice %arg3[%add3A_44, %dma_start3A] : memref<20480x16xf32, #tpu.memory_space<hbm>> -> memref<640x16xf32, #tpu.memory_space<hbm>>
      %dma_start3A_46 = arith.constant 0 : i32
      %dma_start3A_47 = tpu.memref_slice %arg6[%mul3A_39, %dma_start3A_46] : memref<10240x16xf32, #tpu.memory_space<vmem_shared>> -> memref<640x16xf32, #tpu.memory_space<vmem_shared>>
      tpu.enqueue_dma source(%dma_start3A_47 : memref<640x16xf32, #tpu.memory_space<vmem_shared>>) target(%dma_start3A_45 : memref<640x16xf32, #tpu.memory_space<hbm>>) target_semaphore(%run_scoped3A : memref<!tpu.dma_semaphore, #tpu.memory_space<semaphore_mem>>)
      %dma_wait3A = arith.constant 0 : i32
      %dma_wait3A_48 = tpu.memref_slice %arg3[%add3A_44, %dma_wait3A] : memref<20480x16xf32, #tpu.memory_space<hbm>> -> memref<640x16xf32, #tpu.memory_space<hbm>>
      %dma_wait3A_49 = arith.constant 0 : i32
      %dma_wait3A_50 = tpu.memref_slice %arg6[%mul3A_39, %dma_wait3A_49] : memref<10240x16xf32, #tpu.memory_space<vmem_shared>> -> memref<640x16xf32, #tpu.memory_space<vmem_shared>>
      tpu.wait_dma2 semaphore(%run_scoped3A : memref<!tpu.dma_semaphore, #tpu.memory_space<semaphore_mem>>) src(%dma_wait3A_50 : memref<640x16xf32, #tpu.memory_space<vmem_shared>>) dst(%dma_wait3A_48 : memref<640x16xf32, #tpu.memory_space<hbm>>)
      tpu.yield
    }) : () -> ()
    return
  }
}

#map = affine_map<(d0, d1) -> (0, 0)>
module attributes {stable_mosaic.version = 14 : i64} {
  func.func @_agg_body(%arg0: i32, %arg1: i32, %arg2: memref<10000x128xf32, #tpu.memory_space<hbm>>, %arg3: memref<2560x128xi32, #tpu.memory_space<hbm>>, %arg4: memref<2560x128xi32, #tpu.memory_space<hbm>>, %arg5: memref<20480x128xf32, #tpu.memory_space<hbm>>, %arg6: memref<40x128xi32, #tpu.memory_space<vmem>>, %arg7: memref<40x128xi32, #tpu.memory_space<vmem>>, %arg8: memref<128x128xf32, #tpu.memory_space<vmem>>, %arg9: memref<128x128xf32, #tpu.memory_space<vmem>>, %arg10: memref<10240x128xf32, #tpu.memory_space<vmem_shared>>, %arg11: memref<!tpu.dma_semaphore, #tpu.memory_space<semaphore_mem>>, %arg12: memref<!tpu.dma_semaphore, #tpu.memory_space<semaphore_mem>>) attributes {dimension_semantics = [#tpu.dimension_semantics<core_parallel>, #tpu.dimension_semantics<subcore_parallel>], iteration_bounds = array<i64: 2, 16>, scalar_prefetch = 0 : i64, scratch_operands = 7 : i64, tpu.core_type = #tpu.core_type<sc_vector_subcore>, window_params = [{transform_indices = #map}, {transform_indices = #map}, {transform_indices = #map}, {transform_indices = #map}]} {
    %mul3A = arith.constant 16 : i32
    %mul3A_0 = arith.muli %arg0, %mul3A : i32
    %add3A = arith.addi %mul3A_0, %arg1 : i32
    %scan3A = arith.constant 0 : i32
    %scan3A_1 = arith.constant 128 : i32
    %scan3A_2 = arith.addi %scan3A, %scan3A_1 : i32
    %scan3A_3 = arith.constant 1 : i32
    scf.for %scan3A_64 = %scan3A to %scan3A_2 step %scan3A_3  : i32 {
      %broadcast_in_dim3A = arith.constant 0.000000e+00 : f32
      %broadcast_in_dim3A_65 = vector.broadcast %broadcast_in_dim3A : f32 to vector<16xf32>
      %swap3A = arith.index_cast %scan3A_64 : i32 to index
      %swap3A_66 = arith.constant 0 : index
      %swap3A_67 = tpu.vector_load %arg8[%swap3A, %swap3A_66] {strides = array<i32>} : memref<128x128xf32, #tpu.memory_space<vmem>>, vector<1x16xf32>,
      %swap3A_68 = vector.shape_cast %swap3A_67 : vector<1x16xf32> to vector<16xf32>
      %swap3A_69 = vector.shape_cast %broadcast_in_dim3A_65 : vector<16xf32> to vector<1x16xf32>
      tpu.vector_store %arg8[%swap3A, %swap3A_66], %swap3A_69 {strides = array<i32>} : memref<128x128xf32, #tpu.memory_space<vmem>>, vector<1x16xf32>,
      %broadcast_in_dim3A_70 = arith.constant 0.000000e+00 : f32
      %broadcast_in_dim3A_71 = vector.broadcast %broadcast_in_dim3A_70 : f32 to vector<16xf32>
      %swap3A_72 = arith.index_cast %scan3A_64 : i32 to index
      %swap3A_73 = arith.constant 16 : index
      %swap3A_74 = tpu.vector_load %arg8[%swap3A_72, %swap3A_73] {strides = array<i32>} : memref<128x128xf32, #tpu.memory_space<vmem>>, vector<1x16xf32>,
      %swap3A_75 = vector.shape_cast %swap3A_74 : vector<1x16xf32> to vector<16xf32>
      %swap3A_76 = vector.shape_cast %broadcast_in_dim3A_71 : vector<16xf32> to vector<1x16xf32>
      tpu.vector_store %arg8[%swap3A_72, %swap3A_73], %swap3A_76 {strides = array<i32>} : memref<128x128xf32, #tpu.memory_space<vmem>>, vector<1x16xf32>,
      %broadcast_in_dim3A_77 = arith.constant 0.000000e+00 : f32
      %broadcast_in_dim3A_78 = vector.broadcast %broadcast_in_dim3A_77 : f32 to vector<16xf32>
      %swap3A_79 = arith.index_cast %scan3A_64 : i32 to index
      %swap3A_80 = arith.constant 32 : index
      %swap3A_81 = tpu.vector_load %arg8[%swap3A_79, %swap3A_80] {strides = array<i32>} : memref<128x128xf32, #tpu.memory_space<vmem>>, vector<1x16xf32>,
      %swap3A_82 = vector.shape_cast %swap3A_81 : vector<1x16xf32> to vector<16xf32>
      %swap3A_83 = vector.shape_cast %broadcast_in_dim3A_78 : vector<16xf32> to vector<1x16xf32>
      tpu.vector_store %arg8[%swap3A_79, %swap3A_80], %swap3A_83 {strides = array<i32>} : memref<128x128xf32, #tpu.memory_space<vmem>>, vector<1x16xf32>,
      %broadcast_in_dim3A_84 = arith.constant 0.000000e+00 : f32
      %broadcast_in_dim3A_85 = vector.broadcast %broadcast_in_dim3A_84 : f32 to vector<16xf32>
      %swap3A_86 = arith.index_cast %scan3A_64 : i32 to index
      %swap3A_87 = arith.constant 48 : index
      %swap3A_88 = tpu.vector_load %arg8[%swap3A_86, %swap3A_87] {strides = array<i32>} : memref<128x128xf32, #tpu.memory_space<vmem>>, vector<1x16xf32>,
      %swap3A_89 = vector.shape_cast %swap3A_88 : vector<1x16xf32> to vector<16xf32>
      %swap3A_90 = vector.shape_cast %broadcast_in_dim3A_85 : vector<16xf32> to vector<1x16xf32>
      tpu.vector_store %arg8[%swap3A_86, %swap3A_87], %swap3A_90 {strides = array<i32>} : memref<128x128xf32, #tpu.memory_space<vmem>>, vector<1x16xf32>,
      %broadcast_in_dim3A_91 = arith.constant 0.000000e+00 : f32
      %broadcast_in_dim3A_92 = vector.broadcast %broadcast_in_dim3A_91 : f32 to vector<16xf32>
      %swap3A_93 = arith.index_cast %scan3A_64 : i32 to index
      %swap3A_94 = arith.constant 64 : index
      %swap3A_95 = tpu.vector_load %arg8[%swap3A_93, %swap3A_94] {strides = array<i32>} : memref<128x128xf32, #tpu.memory_space<vmem>>, vector<1x16xf32>,
      %swap3A_96 = vector.shape_cast %swap3A_95 : vector<1x16xf32> to vector<16xf32>
      %swap3A_97 = vector.shape_cast %broadcast_in_dim3A_92 : vector<16xf32> to vector<1x16xf32>
      tpu.vector_store %arg8[%swap3A_93, %swap3A_94], %swap3A_97 {strides = array<i32>} : memref<128x128xf32, #tpu.memory_space<vmem>>, vector<1x16xf32>,
      %broadcast_in_dim3A_98 = arith.constant 0.000000e+00 : f32
      %broadcast_in_dim3A_99 = vector.broadcast %broadcast_in_dim3A_98 : f32 to vector<16xf32>
      %swap3A_100 = arith.index_cast %scan3A_64 : i32 to index
      %swap3A_101 = arith.constant 80 : index
      %swap3A_102 = tpu.vector_load %arg8[%swap3A_100, %swap3A_101] {strides = array<i32>} : memref<128x128xf32, #tpu.memory_space<vmem>>, vector<1x16xf32>,
      %swap3A_103 = vector.shape_cast %swap3A_102 : vector<1x16xf32> to vector<16xf32>
      %swap3A_104 = vector.shape_cast %broadcast_in_dim3A_99 : vector<16xf32> to vector<1x16xf32>
      tpu.vector_store %arg8[%swap3A_100, %swap3A_101], %swap3A_104 {strides = array<i32>} : memref<128x128xf32, #tpu.memory_space<vmem>>, vector<1x16xf32>,
      %broadcast_in_dim3A_105 = arith.constant 0.000000e+00 : f32
      %broadcast_in_dim3A_106 = vector.broadcast %broadcast_in_dim3A_105 : f32 to vector<16xf32>
      %swap3A_107 = arith.index_cast %scan3A_64 : i32 to index
      %swap3A_108 = arith.constant 96 : index
      %swap3A_109 = tpu.vector_load %arg8[%swap3A_107, %swap3A_108] {strides = array<i32>} : memref<128x128xf32, #tpu.memory_space<vmem>>, vector<1x16xf32>,
      %swap3A_110 = vector.shape_cast %swap3A_109 : vector<1x16xf32> to vector<16xf32>
      %swap3A_111 = vector.shape_cast %broadcast_in_dim3A_106 : vector<16xf32> to vector<1x16xf32>
      tpu.vector_store %arg8[%swap3A_107, %swap3A_108], %swap3A_111 {strides = array<i32>} : memref<128x128xf32, #tpu.memory_space<vmem>>, vector<1x16xf32>,
      %broadcast_in_dim3A_112 = arith.constant 0.000000e+00 : f32
      %broadcast_in_dim3A_113 = vector.broadcast %broadcast_in_dim3A_112 : f32 to vector<16xf32>
      %swap3A_114 = arith.index_cast %scan3A_64 : i32 to index
      %swap3A_115 = arith.constant 112 : index
      %swap3A_116 = tpu.vector_load %arg8[%swap3A_114, %swap3A_115] {strides = array<i32>} : memref<128x128xf32, #tpu.memory_space<vmem>>, vector<1x16xf32>,
      %swap3A_117 = vector.shape_cast %swap3A_116 : vector<1x16xf32> to vector<16xf32>
      %swap3A_118 = vector.shape_cast %broadcast_in_dim3A_113 : vector<16xf32> to vector<1x16xf32>
      tpu.vector_store %arg8[%swap3A_114, %swap3A_115], %swap3A_118 {strides = array<i32>} : memref<128x128xf32, #tpu.memory_space<vmem>>, vector<1x16xf32>,
    }
    %scan3A_4 = arith.constant 128 : i32
    %mul3A_5 = arith.constant 640 : i32
    %mul3A_6 = arith.muli %arg1, %mul3A_5 : i32
    %add3A_7 = arith.constant 0 : i32
    %add3A_8 = arith.addi %mul3A_6, %add3A_7 : i32
    "tpu.region"() ({
      %run_scoped3A = tpu.sem_alloc : memref<!tpu.dma_semaphore, #tpu.memory_space<semaphore_mem>>
      %dma_start3A_64 = arith.constant 0 : i32
      %dma_start3A_65 = tpu.memref_slice %arg10[%add3A_8, %dma_start3A_64] : memref<10240x128xf32, #tpu.memory_space<vmem_shared>> -> memref<128x128xf32, #tpu.memory_space<vmem_shared>>
      %dma_start3A_66 = arith.constant 0 : i32
      %dma_start3A_67 = tpu.memref_slice %arg10[%add3A_8, %dma_start3A_66] : memref<10240x128xf32, #tpu.memory_space<vmem_shared>> -> memref<128x128xf32, #tpu.memory_space<vmem_shared>>
      tpu.enqueue_dma source(%arg8 : memref<128x128xf32, #tpu.memory_space<vmem>>) target(%dma_start3A_67 : memref<128x128xf32, #tpu.memory_space<vmem_shared>>) target_semaphore(%run_scoped3A : memref<!tpu.dma_semaphore, #tpu.memory_space<semaphore_mem>>)
      %dma_wait3A = arith.constant 0 : i32
      %dma_wait3A_68 = tpu.memref_slice %arg10[%add3A_8, %dma_wait3A] : memref<10240x128xf32, #tpu.memory_space<vmem_shared>> -> memref<128x128xf32, #tpu.memory_space<vmem_shared>>
      %dma_wait3A_69 = arith.constant 0 : i32
      %dma_wait3A_70 = tpu.memref_slice %arg10[%add3A_8, %dma_wait3A_69] : memref<10240x128xf32, #tpu.memory_space<vmem_shared>> -> memref<128x128xf32, #tpu.memory_space<vmem_shared>>
      tpu.wait_dma2 semaphore(%run_scoped3A : memref<!tpu.dma_semaphore, #tpu.memory_space<semaphore_mem>>) src(%arg8 : memref<128x128xf32, #tpu.memory_space<vmem>>) dst(%dma_wait3A_70 : memref<128x128xf32, #tpu.memory_space<vmem_shared>>)
      tpu.yield
    }) : () -> ()
    %mul3A_9 = arith.constant 640 : i32
    %mul3A_10 = arith.muli %arg1, %mul3A_9 : i32
    %add3A_11 = arith.constant 128 : i32
    %add3A_12 = arith.addi %mul3A_10, %add3A_11 : i32
    "tpu.region"() ({
      %run_scoped3A = tpu.sem_alloc : memref<!tpu.dma_semaphore, #tpu.memory_space<semaphore_mem>>
      %dma_start3A_64 = arith.constant 0 : i32
      %dma_start3A_65 = tpu.memref_slice %arg10[%add3A_12, %dma_start3A_64] : memref<10240x128xf32, #tpu.memory_space<vmem_shared>> -> memref<128x128xf32, #tpu.memory_space<vmem_shared>>
      %dma_start3A_66 = arith.constant 0 : i32
      %dma_start3A_67 = tpu.memref_slice %arg10[%add3A_12, %dma_start3A_66] : memref<10240x128xf32, #tpu.memory_space<vmem_shared>> -> memref<128x128xf32, #tpu.memory_space<vmem_shared>>
      tpu.enqueue_dma source(%arg8 : memref<128x128xf32, #tpu.memory_space<vmem>>) target(%dma_start3A_67 : memref<128x128xf32, #tpu.memory_space<vmem_shared>>) target_semaphore(%run_scoped3A : memref<!tpu.dma_semaphore, #tpu.memory_space<semaphore_mem>>)
      %dma_wait3A = arith.constant 0 : i32
      %dma_wait3A_68 = tpu.memref_slice %arg10[%add3A_12, %dma_wait3A] : memref<10240x128xf32, #tpu.memory_space<vmem_shared>> -> memref<128x128xf32, #tpu.memory_space<vmem_shared>>
      %dma_wait3A_69 = arith.constant 0 : i32
      %dma_wait3A_70 = tpu.memref_slice %arg10[%add3A_12, %dma_wait3A_69] : memref<10240x128xf32, #tpu.memory_space<vmem_shared>> -> memref<128x128xf32, #tpu.memory_space<vmem_shared>>
      tpu.wait_dma2 semaphore(%run_scoped3A : memref<!tpu.dma_semaphore, #tpu.memory_space<semaphore_mem>>) src(%arg8 : memref<128x128xf32, #tpu.memory_space<vmem>>) dst(%dma_wait3A_70 : memref<128x128xf32, #tpu.memory_space<vmem_shared>>)
      tpu.yield
    }) : () -> ()
    %mul3A_13 = arith.constant 640 : i32
    %mul3A_14 = arith.muli %arg1, %mul3A_13 : i32
    %add3A_15 = arith.constant 256 : i32
    %add3A_16 = arith.addi %mul3A_14, %add3A_15 : i32
    "tpu.region"() ({
      %run_scoped3A = tpu.sem_alloc : memref<!tpu.dma_semaphore, #tpu.memory_space<semaphore_mem>>
      %dma_start3A_64 = arith.constant 0 : i32
      %dma_start3A_65 = tpu.memref_slice %arg10[%add3A_16, %dma_start3A_64] : memref<10240x128xf32, #tpu.memory_space<vmem_shared>> -> memref<128x128xf32, #tpu.memory_space<vmem_shared>>
      %dma_start3A_66 = arith.constant 0 : i32
      %dma_start3A_67 = tpu.memref_slice %arg10[%add3A_16, %dma_start3A_66] : memref<10240x128xf32, #tpu.memory_space<vmem_shared>> -> memref<128x128xf32, #tpu.memory_space<vmem_shared>>
      tpu.enqueue_dma source(%arg8 : memref<128x128xf32, #tpu.memory_space<vmem>>) target(%dma_start3A_67 : memref<128x128xf32, #tpu.memory_space<vmem_shared>>) target_semaphore(%run_scoped3A : memref<!tpu.dma_semaphore, #tpu.memory_space<semaphore_mem>>)
      %dma_wait3A = arith.constant 0 : i32
      %dma_wait3A_68 = tpu.memref_slice %arg10[%add3A_16, %dma_wait3A] : memref<10240x128xf32, #tpu.memory_space<vmem_shared>> -> memref<128x128xf32, #tpu.memory_space<vmem_shared>>
      %dma_wait3A_69 = arith.constant 0 : i32
      %dma_wait3A_70 = tpu.memref_slice %arg10[%add3A_16, %dma_wait3A_69] : memref<10240x128xf32, #tpu.memory_space<vmem_shared>> -> memref<128x128xf32, #tpu.memory_space<vmem_shared>>
      tpu.wait_dma2 semaphore(%run_scoped3A : memref<!tpu.dma_semaphore, #tpu.memory_space<semaphore_mem>>) src(%arg8 : memref<128x128xf32, #tpu.memory_space<vmem>>) dst(%dma_wait3A_70 : memref<128x128xf32, #tpu.memory_space<vmem_shared>>)
      tpu.yield
    }) : () -> ()
    %mul3A_17 = arith.constant 640 : i32
    %mul3A_18 = arith.muli %arg1, %mul3A_17 : i32
    %add3A_19 = arith.constant 384 : i32
    %add3A_20 = arith.addi %mul3A_18, %add3A_19 : i32
    "tpu.region"() ({
      %run_scoped3A = tpu.sem_alloc : memref<!tpu.dma_semaphore, #tpu.memory_space<semaphore_mem>>
      %dma_start3A_64 = arith.constant 0 : i32
      %dma_start3A_65 = tpu.memref_slice %arg10[%add3A_20, %dma_start3A_64] : memref<10240x128xf32, #tpu.memory_space<vmem_shared>> -> memref<128x128xf32, #tpu.memory_space<vmem_shared>>
      %dma_start3A_66 = arith.constant 0 : i32
      %dma_start3A_67 = tpu.memref_slice %arg10[%add3A_20, %dma_start3A_66] : memref<10240x128xf32, #tpu.memory_space<vmem_shared>> -> memref<128x128xf32, #tpu.memory_space<vmem_shared>>
      tpu.enqueue_dma source(%arg8 : memref<128x128xf32, #tpu.memory_space<vmem>>) target(%dma_start3A_67 : memref<128x128xf32, #tpu.memory_space<vmem_shared>>) target_semaphore(%run_scoped3A : memref<!tpu.dma_semaphore, #tpu.memory_space<semaphore_mem>>)
      %dma_wait3A = arith.constant 0 : i32
      %dma_wait3A_68 = tpu.memref_slice %arg10[%add3A_20, %dma_wait3A] : memref<10240x128xf32, #tpu.memory_space<vmem_shared>> -> memref<128x128xf32, #tpu.memory_space<vmem_shared>>
      %dma_wait3A_69 = arith.constant 0 : i32
      %dma_wait3A_70 = tpu.memref_slice %arg10[%add3A_20, %dma_wait3A_69] : memref<10240x128xf32, #tpu.memory_space<vmem_shared>> -> memref<128x128xf32, #tpu.memory_space<vmem_shared>>
      tpu.wait_dma2 semaphore(%run_scoped3A : memref<!tpu.dma_semaphore, #tpu.memory_space<semaphore_mem>>) src(%arg8 : memref<128x128xf32, #tpu.memory_space<vmem>>) dst(%dma_wait3A_70 : memref<128x128xf32, #tpu.memory_space<vmem_shared>>)
      tpu.yield
    }) : () -> ()
    %mul3A_21 = arith.constant 640 : i32
    %mul3A_22 = arith.muli %arg1, %mul3A_21 : i32
    %add3A_23 = arith.constant 512 : i32
    %add3A_24 = arith.addi %mul3A_22, %add3A_23 : i32
    "tpu.region"() ({
      %run_scoped3A = tpu.sem_alloc : memref<!tpu.dma_semaphore, #tpu.memory_space<semaphore_mem>>
      %dma_start3A_64 = arith.constant 0 : i32
      %dma_start3A_65 = tpu.memref_slice %arg10[%add3A_24, %dma_start3A_64] : memref<10240x128xf32, #tpu.memory_space<vmem_shared>> -> memref<128x128xf32, #tpu.memory_space<vmem_shared>>
      %dma_start3A_66 = arith.constant 0 : i32
      %dma_start3A_67 = tpu.memref_slice %arg10[%add3A_24, %dma_start3A_66] : memref<10240x128xf32, #tpu.memory_space<vmem_shared>> -> memref<128x128xf32, #tpu.memory_space<vmem_shared>>
      tpu.enqueue_dma source(%arg8 : memref<128x128xf32, #tpu.memory_space<vmem>>) target(%dma_start3A_67 : memref<128x128xf32, #tpu.memory_space<vmem_shared>>) target_semaphore(%run_scoped3A : memref<!tpu.dma_semaphore, #tpu.memory_space<semaphore_mem>>)
      %dma_wait3A = arith.constant 0 : i32
      %dma_wait3A_68 = tpu.memref_slice %arg10[%add3A_24, %dma_wait3A] : memref<10240x128xf32, #tpu.memory_space<vmem_shared>> -> memref<128x128xf32, #tpu.memory_space<vmem_shared>>
      %dma_wait3A_69 = arith.constant 0 : i32
      %dma_wait3A_70 = tpu.memref_slice %arg10[%add3A_24, %dma_wait3A_69] : memref<10240x128xf32, #tpu.memory_space<vmem_shared>> -> memref<128x128xf32, #tpu.memory_space<vmem_shared>>
      tpu.wait_dma2 semaphore(%run_scoped3A : memref<!tpu.dma_semaphore, #tpu.memory_space<semaphore_mem>>) src(%arg8 : memref<128x128xf32, #tpu.memory_space<vmem>>) dst(%dma_wait3A_70 : memref<128x128xf32, #tpu.memory_space<vmem_shared>>)
      tpu.yield
    }) : () -> ()
    %barrier3A = arith.constant 0 : index
    tpu.barrier barrier_id(%barrier3A)
    %mul3A_25 = arith.constant 80 : i32
    %mul3A_26 = arith.muli %add3A, %mul3A_25 : i32
    %add3A_27 = arith.constant 0 : i32
    %add3A_28 = arith.addi %mul3A_26, %add3A_27 : i32
    "tpu.region"() ({
      %run_scoped3A = tpu.sem_alloc : memref<!tpu.dma_semaphore, #tpu.memory_space<semaphore_mem>>
      %dma_start3A_64 = arith.constant 0 : i32
      %dma_start3A_65 = tpu.memref_slice %arg3[%add3A_28, %dma_start3A_64] : memref<2560x128xi32, #tpu.memory_space<hbm>> -> memref<40x128xi32, #tpu.memory_space<hbm>>
      %dma_start3A_66 = arith.constant 0 : i32
      %dma_start3A_67 = tpu.memref_slice %arg3[%add3A_28, %dma_start3A_66] : memref<2560x128xi32, #tpu.memory_space<hbm>> -> memref<40x128xi32, #tpu.memory_space<hbm>>
      tpu.enqueue_dma source(%dma_start3A_67 : memref<40x128xi32, #tpu.memory_space<hbm>>) target(%arg6 : memref<40x128xi32, #tpu.memory_space<vmem>>) target_semaphore(%run_scoped3A : memref<!tpu.dma_semaphore, #tpu.memory_space<semaphore_mem>>)
      %dma_wait3A = arith.constant 0 : i32
      %dma_wait3A_68 = tpu.memref_slice %arg3[%add3A_28, %dma_wait3A] : memref<2560x128xi32, #tpu.memory_space<hbm>> -> memref<40x128xi32, #tpu.memory_space<hbm>>
      %dma_wait3A_69 = arith.constant 0 : i32
      %dma_wait3A_70 = tpu.memref_slice %arg3[%add3A_28, %dma_wait3A_69] : memref<2560x128xi32, #tpu.memory_space<hbm>> -> memref<40x128xi32, #tpu.memory_space<hbm>>
      tpu.wait_dma2 semaphore(%run_scoped3A : memref<!tpu.dma_semaphore, #tpu.memory_space<semaphore_mem>>) src(%dma_wait3A_70 : memref<40x128xi32, #tpu.memory_space<hbm>>) dst(%arg6 : memref<40x128xi32, #tpu.memory_space<vmem>>)
      tpu.yield
    }) : () -> ()
    "tpu.region"() ({
      %run_scoped3A = tpu.sem_alloc : memref<!tpu.dma_semaphore, #tpu.memory_space<semaphore_mem>>
      %dma_start3A_64 = arith.constant 0 : i32
      %dma_start3A_65 = tpu.memref_slice %arg4[%add3A_28, %dma_start3A_64] : memref<2560x128xi32, #tpu.memory_space<hbm>> -> memref<40x128xi32, #tpu.memory_space<hbm>>
      %dma_start3A_66 = arith.constant 0 : i32
      %dma_start3A_67 = tpu.memref_slice %arg4[%add3A_28, %dma_start3A_66] : memref<2560x128xi32, #tpu.memory_space<hbm>> -> memref<40x128xi32, #tpu.memory_space<hbm>>
      tpu.enqueue_dma source(%dma_start3A_67 : memref<40x128xi32, #tpu.memory_space<hbm>>) target(%arg7 : memref<40x128xi32, #tpu.memory_space<vmem>>) target_semaphore(%run_scoped3A : memref<!tpu.dma_semaphore, #tpu.memory_space<semaphore_mem>>)
      %dma_wait3A = arith.constant 0 : i32
      %dma_wait3A_68 = tpu.memref_slice %arg4[%add3A_28, %dma_wait3A] : memref<2560x128xi32, #tpu.memory_space<hbm>> -> memref<40x128xi32, #tpu.memory_space<hbm>>
      %dma_wait3A_69 = arith.constant 0 : i32
      %dma_wait3A_70 = tpu.memref_slice %arg4[%add3A_28, %dma_wait3A_69] : memref<2560x128xi32, #tpu.memory_space<hbm>> -> memref<40x128xi32, #tpu.memory_space<hbm>>
      tpu.wait_dma2 semaphore(%run_scoped3A : memref<!tpu.dma_semaphore, #tpu.memory_space<semaphore_mem>>) src(%dma_wait3A_70 : memref<40x128xi32, #tpu.memory_space<hbm>>) dst(%arg7 : memref<40x128xi32, #tpu.memory_space<vmem>>)
      tpu.yield
    }) : () -> ()
    %dma_start3A = arith.constant 0 : i32
    %dma_start3A_29 = arith.constant 0 : i32
    %dma_start3A_30 = tpu.memref_slice %arg6[%dma_start3A, %dma_start3A_29] : memref<40x128xi32, #tpu.memory_space<vmem>> -> memref<1x128xi32, #tpu.memory_space<vmem>>
    %dma_start3A_31 = tpu.memref_squeeze %dma_start3A_30 : memref<1x128xi32, #tpu.memory_space<vmem>> -> memref<128xi32, #tpu.memory_space<vmem>>
    %dma_start3A_32 = arith.constant 0 : i32
    %dma_start3A_33 = arith.constant 0 : i32
    %dma_start3A_34 = tpu.memref_slice %arg2[%dma_start3A_32, %dma_start3A_33] : memref<10000x128xf32, #tpu.memory_space<hbm>> -> memref<10000x128xf32, #tpu.memory_space<hbm>>
    tpu.enqueue_indirect_dma source(%dma_start3A_34 : memref<10000x128xf32, #tpu.memory_space<hbm>>) target(%arg8 : memref<128x128xf32, #tpu.memory_space<vmem>>) offsets(%dma_start3A_31 : memref<128xi32, #tpu.memory_space<vmem>>) semaphore(%arg11 : memref<!tpu.dma_semaphore, #tpu.memory_space<semaphore_mem>>)
    %scan3A_35 = arith.constant 0 : i32
    %scan3A_36 = arith.constant 20 : i32
    %scan3A_37 = arith.addi %scan3A_35, %scan3A_36 : i32
    %scan3A_38 = arith.constant 1 : i32
    scf.for %scan3A_64 = %scan3A_35 to %scan3A_37 step %scan3A_38  : i32 {
      %mul3A_65 = arith.constant 2 : i32
      %mul3A_66 = arith.muli %mul3A_65, %scan3A_64 : i32
      %add3A_67 = arith.constant 1 : i32
      %add3A_68 = arith.addi %mul3A_66, %add3A_67 : i32
      %dma_start3A_69 = arith.constant 0 : i32
      %dma_start3A_70 = tpu.memref_slice %arg6[%add3A_68, %dma_start3A_69] : memref<40x128xi32, #tpu.memory_space<vmem>> -> memref<1x128xi32, #tpu.memory_space<vmem>>
      %dma_start3A_71 = tpu.memref_squeeze %dma_start3A_70 : memref<1x128xi32, #tpu.memory_space<vmem>> -> memref<128xi32, #tpu.memory_space<vmem>>
      %dma_start3A_72 = arith.constant 0 : i32
      %dma_start3A_73 = arith.constant 0 : i32
      %dma_start3A_74 = tpu.memref_slice %arg2[%dma_start3A_72, %dma_start3A_73] : memref<10000x128xf32, #tpu.memory_space<hbm>> -> memref<10000x128xf32, #tpu.memory_space<hbm>>
      tpu.enqueue_indirect_dma source(%dma_start3A_74 : memref<10000x128xf32, #tpu.memory_space<hbm>>) target(%arg9 : memref<128x128xf32, #tpu.memory_space<vmem>>) offsets(%dma_start3A_71 : memref<128xi32, #tpu.memory_space<vmem>>) semaphore(%arg12 : memref<!tpu.dma_semaphore, #tpu.memory_space<semaphore_mem>>)
      %dma_wait3A = arith.constant 0 : i32
      %dma_wait3A_75 = arith.constant 0 : i32
      %dma_wait3A_76 = tpu.memref_slice %arg6[%dma_wait3A, %dma_wait3A_75] : memref<40x128xi32, #tpu.memory_space<vmem>> -> memref<1x128xi32, #tpu.memory_space<vmem>>
      %dma_wait3A_77 = tpu.memref_squeeze %dma_wait3A_76 : memref<1x128xi32, #tpu.memory_space<vmem>> -> memref<128xi32, #tpu.memory_space<vmem>>
      %dma_wait3A_78 = arith.constant 0 : i32
      %dma_wait3A_79 = arith.constant 0 : i32
      %dma_wait3A_80 = tpu.memref_slice %arg2[%dma_wait3A_78, %dma_wait3A_79] : memref<10000x128xf32, #tpu.memory_space<hbm>> -> memref<10000x128xf32, #tpu.memory_space<hbm>>
      tpu.wait_indirect_dma semaphore(%arg11 : memref<!tpu.dma_semaphore, #tpu.memory_space<semaphore_mem>>) src(%dma_wait3A_80 : memref<10000x128xf32, #tpu.memory_space<hbm>>) dst(%arg8 : memref<128x128xf32, #tpu.memory_space<vmem>>)
      "tpu.region"() ({
        %run_scoped3A = tpu.sem_alloc : memref<!tpu.dma_semaphore, #tpu.memory_space<semaphore_mem>>
        %dma_start3A_94 = arith.constant 0 : i32
        %dma_start3A_95 = tpu.memref_slice %arg7[%mul3A_66, %dma_start3A_94] : memref<40x128xi32, #tpu.memory_space<vmem>> -> memref<1x128xi32, #tpu.memory_space<vmem>>
        %dma_start3A_96 = tpu.memref_squeeze %dma_start3A_95 : memref<1x128xi32, #tpu.memory_space<vmem>> -> memref<128xi32, #tpu.memory_space<vmem>>
        %dma_start3A_97 = arith.constant 0 : i32
        %dma_start3A_98 = arith.constant 0 : i32
        %dma_start3A_99 = tpu.memref_slice %arg10[%dma_start3A_97, %dma_start3A_98] : memref<10240x128xf32, #tpu.memory_space<vmem_shared>> -> memref<10240x128xf32, #tpu.memory_space<vmem_shared>>
        tpu.enqueue_indirect_dma source(%arg8 : memref<128x128xf32, #tpu.memory_space<vmem>>) target(%dma_start3A_99 : memref<10240x128xf32, #tpu.memory_space<vmem_shared>>) offsets(%dma_start3A_96 : memref<128xi32, #tpu.memory_space<vmem>>) semaphore(%run_scoped3A : memref<!tpu.dma_semaphore, #tpu.memory_space<semaphore_mem>>) {add = true}
        %dma_wait3A_100 = arith.constant 0 : i32
        %dma_wait3A_101 = tpu.memref_slice %arg7[%mul3A_66, %dma_wait3A_100] : memref<40x128xi32, #tpu.memory_space<vmem>> -> memref<1x128xi32, #tpu.memory_space<vmem>>
        %dma_wait3A_102 = tpu.memref_squeeze %dma_wait3A_101 : memref<1x128xi32, #tpu.memory_space<vmem>> -> memref<128xi32, #tpu.memory_space<vmem>>
        %dma_wait3A_103 = arith.constant 0 : i32
        %dma_wait3A_104 = arith.constant 0 : i32
        %dma_wait3A_105 = tpu.memref_slice %arg10[%dma_wait3A_103, %dma_wait3A_104] : memref<10240x128xf32, #tpu.memory_space<vmem_shared>> -> memref<10240x128xf32, #tpu.memory_space<vmem_shared>>
        tpu.wait_indirect_dma semaphore(%run_scoped3A : memref<!tpu.dma_semaphore, #tpu.memory_space<semaphore_mem>>) src(%arg8 : memref<128x128xf32, #tpu.memory_space<vmem>>) dst(%dma_wait3A_105 : memref<10240x128xf32, #tpu.memory_space<vmem_shared>>)
        tpu.yield
      }) : () -> ()
      %add3A_81 = arith.constant 2 : i32
      %add3A_82 = arith.addi %mul3A_66, %add3A_81 : i32
      %lt3A = arith.constant 40 : i32
      %lt3A_83 = arith.cmpi slt, %add3A_82, %lt3A : i32
      %convert_element_type3A = arith.extui %lt3A_83 : i1 to i32
      %cond3A = arith.constant 0 : i32
      %cond3A_84 = arith.cmpi ne, %convert_element_type3A, %cond3A : i32
      scf.if %cond3A_84 {
        %add3A_94 = arith.constant 2 : i32
        %add3A_95 = arith.addi %mul3A_66, %add3A_94 : i32
        %dma_start3A_96 = arith.constant 0 : i32
        %dma_start3A_97 = tpu.memref_slice %arg6[%add3A_95, %dma_start3A_96] : memref<40x128xi32, #tpu.memory_space<vmem>> -> memref<1x128xi32, #tpu.memory_space<vmem>>
        %dma_start3A_98 = tpu.memref_squeeze %dma_start3A_97 : memref<1x128xi32, #tpu.memory_space<vmem>> -> memref<128xi32, #tpu.memory_space<vmem>>
        %dma_start3A_99 = arith.constant 0 : i32
        %dma_start3A_100 = arith.constant 0 : i32
        %dma_start3A_101 = tpu.memref_slice %arg2[%dma_start3A_99, %dma_start3A_100] : memref<10000x128xf32, #tpu.memory_space<hbm>> -> memref<10000x128xf32, #tpu.memory_space<hbm>>
        tpu.enqueue_indirect_dma source(%dma_start3A_101 : memref<10000x128xf32, #tpu.memory_space<hbm>>) target(%arg8 : memref<128x128xf32, #tpu.memory_space<vmem>>) offsets(%dma_start3A_98 : memref<128xi32, #tpu.memory_space<vmem>>) semaphore(%arg11 : memref<!tpu.dma_semaphore, #tpu.memory_space<semaphore_mem>>)
      } else {
      }
      %dma_wait3A_85 = arith.constant 0 : i32
      %dma_wait3A_86 = arith.constant 0 : i32
      %dma_wait3A_87 = tpu.memref_slice %arg6[%dma_wait3A_85, %dma_wait3A_86] : memref<40x128xi32, #tpu.memory_space<vmem>> -> memref<1x128xi32, #tpu.memory_space<vmem>>
      %dma_wait3A_88 = tpu.memref_squeeze %dma_wait3A_87 : memref<1x128xi32, #tpu.memory_space<vmem>> -> memref<128xi32, #tpu.memory_space<vmem>>
      %dma_wait3A_89 = arith.constant 0 : i32
      %dma_wait3A_90 = arith.constant 0 : i32
      %dma_wait3A_91 = tpu.memref_slice %arg2[%dma_wait3A_89, %dma_wait3A_90] : memref<10000x128xf32, #tpu.memory_space<hbm>> -> memref<10000x128xf32, #tpu.memory_space<hbm>>
      tpu.wait_indirect_dma semaphore(%arg12 : memref<!tpu.dma_semaphore, #tpu.memory_space<semaphore_mem>>) src(%dma_wait3A_91 : memref<10000x128xf32, #tpu.memory_space<hbm>>) dst(%arg9 : memref<128x128xf32, #tpu.memory_space<vmem>>)
      %add3A_92 = arith.constant 1 : i32
      %add3A_93 = arith.addi %mul3A_66, %add3A_92 : i32
      "tpu.region"() ({
        %run_scoped3A = tpu.sem_alloc : memref<!tpu.dma_semaphore, #tpu.memory_space<semaphore_mem>>
        %dma_start3A_94 = arith.constant 0 : i32
        %dma_start3A_95 = tpu.memref_slice %arg7[%add3A_93, %dma_start3A_94] : memref<40x128xi32, #tpu.memory_space<vmem>> -> memref<1x128xi32, #tpu.memory_space<vmem>>
        %dma_start3A_96 = tpu.memref_squeeze %dma_start3A_95 : memref<1x128xi32, #tpu.memory_space<vmem>> -> memref<128xi32, #tpu.memory_space<vmem>>
        %dma_start3A_97 = arith.constant 0 : i32
        %dma_start3A_98 = arith.constant 0 : i32
        %dma_start3A_99 = tpu.memref_slice %arg10[%dma_start3A_97, %dma_start3A_98] : memref<10240x128xf32, #tpu.memory_space<vmem_shared>> -> memref<10240x128xf32, #tpu.memory_space<vmem_shared>>
        tpu.enqueue_indirect_dma source(%arg9 : memref<128x128xf32, #tpu.memory_space<vmem>>) target(%dma_start3A_99 : memref<10240x128xf32, #tpu.memory_space<vmem_shared>>) offsets(%dma_start3A_96 : memref<128xi32, #tpu.memory_space<vmem>>) semaphore(%run_scoped3A : memref<!tpu.dma_semaphore, #tpu.memory_space<semaphore_mem>>) {add = true}
        %dma_wait3A_100 = arith.constant 0 : i32
        %dma_wait3A_101 = tpu.memref_slice %arg7[%add3A_93, %dma_wait3A_100] : memref<40x128xi32, #tpu.memory_space<vmem>> -> memref<1x128xi32, #tpu.memory_space<vmem>>
        %dma_wait3A_102 = tpu.memref_squeeze %dma_wait3A_101 : memref<1x128xi32, #tpu.memory_space<vmem>> -> memref<128xi32, #tpu.memory_space<vmem>>
        %dma_wait3A_103 = arith.constant 0 : i32
        %dma_wait3A_104 = arith.constant 0 : i32
        %dma_wait3A_105 = tpu.memref_slice %arg10[%dma_wait3A_103, %dma_wait3A_104] : memref<10240x128xf32, #tpu.memory_space<vmem_shared>> -> memref<10240x128xf32, #tpu.memory_space<vmem_shared>>
        tpu.wait_indirect_dma semaphore(%run_scoped3A : memref<!tpu.dma_semaphore, #tpu.memory_space<semaphore_mem>>) src(%arg9 : memref<128x128xf32, #tpu.memory_space<vmem>>) dst(%dma_wait3A_105 : memref<10240x128xf32, #tpu.memory_space<vmem_shared>>)
        tpu.yield
      }) : () -> ()
    }
    %scan3A_39 = arith.constant 20 : i32
    %mul3A_40 = arith.constant 80 : i32
    %mul3A_41 = arith.muli %add3A, %mul3A_40 : i32
    %add3A_42 = arith.constant 40 : i32
    %add3A_43 = arith.addi %mul3A_41, %add3A_42 : i32
    "tpu.region"() ({
      %run_scoped3A = tpu.sem_alloc : memref<!tpu.dma_semaphore, #tpu.memory_space<semaphore_mem>>
      %dma_start3A_64 = arith.constant 0 : i32
      %dma_start3A_65 = tpu.memref_slice %arg3[%add3A_43, %dma_start3A_64] : memref<2560x128xi32, #tpu.memory_space<hbm>> -> memref<40x128xi32, #tpu.memory_space<hbm>>
      %dma_start3A_66 = arith.constant 0 : i32
      %dma_start3A_67 = tpu.memref_slice %arg3[%add3A_43, %dma_start3A_66] : memref<2560x128xi32, #tpu.memory_space<hbm>> -> memref<40x128xi32, #tpu.memory_space<hbm>>
      tpu.enqueue_dma source(%dma_start3A_67 : memref<40x128xi32, #tpu.memory_space<hbm>>) target(%arg6 : memref<40x128xi32, #tpu.memory_space<vmem>>) target_semaphore(%run_scoped3A : memref<!tpu.dma_semaphore, #tpu.memory_space<semaphore_mem>>)
      %dma_wait3A = arith.constant 0 : i32
      %dma_wait3A_68 = tpu.memref_slice %arg3[%add3A_43, %dma_wait3A] : memref<2560x128xi32, #tpu.memory_space<hbm>> -> memref<40x128xi32, #tpu.memory_space<hbm>>
      %dma_wait3A_69 = arith.constant 0 : i32
      %dma_wait3A_70 = tpu.memref_slice %arg3[%add3A_43, %dma_wait3A_69] : memref<2560x128xi32, #tpu.memory_space<hbm>> -> memref<40x128xi32, #tpu.memory_space<hbm>>
      tpu.wait_dma2 semaphore(%run_scoped3A : memref<!tpu.dma_semaphore, #tpu.memory_space<semaphore_mem>>) src(%dma_wait3A_70 : memref<40x128xi32, #tpu.memory_space<hbm>>) dst(%arg6 : memref<40x128xi32, #tpu.memory_space<vmem>>)
      tpu.yield
    }) : () -> ()
    "tpu.region"() ({
      %run_scoped3A = tpu.sem_alloc : memref<!tpu.dma_semaphore, #tpu.memory_space<semaphore_mem>>
      %dma_start3A_64 = arith.constant 0 : i32
      %dma_start3A_65 = tpu.memref_slice %arg4[%add3A_43, %dma_start3A_64] : memref<2560x128xi32, #tpu.memory_space<hbm>> -> memref<40x128xi32, #tpu.memory_space<hbm>>
      %dma_start3A_66 = arith.constant 0 : i32
      %dma_start3A_67 = tpu.memref_slice %arg4[%add3A_43, %dma_start3A_66] : memref<2560x128xi32, #tpu.memory_space<hbm>> -> memref<40x128xi32, #tpu.memory_space<hbm>>
      tpu.enqueue_dma source(%dma_start3A_67 : memref<40x128xi32, #tpu.memory_space<hbm>>) target(%arg7 : memref<40x128xi32, #tpu.memory_space<vmem>>) target_semaphore(%run_scoped3A : memref<!tpu.dma_semaphore, #tpu.memory_space<semaphore_mem>>)
      %dma_wait3A = arith.constant 0 : i32
      %dma_wait3A_68 = tpu.memref_slice %arg4[%add3A_43, %dma_wait3A] : memref<2560x128xi32, #tpu.memory_space<hbm>> -> memref<40x128xi32, #tpu.memory_space<hbm>>
      %dma_wait3A_69 = arith.constant 0 : i32
      %dma_wait3A_70 = tpu.memref_slice %arg4[%add3A_43, %dma_wait3A_69] : memref<2560x128xi32, #tpu.memory_space<hbm>> -> memref<40x128xi32, #tpu.memory_space<hbm>>
      tpu.wait_dma2 semaphore(%run_scoped3A : memref<!tpu.dma_semaphore, #tpu.memory_space<semaphore_mem>>) src(%dma_wait3A_70 : memref<40x128xi32, #tpu.memory_space<hbm>>) dst(%arg7 : memref<40x128xi32, #tpu.memory_space<vmem>>)
      tpu.yield
    }) : () -> ()
    %dma_start3A_44 = arith.constant 0 : i32
    %dma_start3A_45 = arith.constant 0 : i32
    %dma_start3A_46 = tpu.memref_slice %arg6[%dma_start3A_44, %dma_start3A_45] : memref<40x128xi32, #tpu.memory_space<vmem>> -> memref<1x128xi32, #tpu.memory_space<vmem>>
    %dma_start3A_47 = tpu.memref_squeeze %dma_start3A_46 : memref<1x128xi32, #tpu.memory_space<vmem>> -> memref<128xi32, #tpu.memory_space<vmem>>
    %dma_start3A_48 = arith.constant 0 : i32
    %dma_start3A_49 = arith.constant 0 : i32
    %dma_start3A_50 = tpu.memref_slice %arg2[%dma_start3A_48, %dma_start3A_49] : memref<10000x128xf32, #tpu.memory_space<hbm>> -> memref<10000x128xf32, #tpu.memory_space<hbm>>
    tpu.enqueue_indirect_dma source(%dma_start3A_50 : memref<10000x128xf32, #tpu.memory_space<hbm>>) target(%arg8 : memref<128x128xf32, #tpu.memory_space<vmem>>) offsets(%dma_start3A_47 : memref<128xi32, #tpu.memory_space<vmem>>) semaphore(%arg11 : memref<!tpu.dma_semaphore, #tpu.memory_space<semaphore_mem>>)
    %scan3A_51 = arith.constant 0 : i32
    %scan3A_52 = arith.constant 20 : i32
    %scan3A_53 = arith.addi %scan3A_51, %scan3A_52 : i32
    %scan3A_54 = arith.constant 1 : i32
    scf.for %scan3A_64 = %scan3A_51 to %scan3A_53 step %scan3A_54  : i32 {
      %mul3A_65 = arith.constant 2 : i32
      %mul3A_66 = arith.muli %mul3A_65, %scan3A_64 : i32
      %add3A_67 = arith.constant 1 : i32
      %add3A_68 = arith.addi %mul3A_66, %add3A_67 : i32
      %dma_start3A_69 = arith.constant 0 : i32
      %dma_start3A_70 = tpu.memref_slice %arg6[%add3A_68, %dma_start3A_69] : memref<40x128xi32, #tpu.memory_space<vmem>> -> memref<1x128xi32, #tpu.memory_space<vmem>>
      %dma_start3A_71 = tpu.memref_squeeze %dma_start3A_70 : memref<1x128xi32, #tpu.memory_space<vmem>> -> memref<128xi32, #tpu.memory_space<vmem>>
      %dma_start3A_72 = arith.constant 0 : i32
      %dma_start3A_73 = arith.constant 0 : i32
      %dma_start3A_74 = tpu.memref_slice %arg2[%dma_start3A_72, %dma_start3A_73] : memref<10000x128xf32, #tpu.memory_space<hbm>> -> memref<10000x128xf32, #tpu.memory_space<hbm>>
      tpu.enqueue_indirect_dma source(%dma_start3A_74 : memref<10000x128xf32, #tpu.memory_space<hbm>>) target(%arg9 : memref<128x128xf32, #tpu.memory_space<vmem>>) offsets(%dma_start3A_71 : memref<128xi32, #tpu.memory_space<vmem>>) semaphore(%arg12 : memref<!tpu.dma_semaphore, #tpu.memory_space<semaphore_mem>>)
      %dma_wait3A = arith.constant 0 : i32
      %dma_wait3A_75 = arith.constant 0 : i32
      %dma_wait3A_76 = tpu.memref_slice %arg6[%dma_wait3A, %dma_wait3A_75] : memref<40x128xi32, #tpu.memory_space<vmem>> -> memref<1x128xi32, #tpu.memory_space<vmem>>
      %dma_wait3A_77 = tpu.memref_squeeze %dma_wait3A_76 : memref<1x128xi32, #tpu.memory_space<vmem>> -> memref<128xi32, #tpu.memory_space<vmem>>
      %dma_wait3A_78 = arith.constant 0 : i32
      %dma_wait3A_79 = arith.constant 0 : i32
      %dma_wait3A_80 = tpu.memref_slice %arg2[%dma_wait3A_78, %dma_wait3A_79] : memref<10000x128xf32, #tpu.memory_space<hbm>> -> memref<10000x128xf32, #tpu.memory_space<hbm>>
      tpu.wait_indirect_dma semaphore(%arg11 : memref<!tpu.dma_semaphore, #tpu.memory_space<semaphore_mem>>) src(%dma_wait3A_80 : memref<10000x128xf32, #tpu.memory_space<hbm>>) dst(%arg8 : memref<128x128xf32, #tpu.memory_space<vmem>>)
      "tpu.region"() ({
        %run_scoped3A = tpu.sem_alloc : memref<!tpu.dma_semaphore, #tpu.memory_space<semaphore_mem>>
        %dma_start3A_94 = arith.constant 0 : i32
        %dma_start3A_95 = tpu.memref_slice %arg7[%mul3A_66, %dma_start3A_94] : memref<40x128xi32, #tpu.memory_space<vmem>> -> memref<1x128xi32, #tpu.memory_space<vmem>>
        %dma_start3A_96 = tpu.memref_squeeze %dma_start3A_95 : memref<1x128xi32, #tpu.memory_space<vmem>> -> memref<128xi32, #tpu.memory_space<vmem>>
        %dma_start3A_97 = arith.constant 0 : i32
        %dma_start3A_98 = arith.constant 0 : i32
        %dma_start3A_99 = tpu.memref_slice %arg10[%dma_start3A_97, %dma_start3A_98] : memref<10240x128xf32, #tpu.memory_space<vmem_shared>> -> memref<10240x128xf32, #tpu.memory_space<vmem_shared>>
        tpu.enqueue_indirect_dma source(%arg8 : memref<128x128xf32, #tpu.memory_space<vmem>>) target(%dma_start3A_99 : memref<10240x128xf32, #tpu.memory_space<vmem_shared>>) offsets(%dma_start3A_96 : memref<128xi32, #tpu.memory_space<vmem>>) semaphore(%run_scoped3A : memref<!tpu.dma_semaphore, #tpu.memory_space<semaphore_mem>>) {add = true}
        %dma_wait3A_100 = arith.constant 0 : i32
        %dma_wait3A_101 = tpu.memref_slice %arg7[%mul3A_66, %dma_wait3A_100] : memref<40x128xi32, #tpu.memory_space<vmem>> -> memref<1x128xi32, #tpu.memory_space<vmem>>
        %dma_wait3A_102 = tpu.memref_squeeze %dma_wait3A_101 : memref<1x128xi32, #tpu.memory_space<vmem>> -> memref<128xi32, #tpu.memory_space<vmem>>
        %dma_wait3A_103 = arith.constant 0 : i32
        %dma_wait3A_104 = arith.constant 0 : i32
        %dma_wait3A_105 = tpu.memref_slice %arg10[%dma_wait3A_103, %dma_wait3A_104] : memref<10240x128xf32, #tpu.memory_space<vmem_shared>> -> memref<10240x128xf32, #tpu.memory_space<vmem_shared>>
        tpu.wait_indirect_dma semaphore(%run_scoped3A : memref<!tpu.dma_semaphore, #tpu.memory_space<semaphore_mem>>) src(%arg8 : memref<128x128xf32, #tpu.memory_space<vmem>>) dst(%dma_wait3A_105 : memref<10240x128xf32, #tpu.memory_space<vmem_shared>>)
        tpu.yield
      }) : () -> ()
      %add3A_81 = arith.constant 2 : i32
      %add3A_82 = arith.addi %mul3A_66, %add3A_81 : i32
      %lt3A = arith.constant 40 : i32
      %lt3A_83 = arith.cmpi slt, %add3A_82, %lt3A : i32
      %convert_element_type3A = arith.extui %lt3A_83 : i1 to i32
      %cond3A = arith.constant 0 : i32
      %cond3A_84 = arith.cmpi ne, %convert_element_type3A, %cond3A : i32
      scf.if %cond3A_84 {
        %add3A_94 = arith.constant 2 : i32
        %add3A_95 = arith.addi %mul3A_66, %add3A_94 : i32
        %dma_start3A_96 = arith.constant 0 : i32
        %dma_start3A_97 = tpu.memref_slice %arg6[%add3A_95, %dma_start3A_96] : memref<40x128xi32, #tpu.memory_space<vmem>> -> memref<1x128xi32, #tpu.memory_space<vmem>>
        %dma_start3A_98 = tpu.memref_squeeze %dma_start3A_97 : memref<1x128xi32, #tpu.memory_space<vmem>> -> memref<128xi32, #tpu.memory_space<vmem>>
        %dma_start3A_99 = arith.constant 0 : i32
        %dma_start3A_100 = arith.constant 0 : i32
        %dma_start3A_101 = tpu.memref_slice %arg2[%dma_start3A_99, %dma_start3A_100] : memref<10000x128xf32, #tpu.memory_space<hbm>> -> memref<10000x128xf32, #tpu.memory_space<hbm>>
        tpu.enqueue_indirect_dma source(%dma_start3A_101 : memref<10000x128xf32, #tpu.memory_space<hbm>>) target(%arg8 : memref<128x128xf32, #tpu.memory_space<vmem>>) offsets(%dma_start3A_98 : memref<128xi32, #tpu.memory_space<vmem>>) semaphore(%arg11 : memref<!tpu.dma_semaphore, #tpu.memory_space<semaphore_mem>>)
      } else {
      }
      %dma_wait3A_85 = arith.constant 0 : i32
      %dma_wait3A_86 = arith.constant 0 : i32
      %dma_wait3A_87 = tpu.memref_slice %arg6[%dma_wait3A_85, %dma_wait3A_86] : memref<40x128xi32, #tpu.memory_space<vmem>> -> memref<1x128xi32, #tpu.memory_space<vmem>>
      %dma_wait3A_88 = tpu.memref_squeeze %dma_wait3A_87 : memref<1x128xi32, #tpu.memory_space<vmem>> -> memref<128xi32, #tpu.memory_space<vmem>>
      %dma_wait3A_89 = arith.constant 0 : i32
      %dma_wait3A_90 = arith.constant 0 : i32
      %dma_wait3A_91 = tpu.memref_slice %arg2[%dma_wait3A_89, %dma_wait3A_90] : memref<10000x128xf32, #tpu.memory_space<hbm>> -> memref<10000x128xf32, #tpu.memory_space<hbm>>
      tpu.wait_indirect_dma semaphore(%arg12 : memref<!tpu.dma_semaphore, #tpu.memory_space<semaphore_mem>>) src(%dma_wait3A_91 : memref<10000x128xf32, #tpu.memory_space<hbm>>) dst(%arg9 : memref<128x128xf32, #tpu.memory_space<vmem>>)
      %add3A_92 = arith.constant 1 : i32
      %add3A_93 = arith.addi %mul3A_66, %add3A_92 : i32
      "tpu.region"() ({
        %run_scoped3A = tpu.sem_alloc : memref<!tpu.dma_semaphore, #tpu.memory_space<semaphore_mem>>
        %dma_start3A_94 = arith.constant 0 : i32
        %dma_start3A_95 = tpu.memref_slice %arg7[%add3A_93, %dma_start3A_94] : memref<40x128xi32, #tpu.memory_space<vmem>> -> memref<1x128xi32, #tpu.memory_space<vmem>>
        %dma_start3A_96 = tpu.memref_squeeze %dma_start3A_95 : memref<1x128xi32, #tpu.memory_space<vmem>> -> memref<128xi32, #tpu.memory_space<vmem>>
        %dma_start3A_97 = arith.constant 0 : i32
        %dma_start3A_98 = arith.constant 0 : i32
        %dma_start3A_99 = tpu.memref_slice %arg10[%dma_start3A_97, %dma_start3A_98] : memref<10240x128xf32, #tpu.memory_space<vmem_shared>> -> memref<10240x128xf32, #tpu.memory_space<vmem_shared>>
        tpu.enqueue_indirect_dma source(%arg9 : memref<128x128xf32, #tpu.memory_space<vmem>>) target(%dma_start3A_99 : memref<10240x128xf32, #tpu.memory_space<vmem_shared>>) offsets(%dma_start3A_96 : memref<128xi32, #tpu.memory_space<vmem>>) semaphore(%run_scoped3A : memref<!tpu.dma_semaphore, #tpu.memory_space<semaphore_mem>>) {add = true}
        %dma_wait3A_100 = arith.constant 0 : i32
        %dma_wait3A_101 = tpu.memref_slice %arg7[%add3A_93, %dma_wait3A_100] : memref<40x128xi32, #tpu.memory_space<vmem>> -> memref<1x128xi32, #tpu.memory_space<vmem>>
        %dma_wait3A_102 = tpu.memref_squeeze %dma_wait3A_101 : memref<1x128xi32, #tpu.memory_space<vmem>> -> memref<128xi32, #tpu.memory_space<vmem>>
        %dma_wait3A_103 = arith.constant 0 : i32
        %dma_wait3A_104 = arith.constant 0 : i32
        %dma_wait3A_105 = tpu.memref_slice %arg10[%dma_wait3A_103, %dma_wait3A_104] : memref<10240x128xf32, #tpu.memory_space<vmem_shared>> -> memref<10240x128xf32, #tpu.memory_space<vmem_shared>>
        tpu.wait_indirect_dma semaphore(%run_scoped3A : memref<!tpu.dma_semaphore, #tpu.memory_space<semaphore_mem>>) src(%arg9 : memref<128x128xf32, #tpu.memory_space<vmem>>) dst(%dma_wait3A_105 : memref<10240x128xf32, #tpu.memory_space<vmem_shared>>)
        tpu.yield
      }) : () -> ()
    }
    %scan3A_55 = arith.constant 20 : i32
    %barrier3A_56 = arith.constant 0 : index
    tpu.barrier barrier_id(%barrier3A_56)
    %mul3A_57 = arith.constant 640 : i32
    %mul3A_58 = arith.muli %arg1, %mul3A_57 : i32
    %mul3A_59 = arith.constant 10240 : i32
    %mul3A_60 = arith.muli %arg0, %mul3A_59 : i32
    %mul3A_61 = arith.constant 640 : i32
    %mul3A_62 = arith.muli %arg1, %mul3A_61 : i32
    %add3A_63 = arith.addi %mul3A_60, %mul3A_62 : i32
    "tpu.region"() ({
      %run_scoped3A = tpu.sem_alloc : memref<!tpu.dma_semaphore, #tpu.memory_space<semaphore_mem>>
      %dma_start3A_64 = arith.constant 0 : i32
      %dma_start3A_65 = tpu.memref_slice %arg5[%add3A_63, %dma_start3A_64] : memref<20480x128xf32, #tpu.memory_space<hbm>> -> memref<640x128xf32, #tpu.memory_space<hbm>>
      %dma_start3A_66 = arith.constant 0 : i32
      %dma_start3A_67 = tpu.memref_slice %arg10[%mul3A_58, %dma_start3A_66] : memref<10240x128xf32, #tpu.memory_space<vmem_shared>> -> memref<640x128xf32, #tpu.memory_space<vmem_shared>>
      tpu.enqueue_dma source(%dma_start3A_67 : memref<640x128xf32, #tpu.memory_space<vmem_shared>>) target(%dma_start3A_65 : memref<640x128xf32, #tpu.memory_space<hbm>>) target_semaphore(%run_scoped3A : memref<!tpu.dma_semaphore, #tpu.memory_space<semaphore_mem>>)
      %dma_wait3A = arith.constant 0 : i32
      %dma_wait3A_68 = tpu.memref_slice %arg5[%add3A_63, %dma_wait3A] : memref<20480x128xf32, #tpu.memory_space<hbm>> -> memref<640x128xf32, #tpu.memory_space<hbm>>
      %dma_wait3A_69 = arith.constant 0 : i32
      %dma_wait3A_70 = tpu.memref_slice %arg10[%mul3A_58, %dma_wait3A_69] : memref<10240x128xf32, #tpu.memory_space<vmem_shared>> -> memref<640x128xf32, #tpu.memory_space<vmem_shared>>
      tpu.wait_dma2 semaphore(%run_scoped3A : memref<!tpu.dma_semaphore, #tpu.memory_space<semaphore_mem>>) src(%dma_wait3A_70 : memref<640x128xf32, #tpu.memory_space<vmem_shared>>) dst(%dma_wait3A_68 : memref<640x128xf32, #tpu.memory_space<hbm>>)
      tpu.yield
    }) : () -> ()
    return
  }
}

#map = affine_map<(d0, d1) -> (0, 0)>
module attributes {stable_mosaic.version = 14 : i64} {
  func.func @_agg_body(%arg0: i32, %arg1: i32, %arg2: memref<10000x128xf32, #tpu.memory_space<hbm>>, %arg3: memref<2560x128xi32, #tpu.memory_space<hbm>>, %arg4: memref<2560x128xi32, #tpu.memory_space<hbm>>, %arg5: memref<20480x128xf32, #tpu.memory_space<hbm>>, %arg6: memref<40x128xi32, #tpu.memory_space<vmem>>, %arg7: memref<40x128xi32, #tpu.memory_space<vmem>>, %arg8: memref<128x128xf32, #tpu.memory_space<vmem>>, %arg9: memref<128x128xf32, #tpu.memory_space<vmem>>, %arg10: memref<10240x128xf32, #tpu.memory_space<vmem_shared>>, %arg11: memref<!tpu.dma_semaphore, #tpu.memory_space<semaphore_mem>>, %arg12: memref<!tpu.dma_semaphore, #tpu.memory_space<semaphore_mem>>) attributes {dimension_semantics = [#tpu.dimension_semantics<core_parallel>, #tpu.dimension_semantics<subcore_parallel>], iteration_bounds = array<i64: 2, 16>, scalar_prefetch = 0 : i64, scratch_operands = 7 : i64, tpu.core_type = #tpu.core_type<sc_vector_subcore>, window_params = [{transform_indices = #map}, {transform_indices = #map}, {transform_indices = #map}, {transform_indices = #map}]} {
    %mul3A = arith.constant 16 : i32
    %mul3A_0 = arith.muli %arg0, %mul3A : i32
    %add3A = arith.addi %mul3A_0, %arg1 : i32
    %scan3A = arith.constant 0 : i32
    %scan3A_1 = arith.constant 128 : i32
    %scan3A_2 = arith.addi %scan3A, %scan3A_1 : i32
    %scan3A_3 = arith.constant 1 : i32
    scf.for %scan3A_64 = %scan3A to %scan3A_2 step %scan3A_3  : i32 {
      %broadcast_in_dim3A = arith.constant 0.000000e+00 : f32
      %broadcast_in_dim3A_65 = vector.broadcast %broadcast_in_dim3A : f32 to vector<16xf32>
      %swap3A = arith.index_cast %scan3A_64 : i32 to index
      %swap3A_66 = arith.constant 0 : index
      %swap3A_67 = tpu.vector_load %arg8[%swap3A, %swap3A_66] {strides = array<i32>} : memref<128x128xf32, #tpu.memory_space<vmem>>, vector<1x16xf32>,
      %swap3A_68 = vector.shape_cast %swap3A_67 : vector<1x16xf32> to vector<16xf32>
      %swap3A_69 = vector.shape_cast %broadcast_in_dim3A_65 : vector<16xf32> to vector<1x16xf32>
      tpu.vector_store %arg8[%swap3A, %swap3A_66], %swap3A_69 {strides = array<i32>} : memref<128x128xf32, #tpu.memory_space<vmem>>, vector<1x16xf32>,
      %broadcast_in_dim3A_70 = arith.constant 0.000000e+00 : f32
      %broadcast_in_dim3A_71 = vector.broadcast %broadcast_in_dim3A_70 : f32 to vector<16xf32>
      %swap3A_72 = arith.index_cast %scan3A_64 : i32 to index
      %swap3A_73 = arith.constant 16 : index
      %swap3A_74 = tpu.vector_load %arg8[%swap3A_72, %swap3A_73] {strides = array<i32>} : memref<128x128xf32, #tpu.memory_space<vmem>>, vector<1x16xf32>,
      %swap3A_75 = vector.shape_cast %swap3A_74 : vector<1x16xf32> to vector<16xf32>
      %swap3A_76 = vector.shape_cast %broadcast_in_dim3A_71 : vector<16xf32> to vector<1x16xf32>
      tpu.vector_store %arg8[%swap3A_72, %swap3A_73], %swap3A_76 {strides = array<i32>} : memref<128x128xf32, #tpu.memory_space<vmem>>, vector<1x16xf32>,
      %broadcast_in_dim3A_77 = arith.constant 0.000000e+00 : f32
      %broadcast_in_dim3A_78 = vector.broadcast %broadcast_in_dim3A_77 : f32 to vector<16xf32>
      %swap3A_79 = arith.index_cast %scan3A_64 : i32 to index
      %swap3A_80 = arith.constant 32 : index
      %swap3A_81 = tpu.vector_load %arg8[%swap3A_79, %swap3A_80] {strides = array<i32>} : memref<128x128xf32, #tpu.memory_space<vmem>>, vector<1x16xf32>,
      %swap3A_82 = vector.shape_cast %swap3A_81 : vector<1x16xf32> to vector<16xf32>
      %swap3A_83 = vector.shape_cast %broadcast_in_dim3A_78 : vector<16xf32> to vector<1x16xf32>
      tpu.vector_store %arg8[%swap3A_79, %swap3A_80], %swap3A_83 {strides = array<i32>} : memref<128x128xf32, #tpu.memory_space<vmem>>, vector<1x16xf32>,
      %broadcast_in_dim3A_84 = arith.constant 0.000000e+00 : f32
      %broadcast_in_dim3A_85 = vector.broadcast %broadcast_in_dim3A_84 : f32 to vector<16xf32>
      %swap3A_86 = arith.index_cast %scan3A_64 : i32 to index
      %swap3A_87 = arith.constant 48 : index
      %swap3A_88 = tpu.vector_load %arg8[%swap3A_86, %swap3A_87] {strides = array<i32>} : memref<128x128xf32, #tpu.memory_space<vmem>>, vector<1x16xf32>,
      %swap3A_89 = vector.shape_cast %swap3A_88 : vector<1x16xf32> to vector<16xf32>
      %swap3A_90 = vector.shape_cast %broadcast_in_dim3A_85 : vector<16xf32> to vector<1x16xf32>
      tpu.vector_store %arg8[%swap3A_86, %swap3A_87], %swap3A_90 {strides = array<i32>} : memref<128x128xf32, #tpu.memory_space<vmem>>, vector<1x16xf32>,
      %broadcast_in_dim3A_91 = arith.constant 0.000000e+00 : f32
      %broadcast_in_dim3A_92 = vector.broadcast %broadcast_in_dim3A_91 : f32 to vector<16xf32>
      %swap3A_93 = arith.index_cast %scan3A_64 : i32 to index
      %swap3A_94 = arith.constant 64 : index
      %swap3A_95 = tpu.vector_load %arg8[%swap3A_93, %swap3A_94] {strides = array<i32>} : memref<128x128xf32, #tpu.memory_space<vmem>>, vector<1x16xf32>,
      %swap3A_96 = vector.shape_cast %swap3A_95 : vector<1x16xf32> to vector<16xf32>
      %swap3A_97 = vector.shape_cast %broadcast_in_dim3A_92 : vector<16xf32> to vector<1x16xf32>
      tpu.vector_store %arg8[%swap3A_93, %swap3A_94], %swap3A_97 {strides = array<i32>} : memref<128x128xf32, #tpu.memory_space<vmem>>, vector<1x16xf32>,
      %broadcast_in_dim3A_98 = arith.constant 0.000000e+00 : f32
      %broadcast_in_dim3A_99 = vector.broadcast %broadcast_in_dim3A_98 : f32 to vector<16xf32>
      %swap3A_100 = arith.index_cast %scan3A_64 : i32 to index
      %swap3A_101 = arith.constant 80 : index
      %swap3A_102 = tpu.vector_load %arg8[%swap3A_100, %swap3A_101] {strides = array<i32>} : memref<128x128xf32, #tpu.memory_space<vmem>>, vector<1x16xf32>,
      %swap3A_103 = vector.shape_cast %swap3A_102 : vector<1x16xf32> to vector<16xf32>
      %swap3A_104 = vector.shape_cast %broadcast_in_dim3A_99 : vector<16xf32> to vector<1x16xf32>
      tpu.vector_store %arg8[%swap3A_100, %swap3A_101], %swap3A_104 {strides = array<i32>} : memref<128x128xf32, #tpu.memory_space<vmem>>, vector<1x16xf32>,
      %broadcast_in_dim3A_105 = arith.constant 0.000000e+00 : f32
      %broadcast_in_dim3A_106 = vector.broadcast %broadcast_in_dim3A_105 : f32 to vector<16xf32>
      %swap3A_107 = arith.index_cast %scan3A_64 : i32 to index
      %swap3A_108 = arith.constant 96 : index
      %swap3A_109 = tpu.vector_load %arg8[%swap3A_107, %swap3A_108] {strides = array<i32>} : memref<128x128xf32, #tpu.memory_space<vmem>>, vector<1x16xf32>,
      %swap3A_110 = vector.shape_cast %swap3A_109 : vector<1x16xf32> to vector<16xf32>
      %swap3A_111 = vector.shape_cast %broadcast_in_dim3A_106 : vector<16xf32> to vector<1x16xf32>
      tpu.vector_store %arg8[%swap3A_107, %swap3A_108], %swap3A_111 {strides = array<i32>} : memref<128x128xf32, #tpu.memory_space<vmem>>, vector<1x16xf32>,
      %broadcast_in_dim3A_112 = arith.constant 0.000000e+00 : f32
      %broadcast_in_dim3A_113 = vector.broadcast %broadcast_in_dim3A_112 : f32 to vector<16xf32>
      %swap3A_114 = arith.index_cast %scan3A_64 : i32 to index
      %swap3A_115 = arith.constant 112 : index
      %swap3A_116 = tpu.vector_load %arg8[%swap3A_114, %swap3A_115] {strides = array<i32>} : memref<128x128xf32, #tpu.memory_space<vmem>>, vector<1x16xf32>,
      %swap3A_117 = vector.shape_cast %swap3A_116 : vector<1x16xf32> to vector<16xf32>
      %swap3A_118 = vector.shape_cast %broadcast_in_dim3A_113 : vector<16xf32> to vector<1x16xf32>
      tpu.vector_store %arg8[%swap3A_114, %swap3A_115], %swap3A_118 {strides = array<i32>} : memref<128x128xf32, #tpu.memory_space<vmem>>, vector<1x16xf32>,
    }
    %scan3A_4 = arith.constant 128 : i32
    %mul3A_5 = arith.constant 640 : i32
    %mul3A_6 = arith.muli %arg1, %mul3A_5 : i32
    %add3A_7 = arith.constant 0 : i32
    %add3A_8 = arith.addi %mul3A_6, %add3A_7 : i32
    "tpu.region"() ({
      %run_scoped3A = tpu.sem_alloc : memref<!tpu.dma_semaphore, #tpu.memory_space<semaphore_mem>>
      %dma_start3A_64 = arith.constant 0 : i32
      %dma_start3A_65 = tpu.memref_slice %arg10[%add3A_8, %dma_start3A_64] : memref<10240x128xf32, #tpu.memory_space<vmem_shared>> -> memref<128x128xf32, #tpu.memory_space<vmem_shared>>
      %dma_start3A_66 = arith.constant 0 : i32
      %dma_start3A_67 = tpu.memref_slice %arg10[%add3A_8, %dma_start3A_66] : memref<10240x128xf32, #tpu.memory_space<vmem_shared>> -> memref<128x128xf32, #tpu.memory_space<vmem_shared>>
      tpu.enqueue_dma source(%arg8 : memref<128x128xf32, #tpu.memory_space<vmem>>) target(%dma_start3A_67 : memref<128x128xf32, #tpu.memory_space<vmem_shared>>) target_semaphore(%run_scoped3A : memref<!tpu.dma_semaphore, #tpu.memory_space<semaphore_mem>>)
      %dma_wait3A = arith.constant 0 : i32
      %dma_wait3A_68 = tpu.memref_slice %arg10[%add3A_8, %dma_wait3A] : memref<10240x128xf32, #tpu.memory_space<vmem_shared>> -> memref<128x128xf32, #tpu.memory_space<vmem_shared>>
      %dma_wait3A_69 = arith.constant 0 : i32
      %dma_wait3A_70 = tpu.memref_slice %arg10[%add3A_8, %dma_wait3A_69] : memref<10240x128xf32, #tpu.memory_space<vmem_shared>> -> memref<128x128xf32, #tpu.memory_space<vmem_shared>>
      tpu.wait_dma2 semaphore(%run_scoped3A : memref<!tpu.dma_semaphore, #tpu.memory_space<semaphore_mem>>) src(%arg8 : memref<128x128xf32, #tpu.memory_space<vmem>>) dst(%dma_wait3A_70 : memref<128x128xf32, #tpu.memory_space<vmem_shared>>)
      tpu.yield
    }) : () -> ()
    %mul3A_9 = arith.constant 640 : i32
    %mul3A_10 = arith.muli %arg1, %mul3A_9 : i32
    %add3A_11 = arith.constant 128 : i32
    %add3A_12 = arith.addi %mul3A_10, %add3A_11 : i32
    "tpu.region"() ({
      %run_scoped3A = tpu.sem_alloc : memref<!tpu.dma_semaphore, #tpu.memory_space<semaphore_mem>>
      %dma_start3A_64 = arith.constant 0 : i32
      %dma_start3A_65 = tpu.memref_slice %arg10[%add3A_12, %dma_start3A_64] : memref<10240x128xf32, #tpu.memory_space<vmem_shared>> -> memref<128x128xf32, #tpu.memory_space<vmem_shared>>
      %dma_start3A_66 = arith.constant 0 : i32
      %dma_start3A_67 = tpu.memref_slice %arg10[%add3A_12, %dma_start3A_66] : memref<10240x128xf32, #tpu.memory_space<vmem_shared>> -> memref<128x128xf32, #tpu.memory_space<vmem_shared>>
      tpu.enqueue_dma source(%arg8 : memref<128x128xf32, #tpu.memory_space<vmem>>) target(%dma_start3A_67 : memref<128x128xf32, #tpu.memory_space<vmem_shared>>) target_semaphore(%run_scoped3A : memref<!tpu.dma_semaphore, #tpu.memory_space<semaphore_mem>>)
      %dma_wait3A = arith.constant 0 : i32
      %dma_wait3A_68 = tpu.memref_slice %arg10[%add3A_12, %dma_wait3A] : memref<10240x128xf32, #tpu.memory_space<vmem_shared>> -> memref<128x128xf32, #tpu.memory_space<vmem_shared>>
      %dma_wait3A_69 = arith.constant 0 : i32
      %dma_wait3A_70 = tpu.memref_slice %arg10[%add3A_12, %dma_wait3A_69] : memref<10240x128xf32, #tpu.memory_space<vmem_shared>> -> memref<128x128xf32, #tpu.memory_space<vmem_shared>>
      tpu.wait_dma2 semaphore(%run_scoped3A : memref<!tpu.dma_semaphore, #tpu.memory_space<semaphore_mem>>) src(%arg8 : memref<128x128xf32, #tpu.memory_space<vmem>>) dst(%dma_wait3A_70 : memref<128x128xf32, #tpu.memory_space<vmem_shared>>)
      tpu.yield
    }) : () -> ()
    %mul3A_13 = arith.constant 640 : i32
    %mul3A_14 = arith.muli %arg1, %mul3A_13 : i32
    %add3A_15 = arith.constant 256 : i32
    %add3A_16 = arith.addi %mul3A_14, %add3A_15 : i32
    "tpu.region"() ({
      %run_scoped3A = tpu.sem_alloc : memref<!tpu.dma_semaphore, #tpu.memory_space<semaphore_mem>>
      %dma_start3A_64 = arith.constant 0 : i32
      %dma_start3A_65 = tpu.memref_slice %arg10[%add3A_16, %dma_start3A_64] : memref<10240x128xf32, #tpu.memory_space<vmem_shared>> -> memref<128x128xf32, #tpu.memory_space<vmem_shared>>
      %dma_start3A_66 = arith.constant 0 : i32
      %dma_start3A_67 = tpu.memref_slice %arg10[%add3A_16, %dma_start3A_66] : memref<10240x128xf32, #tpu.memory_space<vmem_shared>> -> memref<128x128xf32, #tpu.memory_space<vmem_shared>>
      tpu.enqueue_dma source(%arg8 : memref<128x128xf32, #tpu.memory_space<vmem>>) target(%dma_start3A_67 : memref<128x128xf32, #tpu.memory_space<vmem_shared>>) target_semaphore(%run_scoped3A : memref<!tpu.dma_semaphore, #tpu.memory_space<semaphore_mem>>)
      %dma_wait3A = arith.constant 0 : i32
      %dma_wait3A_68 = tpu.memref_slice %arg10[%add3A_16, %dma_wait3A] : memref<10240x128xf32, #tpu.memory_space<vmem_shared>> -> memref<128x128xf32, #tpu.memory_space<vmem_shared>>
      %dma_wait3A_69 = arith.constant 0 : i32
      %dma_wait3A_70 = tpu.memref_slice %arg10[%add3A_16, %dma_wait3A_69] : memref<10240x128xf32, #tpu.memory_space<vmem_shared>> -> memref<128x128xf32, #tpu.memory_space<vmem_shared>>
      tpu.wait_dma2 semaphore(%run_scoped3A : memref<!tpu.dma_semaphore, #tpu.memory_space<semaphore_mem>>) src(%arg8 : memref<128x128xf32, #tpu.memory_space<vmem>>) dst(%dma_wait3A_70 : memref<128x128xf32, #tpu.memory_space<vmem_shared>>)
      tpu.yield
    }) : () -> ()
    %mul3A_17 = arith.constant 640 : i32
    %mul3A_18 = arith.muli %arg1, %mul3A_17 : i32
    %add3A_19 = arith.constant 384 : i32
    %add3A_20 = arith.addi %mul3A_18, %add3A_19 : i32
    "tpu.region"() ({
      %run_scoped3A = tpu.sem_alloc : memref<!tpu.dma_semaphore, #tpu.memory_space<semaphore_mem>>
      %dma_start3A_64 = arith.constant 0 : i32
      %dma_start3A_65 = tpu.memref_slice %arg10[%add3A_20, %dma_start3A_64] : memref<10240x128xf32, #tpu.memory_space<vmem_shared>> -> memref<128x128xf32, #tpu.memory_space<vmem_shared>>
      %dma_start3A_66 = arith.constant 0 : i32
      %dma_start3A_67 = tpu.memref_slice %arg10[%add3A_20, %dma_start3A_66] : memref<10240x128xf32, #tpu.memory_space<vmem_shared>> -> memref<128x128xf32, #tpu.memory_space<vmem_shared>>
      tpu.enqueue_dma source(%arg8 : memref<128x128xf32, #tpu.memory_space<vmem>>) target(%dma_start3A_67 : memref<128x128xf32, #tpu.memory_space<vmem_shared>>) target_semaphore(%run_scoped3A : memref<!tpu.dma_semaphore, #tpu.memory_space<semaphore_mem>>)
      %dma_wait3A = arith.constant 0 : i32
      %dma_wait3A_68 = tpu.memref_slice %arg10[%add3A_20, %dma_wait3A] : memref<10240x128xf32, #tpu.memory_space<vmem_shared>> -> memref<128x128xf32, #tpu.memory_space<vmem_shared>>
      %dma_wait3A_69 = arith.constant 0 : i32
      %dma_wait3A_70 = tpu.memref_slice %arg10[%add3A_20, %dma_wait3A_69] : memref<10240x128xf32, #tpu.memory_space<vmem_shared>> -> memref<128x128xf32, #tpu.memory_space<vmem_shared>>
      tpu.wait_dma2 semaphore(%run_scoped3A : memref<!tpu.dma_semaphore, #tpu.memory_space<semaphore_mem>>) src(%arg8 : memref<128x128xf32, #tpu.memory_space<vmem>>) dst(%dma_wait3A_70 : memref<128x128xf32, #tpu.memory_space<vmem_shared>>)
      tpu.yield
    }) : () -> ()
    %mul3A_21 = arith.constant 640 : i32
    %mul3A_22 = arith.muli %arg1, %mul3A_21 : i32
    %add3A_23 = arith.constant 512 : i32
    %add3A_24 = arith.addi %mul3A_22, %add3A_23 : i32
    "tpu.region"() ({
      %run_scoped3A = tpu.sem_alloc : memref<!tpu.dma_semaphore, #tpu.memory_space<semaphore_mem>>
      %dma_start3A_64 = arith.constant 0 : i32
      %dma_start3A_65 = tpu.memref_slice %arg10[%add3A_24, %dma_start3A_64] : memref<10240x128xf32, #tpu.memory_space<vmem_shared>> -> memref<128x128xf32, #tpu.memory_space<vmem_shared>>
      %dma_start3A_66 = arith.constant 0 : i32
      %dma_start3A_67 = tpu.memref_slice %arg10[%add3A_24, %dma_start3A_66] : memref<10240x128xf32, #tpu.memory_space<vmem_shared>> -> memref<128x128xf32, #tpu.memory_space<vmem_shared>>
      tpu.enqueue_dma source(%arg8 : memref<128x128xf32, #tpu.memory_space<vmem>>) target(%dma_start3A_67 : memref<128x128xf32, #tpu.memory_space<vmem_shared>>) target_semaphore(%run_scoped3A : memref<!tpu.dma_semaphore, #tpu.memory_space<semaphore_mem>>)
      %dma_wait3A = arith.constant 0 : i32
      %dma_wait3A_68 = tpu.memref_slice %arg10[%add3A_24, %dma_wait3A] : memref<10240x128xf32, #tpu.memory_space<vmem_shared>> -> memref<128x128xf32, #tpu.memory_space<vmem_shared>>
      %dma_wait3A_69 = arith.constant 0 : i32
      %dma_wait3A_70 = tpu.memref_slice %arg10[%add3A_24, %dma_wait3A_69] : memref<10240x128xf32, #tpu.memory_space<vmem_shared>> -> memref<128x128xf32, #tpu.memory_space<vmem_shared>>
      tpu.wait_dma2 semaphore(%run_scoped3A : memref<!tpu.dma_semaphore, #tpu.memory_space<semaphore_mem>>) src(%arg8 : memref<128x128xf32, #tpu.memory_space<vmem>>) dst(%dma_wait3A_70 : memref<128x128xf32, #tpu.memory_space<vmem_shared>>)
      tpu.yield
    }) : () -> ()
    %barrier3A = arith.constant 0 : index
    tpu.barrier barrier_id(%barrier3A)
    %mul3A_25 = arith.constant 80 : i32
    %mul3A_26 = arith.muli %add3A, %mul3A_25 : i32
    %add3A_27 = arith.constant 0 : i32
    %add3A_28 = arith.addi %mul3A_26, %add3A_27 : i32
    "tpu.region"() ({
      %run_scoped3A = tpu.sem_alloc : memref<!tpu.dma_semaphore, #tpu.memory_space<semaphore_mem>>
      %dma_start3A_64 = arith.constant 0 : i32
      %dma_start3A_65 = tpu.memref_slice %arg3[%add3A_28, %dma_start3A_64] : memref<2560x128xi32, #tpu.memory_space<hbm>> -> memref<40x128xi32, #tpu.memory_space<hbm>>
      %dma_start3A_66 = arith.constant 0 : i32
      %dma_start3A_67 = tpu.memref_slice %arg3[%add3A_28, %dma_start3A_66] : memref<2560x128xi32, #tpu.memory_space<hbm>> -> memref<40x128xi32, #tpu.memory_space<hbm>>
      tpu.enqueue_dma source(%dma_start3A_67 : memref<40x128xi32, #tpu.memory_space<hbm>>) target(%arg6 : memref<40x128xi32, #tpu.memory_space<vmem>>) target_semaphore(%run_scoped3A : memref<!tpu.dma_semaphore, #tpu.memory_space<semaphore_mem>>)
      %dma_wait3A = arith.constant 0 : i32
      %dma_wait3A_68 = tpu.memref_slice %arg3[%add3A_28, %dma_wait3A] : memref<2560x128xi32, #tpu.memory_space<hbm>> -> memref<40x128xi32, #tpu.memory_space<hbm>>
      %dma_wait3A_69 = arith.constant 0 : i32
      %dma_wait3A_70 = tpu.memref_slice %arg3[%add3A_28, %dma_wait3A_69] : memref<2560x128xi32, #tpu.memory_space<hbm>> -> memref<40x128xi32, #tpu.memory_space<hbm>>
      tpu.wait_dma2 semaphore(%run_scoped3A : memref<!tpu.dma_semaphore, #tpu.memory_space<semaphore_mem>>) src(%dma_wait3A_70 : memref<40x128xi32, #tpu.memory_space<hbm>>) dst(%arg6 : memref<40x128xi32, #tpu.memory_space<vmem>>)
      tpu.yield
    }) : () -> ()
    "tpu.region"() ({
      %run_scoped3A = tpu.sem_alloc : memref<!tpu.dma_semaphore, #tpu.memory_space<semaphore_mem>>
      %dma_start3A_64 = arith.constant 0 : i32
      %dma_start3A_65 = tpu.memref_slice %arg4[%add3A_28, %dma_start3A_64] : memref<2560x128xi32, #tpu.memory_space<hbm>> -> memref<40x128xi32, #tpu.memory_space<hbm>>
      %dma_start3A_66 = arith.constant 0 : i32
      %dma_start3A_67 = tpu.memref_slice %arg4[%add3A_28, %dma_start3A_66] : memref<2560x128xi32, #tpu.memory_space<hbm>> -> memref<40x128xi32, #tpu.memory_space<hbm>>
      tpu.enqueue_dma source(%dma_start3A_67 : memref<40x128xi32, #tpu.memory_space<hbm>>) target(%arg7 : memref<40x128xi32, #tpu.memory_space<vmem>>) target_semaphore(%run_scoped3A : memref<!tpu.dma_semaphore, #tpu.memory_space<semaphore_mem>>)
      %dma_wait3A = arith.constant 0 : i32
      %dma_wait3A_68 = tpu.memref_slice %arg4[%add3A_28, %dma_wait3A] : memref<2560x128xi32, #tpu.memory_space<hbm>> -> memref<40x128xi32, #tpu.memory_space<hbm>>
      %dma_wait3A_69 = arith.constant 0 : i32
      %dma_wait3A_70 = tpu.memref_slice %arg4[%add3A_28, %dma_wait3A_69] : memref<2560x128xi32, #tpu.memory_space<hbm>> -> memref<40x128xi32, #tpu.memory_space<hbm>>
      tpu.wait_dma2 semaphore(%run_scoped3A : memref<!tpu.dma_semaphore, #tpu.memory_space<semaphore_mem>>) src(%dma_wait3A_70 : memref<40x128xi32, #tpu.memory_space<hbm>>) dst(%arg7 : memref<40x128xi32, #tpu.memory_space<vmem>>)
      tpu.yield
    }) : () -> ()
    %dma_start3A = arith.constant 0 : i32
    %dma_start3A_29 = arith.constant 0 : i32
    %dma_start3A_30 = tpu.memref_slice %arg6[%dma_start3A, %dma_start3A_29] : memref<40x128xi32, #tpu.memory_space<vmem>> -> memref<1x128xi32, #tpu.memory_space<vmem>>
    %dma_start3A_31 = tpu.memref_squeeze %dma_start3A_30 : memref<1x128xi32, #tpu.memory_space<vmem>> -> memref<128xi32, #tpu.memory_space<vmem>>
    %dma_start3A_32 = arith.constant 0 : i32
    %dma_start3A_33 = arith.constant 0 : i32
    %dma_start3A_34 = tpu.memref_slice %arg2[%dma_start3A_32, %dma_start3A_33] : memref<10000x128xf32, #tpu.memory_space<hbm>> -> memref<10000x128xf32, #tpu.memory_space<hbm>>
    tpu.enqueue_indirect_dma source(%dma_start3A_34 : memref<10000x128xf32, #tpu.memory_space<hbm>>) target(%arg8 : memref<128x128xf32, #tpu.memory_space<vmem>>) offsets(%dma_start3A_31 : memref<128xi32, #tpu.memory_space<vmem>>) semaphore(%arg11 : memref<!tpu.dma_semaphore, #tpu.memory_space<semaphore_mem>>)
    %scan3A_35 = arith.constant 0 : i32
    %scan3A_36 = arith.constant 20 : i32
    %scan3A_37 = arith.addi %scan3A_35, %scan3A_36 : i32
    %scan3A_38 = arith.constant 1 : i32
    scf.for %scan3A_64 = %scan3A_35 to %scan3A_37 step %scan3A_38  : i32 {
      %mul3A_65 = arith.constant 2 : i32
      %mul3A_66 = arith.muli %mul3A_65, %scan3A_64 : i32
      %add3A_67 = arith.constant 1 : i32
      %add3A_68 = arith.addi %mul3A_66, %add3A_67 : i32
      %dma_start3A_69 = arith.constant 0 : i32
      %dma_start3A_70 = tpu.memref_slice %arg6[%add3A_68, %dma_start3A_69] : memref<40x128xi32, #tpu.memory_space<vmem>> -> memref<1x128xi32, #tpu.memory_space<vmem>>
      %dma_start3A_71 = tpu.memref_squeeze %dma_start3A_70 : memref<1x128xi32, #tpu.memory_space<vmem>> -> memref<128xi32, #tpu.memory_space<vmem>>
      %dma_start3A_72 = arith.constant 0 : i32
      %dma_start3A_73 = arith.constant 0 : i32
      %dma_start3A_74 = tpu.memref_slice %arg2[%dma_start3A_72, %dma_start3A_73] : memref<10000x128xf32, #tpu.memory_space<hbm>> -> memref<10000x128xf32, #tpu.memory_space<hbm>>
      tpu.enqueue_indirect_dma source(%dma_start3A_74 : memref<10000x128xf32, #tpu.memory_space<hbm>>) target(%arg9 : memref<128x128xf32, #tpu.memory_space<vmem>>) offsets(%dma_start3A_71 : memref<128xi32, #tpu.memory_space<vmem>>) semaphore(%arg12 : memref<!tpu.dma_semaphore, #tpu.memory_space<semaphore_mem>>)
      %dma_wait3A = arith.constant 0 : i32
      %dma_wait3A_75 = arith.constant 0 : i32
      %dma_wait3A_76 = tpu.memref_slice %arg6[%dma_wait3A, %dma_wait3A_75] : memref<40x128xi32, #tpu.memory_space<vmem>> -> memref<1x128xi32, #tpu.memory_space<vmem>>
      %dma_wait3A_77 = tpu.memref_squeeze %dma_wait3A_76 : memref<1x128xi32, #tpu.memory_space<vmem>> -> memref<128xi32, #tpu.memory_space<vmem>>
      %dma_wait3A_78 = arith.constant 0 : i32
      %dma_wait3A_79 = arith.constant 0 : i32
      %dma_wait3A_80 = tpu.memref_slice %arg2[%dma_wait3A_78, %dma_wait3A_79] : memref<10000x128xf32, #tpu.memory_space<hbm>> -> memref<10000x128xf32, #tpu.memory_space<hbm>>
      tpu.wait_indirect_dma semaphore(%arg11 : memref<!tpu.dma_semaphore, #tpu.memory_space<semaphore_mem>>) src(%dma_wait3A_80 : memref<10000x128xf32, #tpu.memory_space<hbm>>) dst(%arg8 : memref<128x128xf32, #tpu.memory_space<vmem>>)
      "tpu.region"() ({
        %run_scoped3A = tpu.sem_alloc : memref<!tpu.dma_semaphore, #tpu.memory_space<semaphore_mem>>
        %dma_start3A_94 = arith.constant 0 : i32
        %dma_start3A_95 = tpu.memref_slice %arg7[%mul3A_66, %dma_start3A_94] : memref<40x128xi32, #tpu.memory_space<vmem>> -> memref<1x128xi32, #tpu.memory_space<vmem>>
        %dma_start3A_96 = tpu.memref_squeeze %dma_start3A_95 : memref<1x128xi32, #tpu.memory_space<vmem>> -> memref<128xi32, #tpu.memory_space<vmem>>
        %dma_start3A_97 = arith.constant 0 : i32
        %dma_start3A_98 = arith.constant 0 : i32
        %dma_start3A_99 = tpu.memref_slice %arg10[%dma_start3A_97, %dma_start3A_98] : memref<10240x128xf32, #tpu.memory_space<vmem_shared>> -> memref<10240x128xf32, #tpu.memory_space<vmem_shared>>
        tpu.enqueue_indirect_dma source(%arg8 : memref<128x128xf32, #tpu.memory_space<vmem>>) target(%dma_start3A_99 : memref<10240x128xf32, #tpu.memory_space<vmem_shared>>) offsets(%dma_start3A_96 : memref<128xi32, #tpu.memory_space<vmem>>) semaphore(%run_scoped3A : memref<!tpu.dma_semaphore, #tpu.memory_space<semaphore_mem>>) {add = true}
        %dma_wait3A_100 = arith.constant 0 : i32
        %dma_wait3A_101 = tpu.memref_slice %arg7[%mul3A_66, %dma_wait3A_100] : memref<40x128xi32, #tpu.memory_space<vmem>> -> memref<1x128xi32, #tpu.memory_space<vmem>>
        %dma_wait3A_102 = tpu.memref_squeeze %dma_wait3A_101 : memref<1x128xi32, #tpu.memory_space<vmem>> -> memref<128xi32, #tpu.memory_space<vmem>>
        %dma_wait3A_103 = arith.constant 0 : i32
        %dma_wait3A_104 = arith.constant 0 : i32
        %dma_wait3A_105 = tpu.memref_slice %arg10[%dma_wait3A_103, %dma_wait3A_104] : memref<10240x128xf32, #tpu.memory_space<vmem_shared>> -> memref<10240x128xf32, #tpu.memory_space<vmem_shared>>
        tpu.wait_indirect_dma semaphore(%run_scoped3A : memref<!tpu.dma_semaphore, #tpu.memory_space<semaphore_mem>>) src(%arg8 : memref<128x128xf32, #tpu.memory_space<vmem>>) dst(%dma_wait3A_105 : memref<10240x128xf32, #tpu.memory_space<vmem_shared>>)
        tpu.yield
      }) : () -> ()
      %add3A_81 = arith.constant 2 : i32
      %add3A_82 = arith.addi %mul3A_66, %add3A_81 : i32
      %lt3A = arith.constant 40 : i32
      %lt3A_83 = arith.cmpi slt, %add3A_82, %lt3A : i32
      %convert_element_type3A = arith.extui %lt3A_83 : i1 to i32
      %cond3A = arith.constant 0 : i32
      %cond3A_84 = arith.cmpi ne, %convert_element_type3A, %cond3A : i32
      scf.if %cond3A_84 {
        %add3A_94 = arith.constant 2 : i32
        %add3A_95 = arith.addi %mul3A_66, %add3A_94 : i32
        %dma_start3A_96 = arith.constant 0 : i32
        %dma_start3A_97 = tpu.memref_slice %arg6[%add3A_95, %dma_start3A_96] : memref<40x128xi32, #tpu.memory_space<vmem>> -> memref<1x128xi32, #tpu.memory_space<vmem>>
        %dma_start3A_98 = tpu.memref_squeeze %dma_start3A_97 : memref<1x128xi32, #tpu.memory_space<vmem>> -> memref<128xi32, #tpu.memory_space<vmem>>
        %dma_start3A_99 = arith.constant 0 : i32
        %dma_start3A_100 = arith.constant 0 : i32
        %dma_start3A_101 = tpu.memref_slice %arg2[%dma_start3A_99, %dma_start3A_100] : memref<10000x128xf32, #tpu.memory_space<hbm>> -> memref<10000x128xf32, #tpu.memory_space<hbm>>
        tpu.enqueue_indirect_dma source(%dma_start3A_101 : memref<10000x128xf32, #tpu.memory_space<hbm>>) target(%arg8 : memref<128x128xf32, #tpu.memory_space<vmem>>) offsets(%dma_start3A_98 : memref<128xi32, #tpu.memory_space<vmem>>) semaphore(%arg11 : memref<!tpu.dma_semaphore, #tpu.memory_space<semaphore_mem>>)
      } else {
      }
      %dma_wait3A_85 = arith.constant 0 : i32
      %dma_wait3A_86 = arith.constant 0 : i32
      %dma_wait3A_87 = tpu.memref_slice %arg6[%dma_wait3A_85, %dma_wait3A_86] : memref<40x128xi32, #tpu.memory_space<vmem>> -> memref<1x128xi32, #tpu.memory_space<vmem>>
      %dma_wait3A_88 = tpu.memref_squeeze %dma_wait3A_87 : memref<1x128xi32, #tpu.memory_space<vmem>> -> memref<128xi32, #tpu.memory_space<vmem>>
      %dma_wait3A_89 = arith.constant 0 : i32
      %dma_wait3A_90 = arith.constant 0 : i32
      %dma_wait3A_91 = tpu.memref_slice %arg2[%dma_wait3A_89, %dma_wait3A_90] : memref<10000x128xf32, #tpu.memory_space<hbm>> -> memref<10000x128xf32, #tpu.memory_space<hbm>>
      tpu.wait_indirect_dma semaphore(%arg12 : memref<!tpu.dma_semaphore, #tpu.memory_space<semaphore_mem>>) src(%dma_wait3A_91 : memref<10000x128xf32, #tpu.memory_space<hbm>>) dst(%arg9 : memref<128x128xf32, #tpu.memory_space<vmem>>)
      %add3A_92 = arith.constant 1 : i32
      %add3A_93 = arith.addi %mul3A_66, %add3A_92 : i32
      "tpu.region"() ({
        %run_scoped3A = tpu.sem_alloc : memref<!tpu.dma_semaphore, #tpu.memory_space<semaphore_mem>>
        %dma_start3A_94 = arith.constant 0 : i32
        %dma_start3A_95 = tpu.memref_slice %arg7[%add3A_93, %dma_start3A_94] : memref<40x128xi32, #tpu.memory_space<vmem>> -> memref<1x128xi32, #tpu.memory_space<vmem>>
        %dma_start3A_96 = tpu.memref_squeeze %dma_start3A_95 : memref<1x128xi32, #tpu.memory_space<vmem>> -> memref<128xi32, #tpu.memory_space<vmem>>
        %dma_start3A_97 = arith.constant 0 : i32
        %dma_start3A_98 = arith.constant 0 : i32
        %dma_start3A_99 = tpu.memref_slice %arg10[%dma_start3A_97, %dma_start3A_98] : memref<10240x128xf32, #tpu.memory_space<vmem_shared>> -> memref<10240x128xf32, #tpu.memory_space<vmem_shared>>
        tpu.enqueue_indirect_dma source(%arg9 : memref<128x128xf32, #tpu.memory_space<vmem>>) target(%dma_start3A_99 : memref<10240x128xf32, #tpu.memory_space<vmem_shared>>) offsets(%dma_start3A_96 : memref<128xi32, #tpu.memory_space<vmem>>) semaphore(%run_scoped3A : memref<!tpu.dma_semaphore, #tpu.memory_space<semaphore_mem>>) {add = true}
        %dma_wait3A_100 = arith.constant 0 : i32
        %dma_wait3A_101 = tpu.memref_slice %arg7[%add3A_93, %dma_wait3A_100] : memref<40x128xi32, #tpu.memory_space<vmem>> -> memref<1x128xi32, #tpu.memory_space<vmem>>
        %dma_wait3A_102 = tpu.memref_squeeze %dma_wait3A_101 : memref<1x128xi32, #tpu.memory_space<vmem>> -> memref<128xi32, #tpu.memory_space<vmem>>
        %dma_wait3A_103 = arith.constant 0 : i32
        %dma_wait3A_104 = arith.constant 0 : i32
        %dma_wait3A_105 = tpu.memref_slice %arg10[%dma_wait3A_103, %dma_wait3A_104] : memref<10240x128xf32, #tpu.memory_space<vmem_shared>> -> memref<10240x128xf32, #tpu.memory_space<vmem_shared>>
        tpu.wait_indirect_dma semaphore(%run_scoped3A : memref<!tpu.dma_semaphore, #tpu.memory_space<semaphore_mem>>) src(%arg9 : memref<128x128xf32, #tpu.memory_space<vmem>>) dst(%dma_wait3A_105 : memref<10240x128xf32, #tpu.memory_space<vmem_shared>>)
        tpu.yield
      }) : () -> ()
    }
    %scan3A_39 = arith.constant 20 : i32
    %mul3A_40 = arith.constant 80 : i32
    %mul3A_41 = arith.muli %add3A, %mul3A_40 : i32
    %add3A_42 = arith.constant 40 : i32
    %add3A_43 = arith.addi %mul3A_41, %add3A_42 : i32
    "tpu.region"() ({
      %run_scoped3A = tpu.sem_alloc : memref<!tpu.dma_semaphore, #tpu.memory_space<semaphore_mem>>
      %dma_start3A_64 = arith.constant 0 : i32
      %dma_start3A_65 = tpu.memref_slice %arg3[%add3A_43, %dma_start3A_64] : memref<2560x128xi32, #tpu.memory_space<hbm>> -> memref<40x128xi32, #tpu.memory_space<hbm>>
      %dma_start3A_66 = arith.constant 0 : i32
      %dma_start3A_67 = tpu.memref_slice %arg3[%add3A_43, %dma_start3A_66] : memref<2560x128xi32, #tpu.memory_space<hbm>> -> memref<40x128xi32, #tpu.memory_space<hbm>>
      tpu.enqueue_dma source(%dma_start3A_67 : memref<40x128xi32, #tpu.memory_space<hbm>>) target(%arg6 : memref<40x128xi32, #tpu.memory_space<vmem>>) target_semaphore(%run_scoped3A : memref<!tpu.dma_semaphore, #tpu.memory_space<semaphore_mem>>)
      %dma_wait3A = arith.constant 0 : i32
      %dma_wait3A_68 = tpu.memref_slice %arg3[%add3A_43, %dma_wait3A] : memref<2560x128xi32, #tpu.memory_space<hbm>> -> memref<40x128xi32, #tpu.memory_space<hbm>>
      %dma_wait3A_69 = arith.constant 0 : i32
      %dma_wait3A_70 = tpu.memref_slice %arg3[%add3A_43, %dma_wait3A_69] : memref<2560x128xi32, #tpu.memory_space<hbm>> -> memref<40x128xi32, #tpu.memory_space<hbm>>
      tpu.wait_dma2 semaphore(%run_scoped3A : memref<!tpu.dma_semaphore, #tpu.memory_space<semaphore_mem>>) src(%dma_wait3A_70 : memref<40x128xi32, #tpu.memory_space<hbm>>) dst(%arg6 : memref<40x128xi32, #tpu.memory_space<vmem>>)
      tpu.yield
    }) : () -> ()
    "tpu.region"() ({
      %run_scoped3A = tpu.sem_alloc : memref<!tpu.dma_semaphore, #tpu.memory_space<semaphore_mem>>
      %dma_start3A_64 = arith.constant 0 : i32
      %dma_start3A_65 = tpu.memref_slice %arg4[%add3A_43, %dma_start3A_64] : memref<2560x128xi32, #tpu.memory_space<hbm>> -> memref<40x128xi32, #tpu.memory_space<hbm>>
      %dma_start3A_66 = arith.constant 0 : i32
      %dma_start3A_67 = tpu.memref_slice %arg4[%add3A_43, %dma_start3A_66] : memref<2560x128xi32, #tpu.memory_space<hbm>> -> memref<40x128xi32, #tpu.memory_space<hbm>>
      tpu.enqueue_dma source(%dma_start3A_67 : memref<40x128xi32, #tpu.memory_space<hbm>>) target(%arg7 : memref<40x128xi32, #tpu.memory_space<vmem>>) target_semaphore(%run_scoped3A : memref<!tpu.dma_semaphore, #tpu.memory_space<semaphore_mem>>)
      %dma_wait3A = arith.constant 0 : i32
      %dma_wait3A_68 = tpu.memref_slice %arg4[%add3A_43, %dma_wait3A] : memref<2560x128xi32, #tpu.memory_space<hbm>> -> memref<40x128xi32, #tpu.memory_space<hbm>>
      %dma_wait3A_69 = arith.constant 0 : i32
      %dma_wait3A_70 = tpu.memref_slice %arg4[%add3A_43, %dma_wait3A_69] : memref<2560x128xi32, #tpu.memory_space<hbm>> -> memref<40x128xi32, #tpu.memory_space<hbm>>
      tpu.wait_dma2 semaphore(%run_scoped3A : memref<!tpu.dma_semaphore, #tpu.memory_space<semaphore_mem>>) src(%dma_wait3A_70 : memref<40x128xi32, #tpu.memory_space<hbm>>) dst(%arg7 : memref<40x128xi32, #tpu.memory_space<vmem>>)
      tpu.yield
    }) : () -> ()
    %dma_start3A_44 = arith.constant 0 : i32
    %dma_start3A_45 = arith.constant 0 : i32
    %dma_start3A_46 = tpu.memref_slice %arg6[%dma_start3A_44, %dma_start3A_45] : memref<40x128xi32, #tpu.memory_space<vmem>> -> memref<1x128xi32, #tpu.memory_space<vmem>>
    %dma_start3A_47 = tpu.memref_squeeze %dma_start3A_46 : memref<1x128xi32, #tpu.memory_space<vmem>> -> memref<128xi32, #tpu.memory_space<vmem>>
    %dma_start3A_48 = arith.constant 0 : i32
    %dma_start3A_49 = arith.constant 0 : i32
    %dma_start3A_50 = tpu.memref_slice %arg2[%dma_start3A_48, %dma_start3A_49] : memref<10000x128xf32, #tpu.memory_space<hbm>> -> memref<10000x128xf32, #tpu.memory_space<hbm>>
    tpu.enqueue_indirect_dma source(%dma_start3A_50 : memref<10000x128xf32, #tpu.memory_space<hbm>>) target(%arg8 : memref<128x128xf32, #tpu.memory_space<vmem>>) offsets(%dma_start3A_47 : memref<128xi32, #tpu.memory_space<vmem>>) semaphore(%arg11 : memref<!tpu.dma_semaphore, #tpu.memory_space<semaphore_mem>>)
    %scan3A_51 = arith.constant 0 : i32
    %scan3A_52 = arith.constant 20 : i32
    %scan3A_53 = arith.addi %scan3A_51, %scan3A_52 : i32
    %scan3A_54 = arith.constant 1 : i32
    scf.for %scan3A_64 = %scan3A_51 to %scan3A_53 step %scan3A_54  : i32 {
      %mul3A_65 = arith.constant 2 : i32
      %mul3A_66 = arith.muli %mul3A_65, %scan3A_64 : i32
      %add3A_67 = arith.constant 1 : i32
      %add3A_68 = arith.addi %mul3A_66, %add3A_67 : i32
      %dma_start3A_69 = arith.constant 0 : i32
      %dma_start3A_70 = tpu.memref_slice %arg6[%add3A_68, %dma_start3A_69] : memref<40x128xi32, #tpu.memory_space<vmem>> -> memref<1x128xi32, #tpu.memory_space<vmem>>
      %dma_start3A_71 = tpu.memref_squeeze %dma_start3A_70 : memref<1x128xi32, #tpu.memory_space<vmem>> -> memref<128xi32, #tpu.memory_space<vmem>>
      %dma_start3A_72 = arith.constant 0 : i32
      %dma_start3A_73 = arith.constant 0 : i32
      %dma_start3A_74 = tpu.memref_slice %arg2[%dma_start3A_72, %dma_start3A_73] : memref<10000x128xf32, #tpu.memory_space<hbm>> -> memref<10000x128xf32, #tpu.memory_space<hbm>>
      tpu.enqueue_indirect_dma source(%dma_start3A_74 : memref<10000x128xf32, #tpu.memory_space<hbm>>) target(%arg9 : memref<128x128xf32, #tpu.memory_space<vmem>>) offsets(%dma_start3A_71 : memref<128xi32, #tpu.memory_space<vmem>>) semaphore(%arg12 : memref<!tpu.dma_semaphore, #tpu.memory_space<semaphore_mem>>)
      %dma_wait3A = arith.constant 0 : i32
      %dma_wait3A_75 = arith.constant 0 : i32
      %dma_wait3A_76 = tpu.memref_slice %arg6[%dma_wait3A, %dma_wait3A_75] : memref<40x128xi32, #tpu.memory_space<vmem>> -> memref<1x128xi32, #tpu.memory_space<vmem>>
      %dma_wait3A_77 = tpu.memref_squeeze %dma_wait3A_76 : memref<1x128xi32, #tpu.memory_space<vmem>> -> memref<128xi32, #tpu.memory_space<vmem>>
      %dma_wait3A_78 = arith.constant 0 : i32
      %dma_wait3A_79 = arith.constant 0 : i32
      %dma_wait3A_80 = tpu.memref_slice %arg2[%dma_wait3A_78, %dma_wait3A_79] : memref<10000x128xf32, #tpu.memory_space<hbm>> -> memref<10000x128xf32, #tpu.memory_space<hbm>>
      tpu.wait_indirect_dma semaphore(%arg11 : memref<!tpu.dma_semaphore, #tpu.memory_space<semaphore_mem>>) src(%dma_wait3A_80 : memref<10000x128xf32, #tpu.memory_space<hbm>>) dst(%arg8 : memref<128x128xf32, #tpu.memory_space<vmem>>)
      "tpu.region"() ({
        %run_scoped3A = tpu.sem_alloc : memref<!tpu.dma_semaphore, #tpu.memory_space<semaphore_mem>>
        %dma_start3A_94 = arith.constant 0 : i32
        %dma_start3A_95 = tpu.memref_slice %arg7[%mul3A_66, %dma_start3A_94] : memref<40x128xi32, #tpu.memory_space<vmem>> -> memref<1x128xi32, #tpu.memory_space<vmem>>
        %dma_start3A_96 = tpu.memref_squeeze %dma_start3A_95 : memref<1x128xi32, #tpu.memory_space<vmem>> -> memref<128xi32, #tpu.memory_space<vmem>>
        %dma_start3A_97 = arith.constant 0 : i32
        %dma_start3A_98 = arith.constant 0 : i32
        %dma_start3A_99 = tpu.memref_slice %arg10[%dma_start3A_97, %dma_start3A_98] : memref<10240x128xf32, #tpu.memory_space<vmem_shared>> -> memref<10240x128xf32, #tpu.memory_space<vmem_shared>>
        tpu.enqueue_indirect_dma source(%arg8 : memref<128x128xf32, #tpu.memory_space<vmem>>) target(%dma_start3A_99 : memref<10240x128xf32, #tpu.memory_space<vmem_shared>>) offsets(%dma_start3A_96 : memref<128xi32, #tpu.memory_space<vmem>>) semaphore(%run_scoped3A : memref<!tpu.dma_semaphore, #tpu.memory_space<semaphore_mem>>) {add = true}
        %dma_wait3A_100 = arith.constant 0 : i32
        %dma_wait3A_101 = tpu.memref_slice %arg7[%mul3A_66, %dma_wait3A_100] : memref<40x128xi32, #tpu.memory_space<vmem>> -> memref<1x128xi32, #tpu.memory_space<vmem>>
        %dma_wait3A_102 = tpu.memref_squeeze %dma_wait3A_101 : memref<1x128xi32, #tpu.memory_space<vmem>> -> memref<128xi32, #tpu.memory_space<vmem>>
        %dma_wait3A_103 = arith.constant 0 : i32
        %dma_wait3A_104 = arith.constant 0 : i32
        %dma_wait3A_105 = tpu.memref_slice %arg10[%dma_wait3A_103, %dma_wait3A_104] : memref<10240x128xf32, #tpu.memory_space<vmem_shared>> -> memref<10240x128xf32, #tpu.memory_space<vmem_shared>>
        tpu.wait_indirect_dma semaphore(%run_scoped3A : memref<!tpu.dma_semaphore, #tpu.memory_space<semaphore_mem>>) src(%arg8 : memref<128x128xf32, #tpu.memory_space<vmem>>) dst(%dma_wait3A_105 : memref<10240x128xf32, #tpu.memory_space<vmem_shared>>)
        tpu.yield
      }) : () -> ()
      %add3A_81 = arith.constant 2 : i32
      %add3A_82 = arith.addi %mul3A_66, %add3A_81 : i32
      %lt3A = arith.constant 40 : i32
      %lt3A_83 = arith.cmpi slt, %add3A_82, %lt3A : i32
      %convert_element_type3A = arith.extui %lt3A_83 : i1 to i32
      %cond3A = arith.constant 0 : i32
      %cond3A_84 = arith.cmpi ne, %convert_element_type3A, %cond3A : i32
      scf.if %cond3A_84 {
        %add3A_94 = arith.constant 2 : i32
        %add3A_95 = arith.addi %mul3A_66, %add3A_94 : i32
        %dma_start3A_96 = arith.constant 0 : i32
        %dma_start3A_97 = tpu.memref_slice %arg6[%add3A_95, %dma_start3A_96] : memref<40x128xi32, #tpu.memory_space<vmem>> -> memref<1x128xi32, #tpu.memory_space<vmem>>
        %dma_start3A_98 = tpu.memref_squeeze %dma_start3A_97 : memref<1x128xi32, #tpu.memory_space<vmem>> -> memref<128xi32, #tpu.memory_space<vmem>>
        %dma_start3A_99 = arith.constant 0 : i32
        %dma_start3A_100 = arith.constant 0 : i32
        %dma_start3A_101 = tpu.memref_slice %arg2[%dma_start3A_99, %dma_start3A_100] : memref<10000x128xf32, #tpu.memory_space<hbm>> -> memref<10000x128xf32, #tpu.memory_space<hbm>>
        tpu.enqueue_indirect_dma source(%dma_start3A_101 : memref<10000x128xf32, #tpu.memory_space<hbm>>) target(%arg8 : memref<128x128xf32, #tpu.memory_space<vmem>>) offsets(%dma_start3A_98 : memref<128xi32, #tpu.memory_space<vmem>>) semaphore(%arg11 : memref<!tpu.dma_semaphore, #tpu.memory_space<semaphore_mem>>)
      } else {
      }
      %dma_wait3A_85 = arith.constant 0 : i32
      %dma_wait3A_86 = arith.constant 0 : i32
      %dma_wait3A_87 = tpu.memref_slice %arg6[%dma_wait3A_85, %dma_wait3A_86] : memref<40x128xi32, #tpu.memory_space<vmem>> -> memref<1x128xi32, #tpu.memory_space<vmem>>
      %dma_wait3A_88 = tpu.memref_squeeze %dma_wait3A_87 : memref<1x128xi32, #tpu.memory_space<vmem>> -> memref<128xi32, #tpu.memory_space<vmem>>
      %dma_wait3A_89 = arith.constant 0 : i32
      %dma_wait3A_90 = arith.constant 0 : i32
      %dma_wait3A_91 = tpu.memref_slice %arg2[%dma_wait3A_89, %dma_wait3A_90] : memref<10000x128xf32, #tpu.memory_space<hbm>> -> memref<10000x128xf32, #tpu.memory_space<hbm>>
      tpu.wait_indirect_dma semaphore(%arg12 : memref<!tpu.dma_semaphore, #tpu.memory_space<semaphore_mem>>) src(%dma_wait3A_91 : memref<10000x128xf32, #tpu.memory_space<hbm>>) dst(%arg9 : memref<128x128xf32, #tpu.memory_space<vmem>>)
      %add3A_92 = arith.constant 1 : i32
      %add3A_93 = arith.addi %mul3A_66, %add3A_92 : i32
      "tpu.region"() ({
        %run_scoped3A = tpu.sem_alloc : memref<!tpu.dma_semaphore, #tpu.memory_space<semaphore_mem>>
        %dma_start3A_94 = arith.constant 0 : i32
        %dma_start3A_95 = tpu.memref_slice %arg7[%add3A_93, %dma_start3A_94] : memref<40x128xi32, #tpu.memory_space<vmem>> -> memref<1x128xi32, #tpu.memory_space<vmem>>
        %dma_start3A_96 = tpu.memref_squeeze %dma_start3A_95 : memref<1x128xi32, #tpu.memory_space<vmem>> -> memref<128xi32, #tpu.memory_space<vmem>>
        %dma_start3A_97 = arith.constant 0 : i32
        %dma_start3A_98 = arith.constant 0 : i32
        %dma_start3A_99 = tpu.memref_slice %arg10[%dma_start3A_97, %dma_start3A_98] : memref<10240x128xf32, #tpu.memory_space<vmem_shared>> -> memref<10240x128xf32, #tpu.memory_space<vmem_shared>>
        tpu.enqueue_indirect_dma source(%arg9 : memref<128x128xf32, #tpu.memory_space<vmem>>) target(%dma_start3A_99 : memref<10240x128xf32, #tpu.memory_space<vmem_shared>>) offsets(%dma_start3A_96 : memref<128xi32, #tpu.memory_space<vmem>>) semaphore(%run_scoped3A : memref<!tpu.dma_semaphore, #tpu.memory_space<semaphore_mem>>) {add = true}
        %dma_wait3A_100 = arith.constant 0 : i32
        %dma_wait3A_101 = tpu.memref_slice %arg7[%add3A_93, %dma_wait3A_100] : memref<40x128xi32, #tpu.memory_space<vmem>> -> memref<1x128xi32, #tpu.memory_space<vmem>>
        %dma_wait3A_102 = tpu.memref_squeeze %dma_wait3A_101 : memref<1x128xi32, #tpu.memory_space<vmem>> -> memref<128xi32, #tpu.memory_space<vmem>>
        %dma_wait3A_103 = arith.constant 0 : i32
        %dma_wait3A_104 = arith.constant 0 : i32
        %dma_wait3A_105 = tpu.memref_slice %arg10[%dma_wait3A_103, %dma_wait3A_104] : memref<10240x128xf32, #tpu.memory_space<vmem_shared>> -> memref<10240x128xf32, #tpu.memory_space<vmem_shared>>
        tpu.wait_indirect_dma semaphore(%run_scoped3A : memref<!tpu.dma_semaphore, #tpu.memory_space<semaphore_mem>>) src(%arg9 : memref<128x128xf32, #tpu.memory_space<vmem>>) dst(%dma_wait3A_105 : memref<10240x128xf32, #tpu.memory_space<vmem_shared>>)
        tpu.yield
      }) : () -> ()
    }
    %scan3A_55 = arith.constant 20 : i32
    %barrier3A_56 = arith.constant 0 : index
    tpu.barrier barrier_id(%barrier3A_56)
    %mul3A_57 = arith.constant 640 : i32
    %mul3A_58 = arith.muli %arg1, %mul3A_57 : i32
    %mul3A_59 = arith.constant 10240 : i32
    %mul3A_60 = arith.muli %arg0, %mul3A_59 : i32
    %mul3A_61 = arith.constant 640 : i32
    %mul3A_62 = arith.muli %arg1, %mul3A_61 : i32
    %add3A_63 = arith.addi %mul3A_60, %mul3A_62 : i32
    "tpu.region"() ({
      %run_scoped3A = tpu.sem_alloc : memref<!tpu.dma_semaphore, #tpu.memory_space<semaphore_mem>>
      %dma_start3A_64 = arith.constant 0 : i32
      %dma_start3A_65 = tpu.memref_slice %arg5[%add3A_63, %dma_start3A_64] : memref<20480x128xf32, #tpu.memory_space<hbm>> -> memref<640x128xf32, #tpu.memory_space<hbm>>
      %dma_start3A_66 = arith.constant 0 : i32
      %dma_start3A_67 = tpu.memref_slice %arg10[%mul3A_58, %dma_start3A_66] : memref<10240x128xf32, #tpu.memory_space<vmem_shared>> -> memref<640x128xf32, #tpu.memory_space<vmem_shared>>
      tpu.enqueue_dma source(%dma_start3A_67 : memref<640x128xf32, #tpu.memory_space<vmem_shared>>) target(%dma_start3A_65 : memref<640x128xf32, #tpu.memory_space<hbm>>) target_semaphore(%run_scoped3A : memref<!tpu.dma_semaphore, #tpu.memory_space<semaphore_mem>>)
      %dma_wait3A = arith.constant 0 : i32
      %dma_wait3A_68 = tpu.memref_slice %arg5[%add3A_63, %dma_wait3A] : memref<20480x128xf32, #tpu.memory_space<hbm>> -> memref<640x128xf32, #tpu.memory_space<hbm>>
      %dma_wait3A_69 = arith.constant 0 : i32
      %dma_wait3A_70 = tpu.memref_slice %arg10[%mul3A_58, %dma_wait3A_69] : memref<10240x128xf32, #tpu.memory_space<vmem_shared>> -> memref<640x128xf32, #tpu.memory_space<vmem_shared>>
      tpu.wait_dma2 semaphore(%run_scoped3A : memref<!tpu.dma_semaphore, #tpu.memory_space<semaphore_mem>>) src(%dma_wait3A_70 : memref<640x128xf32, #tpu.memory_space<vmem_shared>>) dst(%dma_wait3A_68 : memref<640x128xf32, #tpu.memory_space<hbm>>)
      tpu.yield
    }) : () -> ()
    return
  }
}

#map = affine_map<(d0, d1) -> (0, 0)>
module attributes {stable_mosaic.version = 14 : i64} {
  func.func @_agg_body(%arg0: i32, %arg1: i32, %arg2: memref<10000x128xf32, #tpu.memory_space<hbm>>, %arg3: memref<2560x128xi32, #tpu.memory_space<hbm>>, %arg4: memref<2560x128xi32, #tpu.memory_space<hbm>>, %arg5: memref<20480x128xf32, #tpu.memory_space<hbm>>, %arg6: memref<40x128xi32, #tpu.memory_space<vmem>>, %arg7: memref<40x128xi32, #tpu.memory_space<vmem>>, %arg8: memref<128x128xf32, #tpu.memory_space<vmem>>, %arg9: memref<128x128xf32, #tpu.memory_space<vmem>>, %arg10: memref<10240x128xf32, #tpu.memory_space<vmem_shared>>, %arg11: memref<!tpu.dma_semaphore, #tpu.memory_space<semaphore_mem>>, %arg12: memref<!tpu.dma_semaphore, #tpu.memory_space<semaphore_mem>>) attributes {dimension_semantics = [#tpu.dimension_semantics<core_parallel>, #tpu.dimension_semantics<subcore_parallel>], iteration_bounds = array<i64: 2, 16>, scalar_prefetch = 0 : i64, scratch_operands = 7 : i64, tpu.core_type = #tpu.core_type<sc_vector_subcore>, window_params = [{transform_indices = #map}, {transform_indices = #map}, {transform_indices = #map}, {transform_indices = #map}]} {
    %mul3A = arith.constant 16 : i32
    %mul3A_0 = arith.muli %arg0, %mul3A : i32
    %add3A = arith.addi %mul3A_0, %arg1 : i32
    %scan3A = arith.constant 0 : i32
    %scan3A_1 = arith.constant 128 : i32
    %scan3A_2 = arith.addi %scan3A, %scan3A_1 : i32
    %scan3A_3 = arith.constant 1 : i32
    scf.for %scan3A_64 = %scan3A to %scan3A_2 step %scan3A_3  : i32 {
      %broadcast_in_dim3A = arith.constant 0.000000e+00 : f32
      %broadcast_in_dim3A_65 = vector.broadcast %broadcast_in_dim3A : f32 to vector<16xf32>
      %swap3A = arith.index_cast %scan3A_64 : i32 to index
      %swap3A_66 = arith.constant 0 : index
      %swap3A_67 = tpu.vector_load %arg8[%swap3A, %swap3A_66] {strides = array<i32>} : memref<128x128xf32, #tpu.memory_space<vmem>>, vector<1x16xf32>,
      %swap3A_68 = vector.shape_cast %swap3A_67 : vector<1x16xf32> to vector<16xf32>
      %swap3A_69 = vector.shape_cast %broadcast_in_dim3A_65 : vector<16xf32> to vector<1x16xf32>
      tpu.vector_store %arg8[%swap3A, %swap3A_66], %swap3A_69 {strides = array<i32>} : memref<128x128xf32, #tpu.memory_space<vmem>>, vector<1x16xf32>,
      %broadcast_in_dim3A_70 = arith.constant 0.000000e+00 : f32
      %broadcast_in_dim3A_71 = vector.broadcast %broadcast_in_dim3A_70 : f32 to vector<16xf32>
      %swap3A_72 = arith.index_cast %scan3A_64 : i32 to index
      %swap3A_73 = arith.constant 16 : index
      %swap3A_74 = tpu.vector_load %arg8[%swap3A_72, %swap3A_73] {strides = array<i32>} : memref<128x128xf32, #tpu.memory_space<vmem>>, vector<1x16xf32>,
      %swap3A_75 = vector.shape_cast %swap3A_74 : vector<1x16xf32> to vector<16xf32>
      %swap3A_76 = vector.shape_cast %broadcast_in_dim3A_71 : vector<16xf32> to vector<1x16xf32>
      tpu.vector_store %arg8[%swap3A_72, %swap3A_73], %swap3A_76 {strides = array<i32>} : memref<128x128xf32, #tpu.memory_space<vmem>>, vector<1x16xf32>,
      %broadcast_in_dim3A_77 = arith.constant 0.000000e+00 : f32
      %broadcast_in_dim3A_78 = vector.broadcast %broadcast_in_dim3A_77 : f32 to vector<16xf32>
      %swap3A_79 = arith.index_cast %scan3A_64 : i32 to index
      %swap3A_80 = arith.constant 32 : index
      %swap3A_81 = tpu.vector_load %arg8[%swap3A_79, %swap3A_80] {strides = array<i32>} : memref<128x128xf32, #tpu.memory_space<vmem>>, vector<1x16xf32>,
      %swap3A_82 = vector.shape_cast %swap3A_81 : vector<1x16xf32> to vector<16xf32>
      %swap3A_83 = vector.shape_cast %broadcast_in_dim3A_78 : vector<16xf32> to vector<1x16xf32>
      tpu.vector_store %arg8[%swap3A_79, %swap3A_80], %swap3A_83 {strides = array<i32>} : memref<128x128xf32, #tpu.memory_space<vmem>>, vector<1x16xf32>,
      %broadcast_in_dim3A_84 = arith.constant 0.000000e+00 : f32
      %broadcast_in_dim3A_85 = vector.broadcast %broadcast_in_dim3A_84 : f32 to vector<16xf32>
      %swap3A_86 = arith.index_cast %scan3A_64 : i32 to index
      %swap3A_87 = arith.constant 48 : index
      %swap3A_88 = tpu.vector_load %arg8[%swap3A_86, %swap3A_87] {strides = array<i32>} : memref<128x128xf32, #tpu.memory_space<vmem>>, vector<1x16xf32>,
      %swap3A_89 = vector.shape_cast %swap3A_88 : vector<1x16xf32> to vector<16xf32>
      %swap3A_90 = vector.shape_cast %broadcast_in_dim3A_85 : vector<16xf32> to vector<1x16xf32>
      tpu.vector_store %arg8[%swap3A_86, %swap3A_87], %swap3A_90 {strides = array<i32>} : memref<128x128xf32, #tpu.memory_space<vmem>>, vector<1x16xf32>,
      %broadcast_in_dim3A_91 = arith.constant 0.000000e+00 : f32
      %broadcast_in_dim3A_92 = vector.broadcast %broadcast_in_dim3A_91 : f32 to vector<16xf32>
      %swap3A_93 = arith.index_cast %scan3A_64 : i32 to index
      %swap3A_94 = arith.constant 64 : index
      %swap3A_95 = tpu.vector_load %arg8[%swap3A_93, %swap3A_94] {strides = array<i32>} : memref<128x128xf32, #tpu.memory_space<vmem>>, vector<1x16xf32>,
      %swap3A_96 = vector.shape_cast %swap3A_95 : vector<1x16xf32> to vector<16xf32>
      %swap3A_97 = vector.shape_cast %broadcast_in_dim3A_92 : vector<16xf32> to vector<1x16xf32>
      tpu.vector_store %arg8[%swap3A_93, %swap3A_94], %swap3A_97 {strides = array<i32>} : memref<128x128xf32, #tpu.memory_space<vmem>>, vector<1x16xf32>,
      %broadcast_in_dim3A_98 = arith.constant 0.000000e+00 : f32
      %broadcast_in_dim3A_99 = vector.broadcast %broadcast_in_dim3A_98 : f32 to vector<16xf32>
      %swap3A_100 = arith.index_cast %scan3A_64 : i32 to index
      %swap3A_101 = arith.constant 80 : index
      %swap3A_102 = tpu.vector_load %arg8[%swap3A_100, %swap3A_101] {strides = array<i32>} : memref<128x128xf32, #tpu.memory_space<vmem>>, vector<1x16xf32>,
      %swap3A_103 = vector.shape_cast %swap3A_102 : vector<1x16xf32> to vector<16xf32>
      %swap3A_104 = vector.shape_cast %broadcast_in_dim3A_99 : vector<16xf32> to vector<1x16xf32>
      tpu.vector_store %arg8[%swap3A_100, %swap3A_101], %swap3A_104 {strides = array<i32>} : memref<128x128xf32, #tpu.memory_space<vmem>>, vector<1x16xf32>,
      %broadcast_in_dim3A_105 = arith.constant 0.000000e+00 : f32
      %broadcast_in_dim3A_106 = vector.broadcast %broadcast_in_dim3A_105 : f32 to vector<16xf32>
      %swap3A_107 = arith.index_cast %scan3A_64 : i32 to index
      %swap3A_108 = arith.constant 96 : index
      %swap3A_109 = tpu.vector_load %arg8[%swap3A_107, %swap3A_108] {strides = array<i32>} : memref<128x128xf32, #tpu.memory_space<vmem>>, vector<1x16xf32>,
      %swap3A_110 = vector.shape_cast %swap3A_109 : vector<1x16xf32> to vector<16xf32>
      %swap3A_111 = vector.shape_cast %broadcast_in_dim3A_106 : vector<16xf32> to vector<1x16xf32>
      tpu.vector_store %arg8[%swap3A_107, %swap3A_108], %swap3A_111 {strides = array<i32>} : memref<128x128xf32, #tpu.memory_space<vmem>>, vector<1x16xf32>,
      %broadcast_in_dim3A_112 = arith.constant 0.000000e+00 : f32
      %broadcast_in_dim3A_113 = vector.broadcast %broadcast_in_dim3A_112 : f32 to vector<16xf32>
      %swap3A_114 = arith.index_cast %scan3A_64 : i32 to index
      %swap3A_115 = arith.constant 112 : index
      %swap3A_116 = tpu.vector_load %arg8[%swap3A_114, %swap3A_115] {strides = array<i32>} : memref<128x128xf32, #tpu.memory_space<vmem>>, vector<1x16xf32>,
      %swap3A_117 = vector.shape_cast %swap3A_116 : vector<1x16xf32> to vector<16xf32>
      %swap3A_118 = vector.shape_cast %broadcast_in_dim3A_113 : vector<16xf32> to vector<1x16xf32>
      tpu.vector_store %arg8[%swap3A_114, %swap3A_115], %swap3A_118 {strides = array<i32>} : memref<128x128xf32, #tpu.memory_space<vmem>>, vector<1x16xf32>,
    }
    %scan3A_4 = arith.constant 128 : i32
    %mul3A_5 = arith.constant 640 : i32
    %mul3A_6 = arith.muli %arg1, %mul3A_5 : i32
    %add3A_7 = arith.constant 0 : i32
    %add3A_8 = arith.addi %mul3A_6, %add3A_7 : i32
    "tpu.region"() ({
      %run_scoped3A = tpu.sem_alloc : memref<!tpu.dma_semaphore, #tpu.memory_space<semaphore_mem>>
      %dma_start3A_64 = arith.constant 0 : i32
      %dma_start3A_65 = tpu.memref_slice %arg10[%add3A_8, %dma_start3A_64] : memref<10240x128xf32, #tpu.memory_space<vmem_shared>> -> memref<128x128xf32, #tpu.memory_space<vmem_shared>>
      %dma_start3A_66 = arith.constant 0 : i32
      %dma_start3A_67 = tpu.memref_slice %arg10[%add3A_8, %dma_start3A_66] : memref<10240x128xf32, #tpu.memory_space<vmem_shared>> -> memref<128x128xf32, #tpu.memory_space<vmem_shared>>
      tpu.enqueue_dma source(%arg8 : memref<128x128xf32, #tpu.memory_space<vmem>>) target(%dma_start3A_67 : memref<128x128xf32, #tpu.memory_space<vmem_shared>>) target_semaphore(%run_scoped3A : memref<!tpu.dma_semaphore, #tpu.memory_space<semaphore_mem>>)
      %dma_wait3A = arith.constant 0 : i32
      %dma_wait3A_68 = tpu.memref_slice %arg10[%add3A_8, %dma_wait3A] : memref<10240x128xf32, #tpu.memory_space<vmem_shared>> -> memref<128x128xf32, #tpu.memory_space<vmem_shared>>
      %dma_wait3A_69 = arith.constant 0 : i32
      %dma_wait3A_70 = tpu.memref_slice %arg10[%add3A_8, %dma_wait3A_69] : memref<10240x128xf32, #tpu.memory_space<vmem_shared>> -> memref<128x128xf32, #tpu.memory_space<vmem_shared>>
      tpu.wait_dma2 semaphore(%run_scoped3A : memref<!tpu.dma_semaphore, #tpu.memory_space<semaphore_mem>>) src(%arg8 : memref<128x128xf32, #tpu.memory_space<vmem>>) dst(%dma_wait3A_70 : memref<128x128xf32, #tpu.memory_space<vmem_shared>>)
      tpu.yield
    }) : () -> ()
    %mul3A_9 = arith.constant 640 : i32
    %mul3A_10 = arith.muli %arg1, %mul3A_9 : i32
    %add3A_11 = arith.constant 128 : i32
    %add3A_12 = arith.addi %mul3A_10, %add3A_11 : i32
    "tpu.region"() ({
      %run_scoped3A = tpu.sem_alloc : memref<!tpu.dma_semaphore, #tpu.memory_space<semaphore_mem>>
      %dma_start3A_64 = arith.constant 0 : i32
      %dma_start3A_65 = tpu.memref_slice %arg10[%add3A_12, %dma_start3A_64] : memref<10240x128xf32, #tpu.memory_space<vmem_shared>> -> memref<128x128xf32, #tpu.memory_space<vmem_shared>>
      %dma_start3A_66 = arith.constant 0 : i32
      %dma_start3A_67 = tpu.memref_slice %arg10[%add3A_12, %dma_start3A_66] : memref<10240x128xf32, #tpu.memory_space<vmem_shared>> -> memref<128x128xf32, #tpu.memory_space<vmem_shared>>
      tpu.enqueue_dma source(%arg8 : memref<128x128xf32, #tpu.memory_space<vmem>>) target(%dma_start3A_67 : memref<128x128xf32, #tpu.memory_space<vmem_shared>>) target_semaphore(%run_scoped3A : memref<!tpu.dma_semaphore, #tpu.memory_space<semaphore_mem>>)
      %dma_wait3A = arith.constant 0 : i32
      %dma_wait3A_68 = tpu.memref_slice %arg10[%add3A_12, %dma_wait3A] : memref<10240x128xf32, #tpu.memory_space<vmem_shared>> -> memref<128x128xf32, #tpu.memory_space<vmem_shared>>
      %dma_wait3A_69 = arith.constant 0 : i32
      %dma_wait3A_70 = tpu.memref_slice %arg10[%add3A_12, %dma_wait3A_69] : memref<10240x128xf32, #tpu.memory_space<vmem_shared>> -> memref<128x128xf32, #tpu.memory_space<vmem_shared>>
      tpu.wait_dma2 semaphore(%run_scoped3A : memref<!tpu.dma_semaphore, #tpu.memory_space<semaphore_mem>>) src(%arg8 : memref<128x128xf32, #tpu.memory_space<vmem>>) dst(%dma_wait3A_70 : memref<128x128xf32, #tpu.memory_space<vmem_shared>>)
      tpu.yield
    }) : () -> ()
    %mul3A_13 = arith.constant 640 : i32
    %mul3A_14 = arith.muli %arg1, %mul3A_13 : i32
    %add3A_15 = arith.constant 256 : i32
    %add3A_16 = arith.addi %mul3A_14, %add3A_15 : i32
    "tpu.region"() ({
      %run_scoped3A = tpu.sem_alloc : memref<!tpu.dma_semaphore, #tpu.memory_space<semaphore_mem>>
      %dma_start3A_64 = arith.constant 0 : i32
      %dma_start3A_65 = tpu.memref_slice %arg10[%add3A_16, %dma_start3A_64] : memref<10240x128xf32, #tpu.memory_space<vmem_shared>> -> memref<128x128xf32, #tpu.memory_space<vmem_shared>>
      %dma_start3A_66 = arith.constant 0 : i32
      %dma_start3A_67 = tpu.memref_slice %arg10[%add3A_16, %dma_start3A_66] : memref<10240x128xf32, #tpu.memory_space<vmem_shared>> -> memref<128x128xf32, #tpu.memory_space<vmem_shared>>
      tpu.enqueue_dma source(%arg8 : memref<128x128xf32, #tpu.memory_space<vmem>>) target(%dma_start3A_67 : memref<128x128xf32, #tpu.memory_space<vmem_shared>>) target_semaphore(%run_scoped3A : memref<!tpu.dma_semaphore, #tpu.memory_space<semaphore_mem>>)
      %dma_wait3A = arith.constant 0 : i32
      %dma_wait3A_68 = tpu.memref_slice %arg10[%add3A_16, %dma_wait3A] : memref<10240x128xf32, #tpu.memory_space<vmem_shared>> -> memref<128x128xf32, #tpu.memory_space<vmem_shared>>
      %dma_wait3A_69 = arith.constant 0 : i32
      %dma_wait3A_70 = tpu.memref_slice %arg10[%add3A_16, %dma_wait3A_69] : memref<10240x128xf32, #tpu.memory_space<vmem_shared>> -> memref<128x128xf32, #tpu.memory_space<vmem_shared>>
      tpu.wait_dma2 semaphore(%run_scoped3A : memref<!tpu.dma_semaphore, #tpu.memory_space<semaphore_mem>>) src(%arg8 : memref<128x128xf32, #tpu.memory_space<vmem>>) dst(%dma_wait3A_70 : memref<128x128xf32, #tpu.memory_space<vmem_shared>>)
      tpu.yield
    }) : () -> ()
    %mul3A_17 = arith.constant 640 : i32
    %mul3A_18 = arith.muli %arg1, %mul3A_17 : i32
    %add3A_19 = arith.constant 384 : i32
    %add3A_20 = arith.addi %mul3A_18, %add3A_19 : i32
    "tpu.region"() ({
      %run_scoped3A = tpu.sem_alloc : memref<!tpu.dma_semaphore, #tpu.memory_space<semaphore_mem>>
      %dma_start3A_64 = arith.constant 0 : i32
      %dma_start3A_65 = tpu.memref_slice %arg10[%add3A_20, %dma_start3A_64] : memref<10240x128xf32, #tpu.memory_space<vmem_shared>> -> memref<128x128xf32, #tpu.memory_space<vmem_shared>>
      %dma_start3A_66 = arith.constant 0 : i32
      %dma_start3A_67 = tpu.memref_slice %arg10[%add3A_20, %dma_start3A_66] : memref<10240x128xf32, #tpu.memory_space<vmem_shared>> -> memref<128x128xf32, #tpu.memory_space<vmem_shared>>
      tpu.enqueue_dma source(%arg8 : memref<128x128xf32, #tpu.memory_space<vmem>>) target(%dma_start3A_67 : memref<128x128xf32, #tpu.memory_space<vmem_shared>>) target_semaphore(%run_scoped3A : memref<!tpu.dma_semaphore, #tpu.memory_space<semaphore_mem>>)
      %dma_wait3A = arith.constant 0 : i32
      %dma_wait3A_68 = tpu.memref_slice %arg10[%add3A_20, %dma_wait3A] : memref<10240x128xf32, #tpu.memory_space<vmem_shared>> -> memref<128x128xf32, #tpu.memory_space<vmem_shared>>
      %dma_wait3A_69 = arith.constant 0 : i32
      %dma_wait3A_70 = tpu.memref_slice %arg10[%add3A_20, %dma_wait3A_69] : memref<10240x128xf32, #tpu.memory_space<vmem_shared>> -> memref<128x128xf32, #tpu.memory_space<vmem_shared>>
      tpu.wait_dma2 semaphore(%run_scoped3A : memref<!tpu.dma_semaphore, #tpu.memory_space<semaphore_mem>>) src(%arg8 : memref<128x128xf32, #tpu.memory_space<vmem>>) dst(%dma_wait3A_70 : memref<128x128xf32, #tpu.memory_space<vmem_shared>>)
      tpu.yield
    }) : () -> ()
    %mul3A_21 = arith.constant 640 : i32
    %mul3A_22 = arith.muli %arg1, %mul3A_21 : i32
    %add3A_23 = arith.constant 512 : i32
    %add3A_24 = arith.addi %mul3A_22, %add3A_23 : i32
    "tpu.region"() ({
      %run_scoped3A = tpu.sem_alloc : memref<!tpu.dma_semaphore, #tpu.memory_space<semaphore_mem>>
      %dma_start3A_64 = arith.constant 0 : i32
      %dma_start3A_65 = tpu.memref_slice %arg10[%add3A_24, %dma_start3A_64] : memref<10240x128xf32, #tpu.memory_space<vmem_shared>> -> memref<128x128xf32, #tpu.memory_space<vmem_shared>>
      %dma_start3A_66 = arith.constant 0 : i32
      %dma_start3A_67 = tpu.memref_slice %arg10[%add3A_24, %dma_start3A_66] : memref<10240x128xf32, #tpu.memory_space<vmem_shared>> -> memref<128x128xf32, #tpu.memory_space<vmem_shared>>
      tpu.enqueue_dma source(%arg8 : memref<128x128xf32, #tpu.memory_space<vmem>>) target(%dma_start3A_67 : memref<128x128xf32, #tpu.memory_space<vmem_shared>>) target_semaphore(%run_scoped3A : memref<!tpu.dma_semaphore, #tpu.memory_space<semaphore_mem>>)
      %dma_wait3A = arith.constant 0 : i32
      %dma_wait3A_68 = tpu.memref_slice %arg10[%add3A_24, %dma_wait3A] : memref<10240x128xf32, #tpu.memory_space<vmem_shared>> -> memref<128x128xf32, #tpu.memory_space<vmem_shared>>
      %dma_wait3A_69 = arith.constant 0 : i32
      %dma_wait3A_70 = tpu.memref_slice %arg10[%add3A_24, %dma_wait3A_69] : memref<10240x128xf32, #tpu.memory_space<vmem_shared>> -> memref<128x128xf32, #tpu.memory_space<vmem_shared>>
      tpu.wait_dma2 semaphore(%run_scoped3A : memref<!tpu.dma_semaphore, #tpu.memory_space<semaphore_mem>>) src(%arg8 : memref<128x128xf32, #tpu.memory_space<vmem>>) dst(%dma_wait3A_70 : memref<128x128xf32, #tpu.memory_space<vmem_shared>>)
      tpu.yield
    }) : () -> ()
    %barrier3A = arith.constant 0 : index
    tpu.barrier barrier_id(%barrier3A)
    %mul3A_25 = arith.constant 80 : i32
    %mul3A_26 = arith.muli %add3A, %mul3A_25 : i32
    %add3A_27 = arith.constant 0 : i32
    %add3A_28 = arith.addi %mul3A_26, %add3A_27 : i32
    "tpu.region"() ({
      %run_scoped3A = tpu.sem_alloc : memref<!tpu.dma_semaphore, #tpu.memory_space<semaphore_mem>>
      %dma_start3A_64 = arith.constant 0 : i32
      %dma_start3A_65 = tpu.memref_slice %arg3[%add3A_28, %dma_start3A_64] : memref<2560x128xi32, #tpu.memory_space<hbm>> -> memref<40x128xi32, #tpu.memory_space<hbm>>
      %dma_start3A_66 = arith.constant 0 : i32
      %dma_start3A_67 = tpu.memref_slice %arg3[%add3A_28, %dma_start3A_66] : memref<2560x128xi32, #tpu.memory_space<hbm>> -> memref<40x128xi32, #tpu.memory_space<hbm>>
      tpu.enqueue_dma source(%dma_start3A_67 : memref<40x128xi32, #tpu.memory_space<hbm>>) target(%arg6 : memref<40x128xi32, #tpu.memory_space<vmem>>) target_semaphore(%run_scoped3A : memref<!tpu.dma_semaphore, #tpu.memory_space<semaphore_mem>>)
      %dma_wait3A = arith.constant 0 : i32
      %dma_wait3A_68 = tpu.memref_slice %arg3[%add3A_28, %dma_wait3A] : memref<2560x128xi32, #tpu.memory_space<hbm>> -> memref<40x128xi32, #tpu.memory_space<hbm>>
      %dma_wait3A_69 = arith.constant 0 : i32
      %dma_wait3A_70 = tpu.memref_slice %arg3[%add3A_28, %dma_wait3A_69] : memref<2560x128xi32, #tpu.memory_space<hbm>> -> memref<40x128xi32, #tpu.memory_space<hbm>>
      tpu.wait_dma2 semaphore(%run_scoped3A : memref<!tpu.dma_semaphore, #tpu.memory_space<semaphore_mem>>) src(%dma_wait3A_70 : memref<40x128xi32, #tpu.memory_space<hbm>>) dst(%arg6 : memref<40x128xi32, #tpu.memory_space<vmem>>)
      tpu.yield
    }) : () -> ()
    "tpu.region"() ({
      %run_scoped3A = tpu.sem_alloc : memref<!tpu.dma_semaphore, #tpu.memory_space<semaphore_mem>>
      %dma_start3A_64 = arith.constant 0 : i32
      %dma_start3A_65 = tpu.memref_slice %arg4[%add3A_28, %dma_start3A_64] : memref<2560x128xi32, #tpu.memory_space<hbm>> -> memref<40x128xi32, #tpu.memory_space<hbm>>
      %dma_start3A_66 = arith.constant 0 : i32
      %dma_start3A_67 = tpu.memref_slice %arg4[%add3A_28, %dma_start3A_66] : memref<2560x128xi32, #tpu.memory_space<hbm>> -> memref<40x128xi32, #tpu.memory_space<hbm>>
      tpu.enqueue_dma source(%dma_start3A_67 : memref<40x128xi32, #tpu.memory_space<hbm>>) target(%arg7 : memref<40x128xi32, #tpu.memory_space<vmem>>) target_semaphore(%run_scoped3A : memref<!tpu.dma_semaphore, #tpu.memory_space<semaphore_mem>>)
      %dma_wait3A = arith.constant 0 : i32
      %dma_wait3A_68 = tpu.memref_slice %arg4[%add3A_28, %dma_wait3A] : memref<2560x128xi32, #tpu.memory_space<hbm>> -> memref<40x128xi32, #tpu.memory_space<hbm>>
      %dma_wait3A_69 = arith.constant 0 : i32
      %dma_wait3A_70 = tpu.memref_slice %arg4[%add3A_28, %dma_wait3A_69] : memref<2560x128xi32, #tpu.memory_space<hbm>> -> memref<40x128xi32, #tpu.memory_space<hbm>>
      tpu.wait_dma2 semaphore(%run_scoped3A : memref<!tpu.dma_semaphore, #tpu.memory_space<semaphore_mem>>) src(%dma_wait3A_70 : memref<40x128xi32, #tpu.memory_space<hbm>>) dst(%arg7 : memref<40x128xi32, #tpu.memory_space<vmem>>)
      tpu.yield
    }) : () -> ()
    %dma_start3A = arith.constant 0 : i32
    %dma_start3A_29 = arith.constant 0 : i32
    %dma_start3A_30 = tpu.memref_slice %arg6[%dma_start3A, %dma_start3A_29] : memref<40x128xi32, #tpu.memory_space<vmem>> -> memref<1x128xi32, #tpu.memory_space<vmem>>
    %dma_start3A_31 = tpu.memref_squeeze %dma_start3A_30 : memref<1x128xi32, #tpu.memory_space<vmem>> -> memref<128xi32, #tpu.memory_space<vmem>>
    %dma_start3A_32 = arith.constant 0 : i32
    %dma_start3A_33 = arith.constant 0 : i32
    %dma_start3A_34 = tpu.memref_slice %arg2[%dma_start3A_32, %dma_start3A_33] : memref<10000x128xf32, #tpu.memory_space<hbm>> -> memref<10000x128xf32, #tpu.memory_space<hbm>>
    tpu.enqueue_indirect_dma source(%dma_start3A_34 : memref<10000x128xf32, #tpu.memory_space<hbm>>) target(%arg8 : memref<128x128xf32, #tpu.memory_space<vmem>>) offsets(%dma_start3A_31 : memref<128xi32, #tpu.memory_space<vmem>>) semaphore(%arg11 : memref<!tpu.dma_semaphore, #tpu.memory_space<semaphore_mem>>)
    %scan3A_35 = arith.constant 0 : i32
    %scan3A_36 = arith.constant 20 : i32
    %scan3A_37 = arith.addi %scan3A_35, %scan3A_36 : i32
    %scan3A_38 = arith.constant 1 : i32
    scf.for %scan3A_64 = %scan3A_35 to %scan3A_37 step %scan3A_38  : i32 {
      %mul3A_65 = arith.constant 2 : i32
      %mul3A_66 = arith.muli %mul3A_65, %scan3A_64 : i32
      %add3A_67 = arith.constant 1 : i32
      %add3A_68 = arith.addi %mul3A_66, %add3A_67 : i32
      %dma_start3A_69 = arith.constant 0 : i32
      %dma_start3A_70 = tpu.memref_slice %arg6[%add3A_68, %dma_start3A_69] : memref<40x128xi32, #tpu.memory_space<vmem>> -> memref<1x128xi32, #tpu.memory_space<vmem>>
      %dma_start3A_71 = tpu.memref_squeeze %dma_start3A_70 : memref<1x128xi32, #tpu.memory_space<vmem>> -> memref<128xi32, #tpu.memory_space<vmem>>
      %dma_start3A_72 = arith.constant 0 : i32
      %dma_start3A_73 = arith.constant 0 : i32
      %dma_start3A_74 = tpu.memref_slice %arg2[%dma_start3A_72, %dma_start3A_73] : memref<10000x128xf32, #tpu.memory_space<hbm>> -> memref<10000x128xf32, #tpu.memory_space<hbm>>
      tpu.enqueue_indirect_dma source(%dma_start3A_74 : memref<10000x128xf32, #tpu.memory_space<hbm>>) target(%arg9 : memref<128x128xf32, #tpu.memory_space<vmem>>) offsets(%dma_start3A_71 : memref<128xi32, #tpu.memory_space<vmem>>) semaphore(%arg12 : memref<!tpu.dma_semaphore, #tpu.memory_space<semaphore_mem>>)
      %dma_wait3A = arith.constant 0 : i32
      %dma_wait3A_75 = arith.constant 0 : i32
      %dma_wait3A_76 = tpu.memref_slice %arg6[%dma_wait3A, %dma_wait3A_75] : memref<40x128xi32, #tpu.memory_space<vmem>> -> memref<1x128xi32, #tpu.memory_space<vmem>>
      %dma_wait3A_77 = tpu.memref_squeeze %dma_wait3A_76 : memref<1x128xi32, #tpu.memory_space<vmem>> -> memref<128xi32, #tpu.memory_space<vmem>>
      %dma_wait3A_78 = arith.constant 0 : i32
      %dma_wait3A_79 = arith.constant 0 : i32
      %dma_wait3A_80 = tpu.memref_slice %arg2[%dma_wait3A_78, %dma_wait3A_79] : memref<10000x128xf32, #tpu.memory_space<hbm>> -> memref<10000x128xf32, #tpu.memory_space<hbm>>
      tpu.wait_indirect_dma semaphore(%arg11 : memref<!tpu.dma_semaphore, #tpu.memory_space<semaphore_mem>>) src(%dma_wait3A_80 : memref<10000x128xf32, #tpu.memory_space<hbm>>) dst(%arg8 : memref<128x128xf32, #tpu.memory_space<vmem>>)
      "tpu.region"() ({
        %run_scoped3A = tpu.sem_alloc : memref<!tpu.dma_semaphore, #tpu.memory_space<semaphore_mem>>
        %dma_start3A_94 = arith.constant 0 : i32
        %dma_start3A_95 = tpu.memref_slice %arg7[%mul3A_66, %dma_start3A_94] : memref<40x128xi32, #tpu.memory_space<vmem>> -> memref<1x128xi32, #tpu.memory_space<vmem>>
        %dma_start3A_96 = tpu.memref_squeeze %dma_start3A_95 : memref<1x128xi32, #tpu.memory_space<vmem>> -> memref<128xi32, #tpu.memory_space<vmem>>
        %dma_start3A_97 = arith.constant 0 : i32
        %dma_start3A_98 = arith.constant 0 : i32
        %dma_start3A_99 = tpu.memref_slice %arg10[%dma_start3A_97, %dma_start3A_98] : memref<10240x128xf32, #tpu.memory_space<vmem_shared>> -> memref<10240x128xf32, #tpu.memory_space<vmem_shared>>
        tpu.enqueue_indirect_dma source(%arg8 : memref<128x128xf32, #tpu.memory_space<vmem>>) target(%dma_start3A_99 : memref<10240x128xf32, #tpu.memory_space<vmem_shared>>) offsets(%dma_start3A_96 : memref<128xi32, #tpu.memory_space<vmem>>) semaphore(%run_scoped3A : memref<!tpu.dma_semaphore, #tpu.memory_space<semaphore_mem>>) {add = true}
        %dma_wait3A_100 = arith.constant 0 : i32
        %dma_wait3A_101 = tpu.memref_slice %arg7[%mul3A_66, %dma_wait3A_100] : memref<40x128xi32, #tpu.memory_space<vmem>> -> memref<1x128xi32, #tpu.memory_space<vmem>>
        %dma_wait3A_102 = tpu.memref_squeeze %dma_wait3A_101 : memref<1x128xi32, #tpu.memory_space<vmem>> -> memref<128xi32, #tpu.memory_space<vmem>>
        %dma_wait3A_103 = arith.constant 0 : i32
        %dma_wait3A_104 = arith.constant 0 : i32
        %dma_wait3A_105 = tpu.memref_slice %arg10[%dma_wait3A_103, %dma_wait3A_104] : memref<10240x128xf32, #tpu.memory_space<vmem_shared>> -> memref<10240x128xf32, #tpu.memory_space<vmem_shared>>
        tpu.wait_indirect_dma semaphore(%run_scoped3A : memref<!tpu.dma_semaphore, #tpu.memory_space<semaphore_mem>>) src(%arg8 : memref<128x128xf32, #tpu.memory_space<vmem>>) dst(%dma_wait3A_105 : memref<10240x128xf32, #tpu.memory_space<vmem_shared>>)
        tpu.yield
      }) : () -> ()
      %add3A_81 = arith.constant 2 : i32
      %add3A_82 = arith.addi %mul3A_66, %add3A_81 : i32
      %lt3A = arith.constant 40 : i32
      %lt3A_83 = arith.cmpi slt, %add3A_82, %lt3A : i32
      %convert_element_type3A = arith.extui %lt3A_83 : i1 to i32
      %cond3A = arith.constant 0 : i32
      %cond3A_84 = arith.cmpi ne, %convert_element_type3A, %cond3A : i32
      scf.if %cond3A_84 {
        %add3A_94 = arith.constant 2 : i32
        %add3A_95 = arith.addi %mul3A_66, %add3A_94 : i32
        %dma_start3A_96 = arith.constant 0 : i32
        %dma_start3A_97 = tpu.memref_slice %arg6[%add3A_95, %dma_start3A_96] : memref<40x128xi32, #tpu.memory_space<vmem>> -> memref<1x128xi32, #tpu.memory_space<vmem>>
        %dma_start3A_98 = tpu.memref_squeeze %dma_start3A_97 : memref<1x128xi32, #tpu.memory_space<vmem>> -> memref<128xi32, #tpu.memory_space<vmem>>
        %dma_start3A_99 = arith.constant 0 : i32
        %dma_start3A_100 = arith.constant 0 : i32
        %dma_start3A_101 = tpu.memref_slice %arg2[%dma_start3A_99, %dma_start3A_100] : memref<10000x128xf32, #tpu.memory_space<hbm>> -> memref<10000x128xf32, #tpu.memory_space<hbm>>
        tpu.enqueue_indirect_dma source(%dma_start3A_101 : memref<10000x128xf32, #tpu.memory_space<hbm>>) target(%arg8 : memref<128x128xf32, #tpu.memory_space<vmem>>) offsets(%dma_start3A_98 : memref<128xi32, #tpu.memory_space<vmem>>) semaphore(%arg11 : memref<!tpu.dma_semaphore, #tpu.memory_space<semaphore_mem>>)
      } else {
      }
      %dma_wait3A_85 = arith.constant 0 : i32
      %dma_wait3A_86 = arith.constant 0 : i32
      %dma_wait3A_87 = tpu.memref_slice %arg6[%dma_wait3A_85, %dma_wait3A_86] : memref<40x128xi32, #tpu.memory_space<vmem>> -> memref<1x128xi32, #tpu.memory_space<vmem>>
      %dma_wait3A_88 = tpu.memref_squeeze %dma_wait3A_87 : memref<1x128xi32, #tpu.memory_space<vmem>> -> memref<128xi32, #tpu.memory_space<vmem>>
      %dma_wait3A_89 = arith.constant 0 : i32
      %dma_wait3A_90 = arith.constant 0 : i32
      %dma_wait3A_91 = tpu.memref_slice %arg2[%dma_wait3A_89, %dma_wait3A_90] : memref<10000x128xf32, #tpu.memory_space<hbm>> -> memref<10000x128xf32, #tpu.memory_space<hbm>>
      tpu.wait_indirect_dma semaphore(%arg12 : memref<!tpu.dma_semaphore, #tpu.memory_space<semaphore_mem>>) src(%dma_wait3A_91 : memref<10000x128xf32, #tpu.memory_space<hbm>>) dst(%arg9 : memref<128x128xf32, #tpu.memory_space<vmem>>)
      %add3A_92 = arith.constant 1 : i32
      %add3A_93 = arith.addi %mul3A_66, %add3A_92 : i32
      "tpu.region"() ({
        %run_scoped3A = tpu.sem_alloc : memref<!tpu.dma_semaphore, #tpu.memory_space<semaphore_mem>>
        %dma_start3A_94 = arith.constant 0 : i32
        %dma_start3A_95 = tpu.memref_slice %arg7[%add3A_93, %dma_start3A_94] : memref<40x128xi32, #tpu.memory_space<vmem>> -> memref<1x128xi32, #tpu.memory_space<vmem>>
        %dma_start3A_96 = tpu.memref_squeeze %dma_start3A_95 : memref<1x128xi32, #tpu.memory_space<vmem>> -> memref<128xi32, #tpu.memory_space<vmem>>
        %dma_start3A_97 = arith.constant 0 : i32
        %dma_start3A_98 = arith.constant 0 : i32
        %dma_start3A_99 = tpu.memref_slice %arg10[%dma_start3A_97, %dma_start3A_98] : memref<10240x128xf32, #tpu.memory_space<vmem_shared>> -> memref<10240x128xf32, #tpu.memory_space<vmem_shared>>
        tpu.enqueue_indirect_dma source(%arg9 : memref<128x128xf32, #tpu.memory_space<vmem>>) target(%dma_start3A_99 : memref<10240x128xf32, #tpu.memory_space<vmem_shared>>) offsets(%dma_start3A_96 : memref<128xi32, #tpu.memory_space<vmem>>) semaphore(%run_scoped3A : memref<!tpu.dma_semaphore, #tpu.memory_space<semaphore_mem>>) {add = true}
        %dma_wait3A_100 = arith.constant 0 : i32
        %dma_wait3A_101 = tpu.memref_slice %arg7[%add3A_93, %dma_wait3A_100] : memref<40x128xi32, #tpu.memory_space<vmem>> -> memref<1x128xi32, #tpu.memory_space<vmem>>
        %dma_wait3A_102 = tpu.memref_squeeze %dma_wait3A_101 : memref<1x128xi32, #tpu.memory_space<vmem>> -> memref<128xi32, #tpu.memory_space<vmem>>
        %dma_wait3A_103 = arith.constant 0 : i32
        %dma_wait3A_104 = arith.constant 0 : i32
        %dma_wait3A_105 = tpu.memref_slice %arg10[%dma_wait3A_103, %dma_wait3A_104] : memref<10240x128xf32, #tpu.memory_space<vmem_shared>> -> memref<10240x128xf32, #tpu.memory_space<vmem_shared>>
        tpu.wait_indirect_dma semaphore(%run_scoped3A : memref<!tpu.dma_semaphore, #tpu.memory_space<semaphore_mem>>) src(%arg9 : memref<128x128xf32, #tpu.memory_space<vmem>>) dst(%dma_wait3A_105 : memref<10240x128xf32, #tpu.memory_space<vmem_shared>>)
        tpu.yield
      }) : () -> ()
    }
    %scan3A_39 = arith.constant 20 : i32
    %mul3A_40 = arith.constant 80 : i32
    %mul3A_41 = arith.muli %add3A, %mul3A_40 : i32
    %add3A_42 = arith.constant 40 : i32
    %add3A_43 = arith.addi %mul3A_41, %add3A_42 : i32
    "tpu.region"() ({
      %run_scoped3A = tpu.sem_alloc : memref<!tpu.dma_semaphore, #tpu.memory_space<semaphore_mem>>
      %dma_start3A_64 = arith.constant 0 : i32
      %dma_start3A_65 = tpu.memref_slice %arg3[%add3A_43, %dma_start3A_64] : memref<2560x128xi32, #tpu.memory_space<hbm>> -> memref<40x128xi32, #tpu.memory_space<hbm>>
      %dma_start3A_66 = arith.constant 0 : i32
      %dma_start3A_67 = tpu.memref_slice %arg3[%add3A_43, %dma_start3A_66] : memref<2560x128xi32, #tpu.memory_space<hbm>> -> memref<40x128xi32, #tpu.memory_space<hbm>>
      tpu.enqueue_dma source(%dma_start3A_67 : memref<40x128xi32, #tpu.memory_space<hbm>>) target(%arg6 : memref<40x128xi32, #tpu.memory_space<vmem>>) target_semaphore(%run_scoped3A : memref<!tpu.dma_semaphore, #tpu.memory_space<semaphore_mem>>)
      %dma_wait3A = arith.constant 0 : i32
      %dma_wait3A_68 = tpu.memref_slice %arg3[%add3A_43, %dma_wait3A] : memref<2560x128xi32, #tpu.memory_space<hbm>> -> memref<40x128xi32, #tpu.memory_space<hbm>>
      %dma_wait3A_69 = arith.constant 0 : i32
      %dma_wait3A_70 = tpu.memref_slice %arg3[%add3A_43, %dma_wait3A_69] : memref<2560x128xi32, #tpu.memory_space<hbm>> -> memref<40x128xi32, #tpu.memory_space<hbm>>
      tpu.wait_dma2 semaphore(%run_scoped3A : memref<!tpu.dma_semaphore, #tpu.memory_space<semaphore_mem>>) src(%dma_wait3A_70 : memref<40x128xi32, #tpu.memory_space<hbm>>) dst(%arg6 : memref<40x128xi32, #tpu.memory_space<vmem>>)
      tpu.yield
    }) : () -> ()
    "tpu.region"() ({
      %run_scoped3A = tpu.sem_alloc : memref<!tpu.dma_semaphore, #tpu.memory_space<semaphore_mem>>
      %dma_start3A_64 = arith.constant 0 : i32
      %dma_start3A_65 = tpu.memref_slice %arg4[%add3A_43, %dma_start3A_64] : memref<2560x128xi32, #tpu.memory_space<hbm>> -> memref<40x128xi32, #tpu.memory_space<hbm>>
      %dma_start3A_66 = arith.constant 0 : i32
      %dma_start3A_67 = tpu.memref_slice %arg4[%add3A_43, %dma_start3A_66] : memref<2560x128xi32, #tpu.memory_space<hbm>> -> memref<40x128xi32, #tpu.memory_space<hbm>>
      tpu.enqueue_dma source(%dma_start3A_67 : memref<40x128xi32, #tpu.memory_space<hbm>>) target(%arg7 : memref<40x128xi32, #tpu.memory_space<vmem>>) target_semaphore(%run_scoped3A : memref<!tpu.dma_semaphore, #tpu.memory_space<semaphore_mem>>)
      %dma_wait3A = arith.constant 0 : i32
      %dma_wait3A_68 = tpu.memref_slice %arg4[%add3A_43, %dma_wait3A] : memref<2560x128xi32, #tpu.memory_space<hbm>> -> memref<40x128xi32, #tpu.memory_space<hbm>>
      %dma_wait3A_69 = arith.constant 0 : i32
      %dma_wait3A_70 = tpu.memref_slice %arg4[%add3A_43, %dma_wait3A_69] : memref<2560x128xi32, #tpu.memory_space<hbm>> -> memref<40x128xi32, #tpu.memory_space<hbm>>
      tpu.wait_dma2 semaphore(%run_scoped3A : memref<!tpu.dma_semaphore, #tpu.memory_space<semaphore_mem>>) src(%dma_wait3A_70 : memref<40x128xi32, #tpu.memory_space<hbm>>) dst(%arg7 : memref<40x128xi32, #tpu.memory_space<vmem>>)
      tpu.yield
    }) : () -> ()
    %dma_start3A_44 = arith.constant 0 : i32
    %dma_start3A_45 = arith.constant 0 : i32
    %dma_start3A_46 = tpu.memref_slice %arg6[%dma_start3A_44, %dma_start3A_45] : memref<40x128xi32, #tpu.memory_space<vmem>> -> memref<1x128xi32, #tpu.memory_space<vmem>>
    %dma_start3A_47 = tpu.memref_squeeze %dma_start3A_46 : memref<1x128xi32, #tpu.memory_space<vmem>> -> memref<128xi32, #tpu.memory_space<vmem>>
    %dma_start3A_48 = arith.constant 0 : i32
    %dma_start3A_49 = arith.constant 0 : i32
    %dma_start3A_50 = tpu.memref_slice %arg2[%dma_start3A_48, %dma_start3A_49] : memref<10000x128xf32, #tpu.memory_space<hbm>> -> memref<10000x128xf32, #tpu.memory_space<hbm>>
    tpu.enqueue_indirect_dma source(%dma_start3A_50 : memref<10000x128xf32, #tpu.memory_space<hbm>>) target(%arg8 : memref<128x128xf32, #tpu.memory_space<vmem>>) offsets(%dma_start3A_47 : memref<128xi32, #tpu.memory_space<vmem>>) semaphore(%arg11 : memref<!tpu.dma_semaphore, #tpu.memory_space<semaphore_mem>>)
    %scan3A_51 = arith.constant 0 : i32
    %scan3A_52 = arith.constant 20 : i32
    %scan3A_53 = arith.addi %scan3A_51, %scan3A_52 : i32
    %scan3A_54 = arith.constant 1 : i32
    scf.for %scan3A_64 = %scan3A_51 to %scan3A_53 step %scan3A_54  : i32 {
      %mul3A_65 = arith.constant 2 : i32
      %mul3A_66 = arith.muli %mul3A_65, %scan3A_64 : i32
      %add3A_67 = arith.constant 1 : i32
      %add3A_68 = arith.addi %mul3A_66, %add3A_67 : i32
      %dma_start3A_69 = arith.constant 0 : i32
      %dma_start3A_70 = tpu.memref_slice %arg6[%add3A_68, %dma_start3A_69] : memref<40x128xi32, #tpu.memory_space<vmem>> -> memref<1x128xi32, #tpu.memory_space<vmem>>
      %dma_start3A_71 = tpu.memref_squeeze %dma_start3A_70 : memref<1x128xi32, #tpu.memory_space<vmem>> -> memref<128xi32, #tpu.memory_space<vmem>>
      %dma_start3A_72 = arith.constant 0 : i32
      %dma_start3A_73 = arith.constant 0 : i32
      %dma_start3A_74 = tpu.memref_slice %arg2[%dma_start3A_72, %dma_start3A_73] : memref<10000x128xf32, #tpu.memory_space<hbm>> -> memref<10000x128xf32, #tpu.memory_space<hbm>>
      tpu.enqueue_indirect_dma source(%dma_start3A_74 : memref<10000x128xf32, #tpu.memory_space<hbm>>) target(%arg9 : memref<128x128xf32, #tpu.memory_space<vmem>>) offsets(%dma_start3A_71 : memref<128xi32, #tpu.memory_space<vmem>>) semaphore(%arg12 : memref<!tpu.dma_semaphore, #tpu.memory_space<semaphore_mem>>)
      %dma_wait3A = arith.constant 0 : i32
      %dma_wait3A_75 = arith.constant 0 : i32
      %dma_wait3A_76 = tpu.memref_slice %arg6[%dma_wait3A, %dma_wait3A_75] : memref<40x128xi32, #tpu.memory_space<vmem>> -> memref<1x128xi32, #tpu.memory_space<vmem>>
      %dma_wait3A_77 = tpu.memref_squeeze %dma_wait3A_76 : memref<1x128xi32, #tpu.memory_space<vmem>> -> memref<128xi32, #tpu.memory_space<vmem>>
      %dma_wait3A_78 = arith.constant 0 : i32
      %dma_wait3A_79 = arith.constant 0 : i32
      %dma_wait3A_80 = tpu.memref_slice %arg2[%dma_wait3A_78, %dma_wait3A_79] : memref<10000x128xf32, #tpu.memory_space<hbm>> -> memref<10000x128xf32, #tpu.memory_space<hbm>>
      tpu.wait_indirect_dma semaphore(%arg11 : memref<!tpu.dma_semaphore, #tpu.memory_space<semaphore_mem>>) src(%dma_wait3A_80 : memref<10000x128xf32, #tpu.memory_space<hbm>>) dst(%arg8 : memref<128x128xf32, #tpu.memory_space<vmem>>)
      "tpu.region"() ({
        %run_scoped3A = tpu.sem_alloc : memref<!tpu.dma_semaphore, #tpu.memory_space<semaphore_mem>>
        %dma_start3A_94 = arith.constant 0 : i32
        %dma_start3A_95 = tpu.memref_slice %arg7[%mul3A_66, %dma_start3A_94] : memref<40x128xi32, #tpu.memory_space<vmem>> -> memref<1x128xi32, #tpu.memory_space<vmem>>
        %dma_start3A_96 = tpu.memref_squeeze %dma_start3A_95 : memref<1x128xi32, #tpu.memory_space<vmem>> -> memref<128xi32, #tpu.memory_space<vmem>>
        %dma_start3A_97 = arith.constant 0 : i32
        %dma_start3A_98 = arith.constant 0 : i32
        %dma_start3A_99 = tpu.memref_slice %arg10[%dma_start3A_97, %dma_start3A_98] : memref<10240x128xf32, #tpu.memory_space<vmem_shared>> -> memref<10240x128xf32, #tpu.memory_space<vmem_shared>>
        tpu.enqueue_indirect_dma source(%arg8 : memref<128x128xf32, #tpu.memory_space<vmem>>) target(%dma_start3A_99 : memref<10240x128xf32, #tpu.memory_space<vmem_shared>>) offsets(%dma_start3A_96 : memref<128xi32, #tpu.memory_space<vmem>>) semaphore(%run_scoped3A : memref<!tpu.dma_semaphore, #tpu.memory_space<semaphore_mem>>) {add = true}
        %dma_wait3A_100 = arith.constant 0 : i32
        %dma_wait3A_101 = tpu.memref_slice %arg7[%mul3A_66, %dma_wait3A_100] : memref<40x128xi32, #tpu.memory_space<vmem>> -> memref<1x128xi32, #tpu.memory_space<vmem>>
        %dma_wait3A_102 = tpu.memref_squeeze %dma_wait3A_101 : memref<1x128xi32, #tpu.memory_space<vmem>> -> memref<128xi32, #tpu.memory_space<vmem>>
        %dma_wait3A_103 = arith.constant 0 : i32
        %dma_wait3A_104 = arith.constant 0 : i32
        %dma_wait3A_105 = tpu.memref_slice %arg10[%dma_wait3A_103, %dma_wait3A_104] : memref<10240x128xf32, #tpu.memory_space<vmem_shared>> -> memref<10240x128xf32, #tpu.memory_space<vmem_shared>>
        tpu.wait_indirect_dma semaphore(%run_scoped3A : memref<!tpu.dma_semaphore, #tpu.memory_space<semaphore_mem>>) src(%arg8 : memref<128x128xf32, #tpu.memory_space<vmem>>) dst(%dma_wait3A_105 : memref<10240x128xf32, #tpu.memory_space<vmem_shared>>)
        tpu.yield
      }) : () -> ()
      %add3A_81 = arith.constant 2 : i32
      %add3A_82 = arith.addi %mul3A_66, %add3A_81 : i32
      %lt3A = arith.constant 40 : i32
      %lt3A_83 = arith.cmpi slt, %add3A_82, %lt3A : i32
      %convert_element_type3A = arith.extui %lt3A_83 : i1 to i32
      %cond3A = arith.constant 0 : i32
      %cond3A_84 = arith.cmpi ne, %convert_element_type3A, %cond3A : i32
      scf.if %cond3A_84 {
        %add3A_94 = arith.constant 2 : i32
        %add3A_95 = arith.addi %mul3A_66, %add3A_94 : i32
        %dma_start3A_96 = arith.constant 0 : i32
        %dma_start3A_97 = tpu.memref_slice %arg6[%add3A_95, %dma_start3A_96] : memref<40x128xi32, #tpu.memory_space<vmem>> -> memref<1x128xi32, #tpu.memory_space<vmem>>
        %dma_start3A_98 = tpu.memref_squeeze %dma_start3A_97 : memref<1x128xi32, #tpu.memory_space<vmem>> -> memref<128xi32, #tpu.memory_space<vmem>>
        %dma_start3A_99 = arith.constant 0 : i32
        %dma_start3A_100 = arith.constant 0 : i32
        %dma_start3A_101 = tpu.memref_slice %arg2[%dma_start3A_99, %dma_start3A_100] : memref<10000x128xf32, #tpu.memory_space<hbm>> -> memref<10000x128xf32, #tpu.memory_space<hbm>>
        tpu.enqueue_indirect_dma source(%dma_start3A_101 : memref<10000x128xf32, #tpu.memory_space<hbm>>) target(%arg8 : memref<128x128xf32, #tpu.memory_space<vmem>>) offsets(%dma_start3A_98 : memref<128xi32, #tpu.memory_space<vmem>>) semaphore(%arg11 : memref<!tpu.dma_semaphore, #tpu.memory_space<semaphore_mem>>)
      } else {
      }
      %dma_wait3A_85 = arith.constant 0 : i32
      %dma_wait3A_86 = arith.constant 0 : i32
      %dma_wait3A_87 = tpu.memref_slice %arg6[%dma_wait3A_85, %dma_wait3A_86] : memref<40x128xi32, #tpu.memory_space<vmem>> -> memref<1x128xi32, #tpu.memory_space<vmem>>
      %dma_wait3A_88 = tpu.memref_squeeze %dma_wait3A_87 : memref<1x128xi32, #tpu.memory_space<vmem>> -> memref<128xi32, #tpu.memory_space<vmem>>
      %dma_wait3A_89 = arith.constant 0 : i32
      %dma_wait3A_90 = arith.constant 0 : i32
      %dma_wait3A_91 = tpu.memref_slice %arg2[%dma_wait3A_89, %dma_wait3A_90] : memref<10000x128xf32, #tpu.memory_space<hbm>> -> memref<10000x128xf32, #tpu.memory_space<hbm>>
      tpu.wait_indirect_dma semaphore(%arg12 : memref<!tpu.dma_semaphore, #tpu.memory_space<semaphore_mem>>) src(%dma_wait3A_91 : memref<10000x128xf32, #tpu.memory_space<hbm>>) dst(%arg9 : memref<128x128xf32, #tpu.memory_space<vmem>>)
      %add3A_92 = arith.constant 1 : i32
      %add3A_93 = arith.addi %mul3A_66, %add3A_92 : i32
      "tpu.region"() ({
        %run_scoped3A = tpu.sem_alloc : memref<!tpu.dma_semaphore, #tpu.memory_space<semaphore_mem>>
        %dma_start3A_94 = arith.constant 0 : i32
        %dma_start3A_95 = tpu.memref_slice %arg7[%add3A_93, %dma_start3A_94] : memref<40x128xi32, #tpu.memory_space<vmem>> -> memref<1x128xi32, #tpu.memory_space<vmem>>
        %dma_start3A_96 = tpu.memref_squeeze %dma_start3A_95 : memref<1x128xi32, #tpu.memory_space<vmem>> -> memref<128xi32, #tpu.memory_space<vmem>>
        %dma_start3A_97 = arith.constant 0 : i32
        %dma_start3A_98 = arith.constant 0 : i32
        %dma_start3A_99 = tpu.memref_slice %arg10[%dma_start3A_97, %dma_start3A_98] : memref<10240x128xf32, #tpu.memory_space<vmem_shared>> -> memref<10240x128xf32, #tpu.memory_space<vmem_shared>>
        tpu.enqueue_indirect_dma source(%arg9 : memref<128x128xf32, #tpu.memory_space<vmem>>) target(%dma_start3A_99 : memref<10240x128xf32, #tpu.memory_space<vmem_shared>>) offsets(%dma_start3A_96 : memref<128xi32, #tpu.memory_space<vmem>>) semaphore(%run_scoped3A : memref<!tpu.dma_semaphore, #tpu.memory_space<semaphore_mem>>) {add = true}
        %dma_wait3A_100 = arith.constant 0 : i32
        %dma_wait3A_101 = tpu.memref_slice %arg7[%add3A_93, %dma_wait3A_100] : memref<40x128xi32, #tpu.memory_space<vmem>> -> memref<1x128xi32, #tpu.memory_space<vmem>>
        %dma_wait3A_102 = tpu.memref_squeeze %dma_wait3A_101 : memref<1x128xi32, #tpu.memory_space<vmem>> -> memref<128xi32, #tpu.memory_space<vmem>>
        %dma_wait3A_103 = arith.constant 0 : i32
        %dma_wait3A_104 = arith.constant 0 : i32
        %dma_wait3A_105 = tpu.memref_slice %arg10[%dma_wait3A_103, %dma_wait3A_104] : memref<10240x128xf32, #tpu.memory_space<vmem_shared>> -> memref<10240x128xf32, #tpu.memory_space<vmem_shared>>
        tpu.wait_indirect_dma semaphore(%run_scoped3A : memref<!tpu.dma_semaphore, #tpu.memory_space<semaphore_mem>>) src(%arg9 : memref<128x128xf32, #tpu.memory_space<vmem>>) dst(%dma_wait3A_105 : memref<10240x128xf32, #tpu.memory_space<vmem_shared>>)
        tpu.yield
      }) : () -> ()
    }
    %scan3A_55 = arith.constant 20 : i32
    %barrier3A_56 = arith.constant 0 : index
    tpu.barrier barrier_id(%barrier3A_56)
    %mul3A_57 = arith.constant 640 : i32
    %mul3A_58 = arith.muli %arg1, %mul3A_57 : i32
    %mul3A_59 = arith.constant 10240 : i32
    %mul3A_60 = arith.muli %arg0, %mul3A_59 : i32
    %mul3A_61 = arith.constant 640 : i32
    %mul3A_62 = arith.muli %arg1, %mul3A_61 : i32
    %add3A_63 = arith.addi %mul3A_60, %mul3A_62 : i32
    "tpu.region"() ({
      %run_scoped3A = tpu.sem_alloc : memref<!tpu.dma_semaphore, #tpu.memory_space<semaphore_mem>>
      %dma_start3A_64 = arith.constant 0 : i32
      %dma_start3A_65 = tpu.memref_slice %arg5[%add3A_63, %dma_start3A_64] : memref<20480x128xf32, #tpu.memory_space<hbm>> -> memref<640x128xf32, #tpu.memory_space<hbm>>
      %dma_start3A_66 = arith.constant 0 : i32
      %dma_start3A_67 = tpu.memref_slice %arg10[%mul3A_58, %dma_start3A_66] : memref<10240x128xf32, #tpu.memory_space<vmem_shared>> -> memref<640x128xf32, #tpu.memory_space<vmem_shared>>
      tpu.enqueue_dma source(%dma_start3A_67 : memref<640x128xf32, #tpu.memory_space<vmem_shared>>) target(%dma_start3A_65 : memref<640x128xf32, #tpu.memory_space<hbm>>) target_semaphore(%run_scoped3A : memref<!tpu.dma_semaphore, #tpu.memory_space<semaphore_mem>>)
      %dma_wait3A = arith.constant 0 : i32
      %dma_wait3A_68 = tpu.memref_slice %arg5[%add3A_63, %dma_wait3A] : memref<20480x128xf32, #tpu.memory_space<hbm>> -> memref<640x128xf32, #tpu.memory_space<hbm>>
      %dma_wait3A_69 = arith.constant 0 : i32
      %dma_wait3A_70 = tpu.memref_slice %arg10[%mul3A_58, %dma_wait3A_69] : memref<10240x128xf32, #tpu.memory_space<vmem_shared>> -> memref<640x128xf32, #tpu.memory_space<vmem_shared>>
      tpu.wait_dma2 semaphore(%run_scoped3A : memref<!tpu.dma_semaphore, #tpu.memory_space<semaphore_mem>>) src(%dma_wait3A_70 : memref<640x128xf32, #tpu.memory_space<vmem_shared>>) dst(%dma_wait3A_68 : memref<640x128xf32, #tpu.memory_space<hbm>>)
      tpu.yield
    }) : () -> ()
    return
  }
}

module attributes {stable_mosaic.version = 14 : i64} {
  func.func @_tc_matmul_body(%arg0: i32, %arg1: memref<1000x128xf32, #tpu.memory_space<vmem>>, %arg2: memref<128x128xf32, #tpu.memory_space<vmem>>, %arg3: memref<1000x128xf32, #tpu.memory_space<vmem>>) attributes {dimension_semantics = [#tpu.dimension_semantics<arbitrary>], iteration_bounds = array<i64: 10>, scalar_prefetch = 0 : i64, scratch_operands = 0 : i64, tpu.core_type = #tpu.core_type<tc>, window_params = [{transform_indices = @transform_0, window_bounds = array<i64: 1000, 128>}, {pipeline_mode = #tpu.pipeline_mode<synchronous>, transform_indices = @transform_1, window_bounds = array<i64: 128, 128>}, {transform_indices = @transform_2, window_bounds = array<i64: 1000, 128>}]} {
    %get3A = arith.constant 0 : index
    %get3A_0 = arith.constant 0 : index
    %get3A_1 = vector.load %arg1[%get3A, %get3A_0] : memref<1000x128xf32, #tpu.memory_space<vmem>>, vector<1000x128xf32>
    %get3A_2 = arith.constant 0 : index
    %get3A_3 = arith.constant 0 : index
    %get3A_4 = vector.load %arg2[%get3A_2, %get3A_3] : memref<128x128xf32, #tpu.memory_space<vmem>>, vector<128x128xf32>
    %dot_general3A = arith.constant dense<0.000000e+00> : vector<1000x128xf32>
    %dot_general3A_5 = tpu.matmul %get3A_1, %get3A_4, %dot_general3A {dimension_numbers = #tpu.dot_dimension_numbers<[1], [0], [0], [1], [0, 0, 1, 1], [], []>, transpose_lhs_hint = false} : vector<1000x128xf32>, vector<128x128xf32>, vector<1000x128xf32> -> vector<1000x128xf32>
    %swap3A = arith.constant 0 : index
    %swap3A_6 = arith.constant 0 : index
    %swap3A_7 = vector.load %arg3[%swap3A, %swap3A_6] : memref<1000x128xf32, #tpu.memory_space<vmem>>, vector<1000x128xf32>
    tpu.vector_store %arg3[%swap3A, %swap3A_6], %dot_general3A_5 {strides = array<i32>} : memref<1000x128xf32, #tpu.memory_space<vmem>>, vector<1000x128xf32>,
    return
  }
  func.func @transform_0(%arg0: i32) -> (i32, i32) {
    %c0_i32 = arith.constant 0 : i32
    %c0_i32_0 = arith.constant 0 : i32
    return %arg0, %c0_i32 : i32, i32
  }
  func.func @transform_1(%arg0: i32) -> (i32, i32) {
    %c0_i32 = arith.constant 0 : i32
    %c0_i32_0 = arith.constant 0 : i32
    %c0_i32_1 = arith.constant 0 : i32
    return %c0_i32, %c0_i32_0 : i32, i32
  }
  func.func @transform_2(%arg0: i32) -> (i32, i32) {
    %c0_i32 = arith.constant 0 : i32
    %c0_i32_0 = arith.constant 0 : i32
    return %arg0, %c0_i32 : i32, i32
  }
}

module attributes {stable_mosaic.version = 14 : i64} {
  func.func @_tc_scale_body(%arg0: i32, %arg1: memref<1000x128xf32, #tpu.memory_space<vmem>>, %arg2: memref<2x1000x16xf32, #tpu.memory_space<vmem>>, %arg3: memref<1000x128xf32, #tpu.memory_space<vmem>>) attributes {dimension_semantics = [#tpu.dimension_semantics<arbitrary>], iteration_bounds = array<i64: 10>, scalar_prefetch = 0 : i64, scratch_operands = 0 : i64, tpu.core_type = #tpu.core_type<tc>, window_params = [{transform_indices = @transform_0, window_bounds = array<i64: 1000, 128>}, {transform_indices = @transform_1, window_bounds = array<i64: 2, 1000, 16>}, {transform_indices = @transform_2, window_bounds = array<i64: 1000, 128>}]} {
    %get3A = arith.constant 0 : index
    %get3A_0 = arith.constant 0 : index
    %get3A_1 = vector.load %arg1[%get3A, %get3A_0] : memref<1000x128xf32, #tpu.memory_space<vmem>>, vector<1000x128xf32>
    %get3A_2 = arith.constant 0 : index
    %get3A_3 = arith.constant 0 : index
    %get3A_4 = arith.constant 0 : index
    %get3A_5 = vector.load %arg2[%get3A_2, %get3A_3, %get3A_4] : memref<2x1000x16xf32, #tpu.memory_space<vmem>>, vector<1x1000x1xf32>
    %get3A_6 = vector.shape_cast %get3A_5 : vector<1x1000x1xf32> to vector<1000x1xf32>
    %get3A_7 = arith.constant 1 : index
    %get3A_8 = arith.constant 0 : index
    %get3A_9 = arith.constant 0 : index
    %get3A_10 = vector.load %arg2[%get3A_7, %get3A_8, %get3A_9] : memref<2x1000x16xf32, #tpu.memory_space<vmem>>, vector<1x1000x1xf32>
    %get3A_11 = vector.shape_cast %get3A_10 : vector<1x1000x1xf32> to vector<1000x1xf32>
    %add3A = arith.addf %get3A_6, %get3A_11 : vector<1000x1xf32>
    %add3A_12 = arith.constant 1.000000e+00 : f32
    %add3A_13 = vector.broadcast %add3A_12 : f32 to vector<1000x1xf32>
    %add3A_14 = arith.addf %add3A, %add3A_13 : vector<1000x1xf32>
    %rsqrt3A = math.rsqrt %add3A_14 : vector<1000x1xf32>
    %mul3A = vector.broadcast %rsqrt3A : vector<1000x1xf32> to vector<1000x128xf32>
    %mul3A_15 = arith.mulf %get3A_1, %mul3A : vector<1000x128xf32>
    %swap3A = arith.constant 0 : index
    %swap3A_16 = arith.constant 0 : index
    %swap3A_17 = vector.load %arg3[%swap3A, %swap3A_16] : memref<1000x128xf32, #tpu.memory_space<vmem>>, vector<1000x128xf32>
    tpu.vector_store %arg3[%swap3A, %swap3A_16], %mul3A_15 {strides = array<i32>} : memref<1000x128xf32, #tpu.memory_space<vmem>>, vector<1000x128xf32>,
    return
  }
  func.func @transform_0(%arg0: i32) -> (i32, i32) {
    %c0_i32 = arith.constant 0 : i32
    %c0_i32_0 = arith.constant 0 : i32
    return %arg0, %c0_i32 : i32, i32
  }
  func.func @transform_1(%arg0: i32) -> (i32, i32, i32) {
    %c0_i32 = arith.constant 0 : i32
    %c0_i32_0 = arith.constant 0 : i32
    %c0_i32_1 = arith.constant 0 : i32
    return %c0_i32, %arg0, %c0_i32_0 : i32, i32, i32
  }
  func.func @transform_2(%arg0: i32) -> (i32, i32) {
    %c0_i32 = arith.constant 0 : i32
    %c0_i32_0 = arith.constant 0 : i32
    return %arg0, %c0_i32 : i32, i32
  }
}

module attributes {stable_mosaic.version = 14 : i64} {
  func.func @_tc_mid_body(%arg0: i32, %arg1: memref<2x1000x128xf32, #tpu.memory_space<vmem>>, %arg2: memref<1000x128xf32, #tpu.memory_space<vmem>>, %arg3: memref<2x1000x16xf32, #tpu.memory_space<vmem>>, %arg4: memref<1x128xf32, #tpu.memory_space<vmem>>, %arg5: memref<128x128xf32, #tpu.memory_space<vmem>>, %arg6: memref<1000x128xf32, #tpu.memory_space<vmem>>) attributes {dimension_semantics = [#tpu.dimension_semantics<arbitrary>], iteration_bounds = array<i64: 10>, scalar_prefetch = 0 : i64, scratch_operands = 0 : i64, tpu.core_type = #tpu.core_type<tc>, window_params = [{transform_indices = @transform_0, window_bounds = array<i64: 2, 1000, 128>}, {transform_indices = @transform_1, window_bounds = array<i64: 1000, 128>}, {transform_indices = @transform_2, window_bounds = array<i64: 2, 1000, 16>}, {pipeline_mode = #tpu.pipeline_mode<synchronous>, transform_indices = @transform_3, window_bounds = array<i64: 1, 128>}, {pipeline_mode = #tpu.pipeline_mode<synchronous>, transform_indices = @transform_4, window_bounds = array<i64: 128, 128>}, {transform_indices = @transform_5, window_bounds = array<i64: 1000, 128>}]} {
    %get3A = arith.constant 0 : index
    %get3A_0 = arith.constant 0 : index
    %get3A_1 = arith.constant 0 : index
    %get3A_2 = vector.load %arg3[%get3A, %get3A_0, %get3A_1] : memref<2x1000x16xf32, #tpu.memory_space<vmem>>, vector<1x1000x1xf32>
    %get3A_3 = vector.shape_cast %get3A_2 : vector<1x1000x1xf32> to vector<1000x1xf32>
    %get3A_4 = arith.constant 1 : index
    %get3A_5 = arith.constant 0 : index
    %get3A_6 = arith.constant 0 : index
    %get3A_7 = vector.load %arg3[%get3A_4, %get3A_5, %get3A_6] : memref<2x1000x16xf32, #tpu.memory_space<vmem>>, vector<1x1000x1xf32>
    %get3A_8 = vector.shape_cast %get3A_7 : vector<1x1000x1xf32> to vector<1000x1xf32>
    %add3A = arith.addf %get3A_3, %get3A_8 : vector<1000x1xf32>
    %add3A_9 = arith.constant 1.000000e+00 : f32
    %add3A_10 = vector.broadcast %add3A_9 : f32 to vector<1000x1xf32>
    %add3A_11 = arith.addf %add3A, %add3A_10 : vector<1000x1xf32>
    %rsqrt3A = math.rsqrt %add3A_11 : vector<1000x1xf32>
    %get3A_12 = arith.constant 0 : index
    %get3A_13 = arith.constant 0 : index
    %get3A_14 = arith.constant 0 : index
    %get3A_15 = vector.load %arg1[%get3A_12, %get3A_13, %get3A_14] : memref<2x1000x128xf32, #tpu.memory_space<vmem>>, vector<1x1000x128xf32>
    %get3A_16 = vector.shape_cast %get3A_15 : vector<1x1000x128xf32> to vector<1000x128xf32>
    %get3A_17 = arith.constant 1 : index
    %get3A_18 = arith.constant 0 : index
    %get3A_19 = arith.constant 0 : index
    %get3A_20 = vector.load %arg1[%get3A_17, %get3A_18, %get3A_19] : memref<2x1000x128xf32, #tpu.memory_space<vmem>>, vector<1x1000x128xf32>
    %get3A_21 = vector.shape_cast %get3A_20 : vector<1x1000x128xf32> to vector<1000x128xf32>
    %add3A_22 = arith.addf %get3A_16, %get3A_21 : vector<1000x128xf32>
    %get3A_23 = arith.constant 0 : index
    %get3A_24 = arith.constant 0 : index
    %get3A_25 = vector.load %arg2[%get3A_23, %get3A_24] : memref<1000x128xf32, #tpu.memory_space<vmem>>, vector<1000x128xf32>
    %add3A_26 = arith.addf %add3A_22, %get3A_25 : vector<1000x128xf32>
    %mul3A = vector.broadcast %rsqrt3A : vector<1000x1xf32> to vector<1000x128xf32>
    %mul3A_27 = arith.mulf %add3A_26, %mul3A : vector<1000x128xf32>
    %get3A_28 = arith.constant 0 : index
    %get3A_29 = arith.constant 0 : index
    %get3A_30 = vector.load %arg4[%get3A_28, %get3A_29] : memref<1x128xf32, #tpu.memory_space<vmem>>, vector<1x128xf32>
    %add3A_31 = vector.broadcast %get3A_30 : vector<1x128xf32> to vector<1000x128xf32>
    %add3A_32 = arith.addf %mul3A_27, %add3A_31 : vector<1000x128xf32>
    %max3A = arith.constant 0.000000e+00 : f32
    %max3A_33 = vector.broadcast %max3A : f32 to vector<1000x128xf32>
    %max3A_34 = arith.maximumf %add3A_32, %max3A_33 : vector<1000x128xf32>
    %get3A_35 = arith.constant 0 : index
    %get3A_36 = arith.constant 0 : index
    %get3A_37 = vector.load %arg5[%get3A_35, %get3A_36] : memref<128x128xf32, #tpu.memory_space<vmem>>, vector<128x128xf32>
    %dot_general3A = arith.constant dense<0.000000e+00> : vector<1000x128xf32>
    %dot_general3A_38 = tpu.matmul %max3A_34, %get3A_37, %dot_general3A {dimension_numbers = #tpu.dot_dimension_numbers<[1], [0], [0], [1], [0, 0, 1, 1], [], []>, transpose_lhs_hint = false} : vector<1000x128xf32>, vector<128x128xf32>, vector<1000x128xf32> -> vector<1000x128xf32>
    %mul3A_39 = vector.broadcast %rsqrt3A : vector<1000x1xf32> to vector<1000x128xf32>
    %mul3A_40 = arith.mulf %dot_general3A_38, %mul3A_39 : vector<1000x128xf32>
    %swap3A = arith.constant 0 : index
    %swap3A_41 = arith.constant 0 : index
    %swap3A_42 = vector.load %arg6[%swap3A, %swap3A_41] : memref<1000x128xf32, #tpu.memory_space<vmem>>, vector<1000x128xf32>
    tpu.vector_store %arg6[%swap3A, %swap3A_41], %mul3A_40 {strides = array<i32>} : memref<1000x128xf32, #tpu.memory_space<vmem>>, vector<1000x128xf32>,
    return
  }
  func.func @transform_0(%arg0: i32) -> (i32, i32, i32) {
    %c0_i32 = arith.constant 0 : i32
    %c0_i32_0 = arith.constant 0 : i32
    %c0_i32_1 = arith.constant 0 : i32
    return %c0_i32, %arg0, %c0_i32_0 : i32, i32, i32
  }
  func.func @transform_1(%arg0: i32) -> (i32, i32) {
    %c0_i32 = arith.constant 0 : i32
    %c0_i32_0 = arith.constant 0 : i32
    return %arg0, %c0_i32 : i32, i32
  }
  func.func @transform_2(%arg0: i32) -> (i32, i32, i32) {
    %c0_i32 = arith.constant 0 : i32
    %c0_i32_0 = arith.constant 0 : i32
    %c0_i32_1 = arith.constant 0 : i32
    return %c0_i32, %arg0, %c0_i32_0 : i32, i32, i32
  }
  func.func @transform_3(%arg0: i32) -> (i32, i32) {
    %c0_i32 = arith.constant 0 : i32
    %c0_i32_0 = arith.constant 0 : i32
    %c0_i32_1 = arith.constant 0 : i32
    return %c0_i32, %c0_i32_0 : i32, i32
  }
  func.func @transform_4(%arg0: i32) -> (i32, i32) {
    %c0_i32 = arith.constant 0 : i32
    %c0_i32_0 = arith.constant 0 : i32
    %c0_i32_1 = arith.constant 0 : i32
    return %c0_i32, %c0_i32_0 : i32, i32
  }
  func.func @transform_5(%arg0: i32) -> (i32, i32) {
    %c0_i32 = arith.constant 0 : i32
    %c0_i32_0 = arith.constant 0 : i32
    return %arg0, %c0_i32 : i32, i32
  }
}

module attributes {stable_mosaic.version = 14 : i64} {
  func.func @_tc_final_body(%arg0: i32, %arg1: memref<2x1000x128xf32, #tpu.memory_space<vmem>>, %arg2: memref<1000x128xf32, #tpu.memory_space<vmem>>, %arg3: memref<2x1000x16xf32, #tpu.memory_space<vmem>>, %arg4: memref<1x128xf32, #tpu.memory_space<vmem>>, %arg5: memref<1000x1xi32, #tpu.memory_space<vmem>>, %arg6: memref<5x128x32xf32, #tpu.memory_space<vmem>>, %arg7: memref<5x32xf32, #tpu.memory_space<vmem>>, %arg8: memref<5x32x1xf32, #tpu.memory_space<vmem>>, %arg9: memref<5x1xf32, #tpu.memory_space<vmem>>, %arg10: memref<5x64xf32, #tpu.memory_space<vmem>>, %arg11: memref<64x128xf32, #tpu.memory_space<vmem>>, %arg12: memref<64x1xf32, #tpu.memory_space<vmem>>) attributes {dimension_semantics = [#tpu.dimension_semantics<arbitrary>], iteration_bounds = array<i64: 10>, scalar_prefetch = 0 : i64, scratch_operands = 2 : i64, tpu.core_type = #tpu.core_type<tc>, window_params = [{transform_indices = @transform_0, window_bounds = array<i64: 2, 1000, 128>}, {transform_indices = @transform_1, window_bounds = array<i64: 1000, 128>}, {transform_indices = @transform_2, window_bounds = array<i64: 2, 1000, 16>}, {pipeline_mode = #tpu.pipeline_mode<synchronous>, transform_indices = @transform_3, window_bounds = array<i64: 1, 128>}, {transform_indices = @transform_4, window_bounds = array<i64: 1000, 1>}, {pipeline_mode = #tpu.pipeline_mode<synchronous>, transform_indices = @transform_5, window_bounds = array<i64: 5, 128, 32>}, {pipeline_mode = #tpu.pipeline_mode<synchronous>, transform_indices = @transform_6, window_bounds = array<i64: 5, 32>}, {pipeline_mode = #tpu.pipeline_mode<synchronous>, transform_indices = @transform_7, window_bounds = array<i64: 5, 32, 1>}, {pipeline_mode = #tpu.pipeline_mode<synchronous>, transform_indices = @transform_8, window_bounds = array<i64: 5, 1>}, {pipeline_mode = #tpu.pipeline_mode<synchronous>, transform_indices = @transform_9, window_bounds = array<i64: 5, 64>}]} {
    %get3A = arith.constant 0 : index
    %get3A_0 = arith.constant 0 : index
    %get3A_1 = arith.constant 0 : index
    %get3A_2 = vector.load %arg3[%get3A, %get3A_0, %get3A_1] : memref<2x1000x16xf32, #tpu.memory_space<vmem>>, vector<1x1000x1xf32>
    %get3A_3 = vector.shape_cast %get3A_2 : vector<1x1000x1xf32> to vector<1000x1xf32>
    %get3A_4 = arith.constant 1 : index
    %get3A_5 = arith.constant 0 : index
    %get3A_6 = arith.constant 0 : index
    %get3A_7 = vector.load %arg3[%get3A_4, %get3A_5, %get3A_6] : memref<2x1000x16xf32, #tpu.memory_space<vmem>>, vector<1x1000x1xf32>
    %get3A_8 = vector.shape_cast %get3A_7 : vector<1x1000x1xf32> to vector<1000x1xf32>
    %add3A = arith.addf %get3A_3, %get3A_8 : vector<1000x1xf32>
    %add3A_9 = arith.constant 1.000000e+00 : f32
    %add3A_10 = vector.broadcast %add3A_9 : f32 to vector<1000x1xf32>
    %add3A_11 = arith.addf %add3A, %add3A_10 : vector<1000x1xf32>
    %rsqrt3A = math.rsqrt %add3A_11 : vector<1000x1xf32>
    %get3A_12 = arith.constant 0 : index
    %get3A_13 = arith.constant 0 : index
    %get3A_14 = arith.constant 0 : index
    %get3A_15 = vector.load %arg1[%get3A_12, %get3A_13, %get3A_14] : memref<2x1000x128xf32, #tpu.memory_space<vmem>>, vector<1x1000x128xf32>
    %get3A_16 = vector.shape_cast %get3A_15 : vector<1x1000x128xf32> to vector<1000x128xf32>
    %get3A_17 = arith.constant 1 : index
    %get3A_18 = arith.constant 0 : index
    %get3A_19 = arith.constant 0 : index
    %get3A_20 = vector.load %arg1[%get3A_17, %get3A_18, %get3A_19] : memref<2x1000x128xf32, #tpu.memory_space<vmem>>, vector<1x1000x128xf32>
    %get3A_21 = vector.shape_cast %get3A_20 : vector<1x1000x128xf32> to vector<1000x128xf32>
    %add3A_22 = arith.addf %get3A_16, %get3A_21 : vector<1000x128xf32>
    %get3A_23 = arith.constant 0 : index
    %get3A_24 = arith.constant 0 : index
    %get3A_25 = vector.load %arg2[%get3A_23, %get3A_24] : memref<1000x128xf32, #tpu.memory_space<vmem>>, vector<1000x128xf32>
    %add3A_26 = arith.addf %add3A_22, %get3A_25 : vector<1000x128xf32>
    %mul3A = vector.broadcast %rsqrt3A : vector<1000x1xf32> to vector<1000x128xf32>
    %mul3A_27 = arith.mulf %add3A_26, %mul3A : vector<1000x128xf32>
    %get3A_28 = arith.constant 0 : index
    %get3A_29 = arith.constant 0 : index
    %get3A_30 = vector.load %arg4[%get3A_28, %get3A_29] : memref<1x128xf32, #tpu.memory_space<vmem>>, vector<1x128xf32>
    %add3A_31 = vector.broadcast %get3A_30 : vector<1x128xf32> to vector<1000x128xf32>
    %add3A_32 = arith.addf %mul3A_27, %add3A_31 : vector<1000x128xf32>
    %max3A = arith.constant 0.000000e+00 : f32
    %max3A_33 = vector.broadcast %max3A : f32 to vector<1000x128xf32>
    %max3A_34 = arith.maximumf %add3A_32, %max3A_33 : vector<1000x128xf32>
    %iota3A = tpu.iota {dimensions = array<i32: 1>} : vector<1x64xi32>
    %get3A_35 = arith.constant 0 : index
    %get3A_36 = arith.constant 0 : index
    %get3A_37 = vector.load %arg5[%get3A_35, %get3A_36] : memref<1000x1xi32, #tpu.memory_space<vmem>>, vector<1000x1xi32>
    %eq3A = vector.broadcast %get3A_37 : vector<1000x1xi32> to vector<1000x64xi32>
    %eq3A_38 = vector.broadcast %iota3A : vector<1x64xi32> to vector<1000x64xi32>
    %eq3A_39 = arith.cmpi eq, %eq3A, %eq3A_38 : vector<1000x64xi32>
    %jit3A = arith.constant 1.000000e+00 : f32
    %jit3A_40 = arith.constant 0.000000e+00 : f32
    %broadcast_in_dim3A = vector.broadcast %jit3A : f32 to vector<1000x64xf32>
    %broadcast_in_dim3A_41 = vector.broadcast %jit3A_40 : f32 to vector<1000x64xf32>
    %select_n3A = arith.select %eq3A_39, %broadcast_in_dim3A, %broadcast_in_dim3A_41 : vector<1000x64xi1>, vector<1000x64xf32>
    %dot_general3A = arith.constant dense<0.000000e+00> : vector<64x128xf32>
    %dot_general3A_42 = tpu.matmul %select_n3A, %max3A_34, %dot_general3A {dimension_numbers = #tpu.dot_dimension_numbers<[0], [0], [1], [1], [0, 1, 1, 1], [], []>, transpose_lhs_hint = false} : vector<1000x64xf32>, vector<1000x128xf32>, vector<64x128xf32> -> vector<64x128xf32>
    %broadcast_in_dim3A_43 = arith.constant 1.000000e+00 : f32
    %broadcast_in_dim3A_44 = vector.broadcast %broadcast_in_dim3A_43 : f32 to vector<1000x1xf32>
    %dot_general3A_45 = arith.constant dense<0.000000e+00> : vector<64x1xf32>
    %dot_general3A_46 = tpu.matmul %select_n3A, %broadcast_in_dim3A_44, %dot_general3A_45 {dimension_numbers = #tpu.dot_dimension_numbers<[0], [0], [1], [1], [0, 1, 1, 1], [], []>, transpose_lhs_hint = false} : vector<1000x64xf32>, vector<1000x1xf32>, vector<64x1xf32> -> vector<64x1xf32>
    %eq3A_47 = arith.constant 0 : i32
    %eq3A_48 = arith.cmpi eq, %arg0, %eq3A_47 : i32
    %convert_element_type3A = arith.extui %eq3A_48 : i1 to i32
    %cond3A = arith.constant 0 : i32
    %cond3A_49 = arith.cmpi ne, %convert_element_type3A, %cond3A : i32
    scf.if %cond3A_49 {
      %broadcast_in_dim3A_68 = arith.constant 0.000000e+00 : f32
      %broadcast_in_dim3A_69 = vector.broadcast %broadcast_in_dim3A_68 : f32 to vector<64x128xf32>
      %swap3A_70 = arith.constant 0 : index
      %swap3A_71 = arith.constant 0 : index
      %swap3A_72 = vector.load %arg11[%swap3A_70, %swap3A_71] : memref<64x128xf32, #tpu.memory_space<vmem>>, vector<64x128xf32>
      tpu.vector_store %arg11[%swap3A_70, %swap3A_71], %broadcast_in_dim3A_69 {strides = array<i32>} : memref<64x128xf32, #tpu.memory_space<vmem>>, vector<64x128xf32>,
      %broadcast_in_dim3A_73 = arith.constant 0.000000e+00 : f32
      %broadcast_in_dim3A_74 = vector.broadcast %broadcast_in_dim3A_73 : f32 to vector<64x1xf32>
      %swap3A_75 = arith.constant 0 : index
      %swap3A_76 = arith.constant 0 : index
      %swap3A_77 = vector.load %arg12[%swap3A_75, %swap3A_76] : memref<64x1xf32, #tpu.memory_space<vmem>>, vector<64x1xf32>
      tpu.vector_store %arg12[%swap3A_75, %swap3A_76], %broadcast_in_dim3A_74 {strides = array<i32>} : memref<64x1xf32, #tpu.memory_space<vmem>>, vector<64x1xf32>,
    } else {
    }
    %get3A_50 = arith.constant 0 : index
    %get3A_51 = arith.constant 0 : index
    %get3A_52 = vector.load %arg11[%get3A_50, %get3A_51] : memref<64x128xf32, #tpu.memory_space<vmem>>, vector<64x128xf32>
    %add3A_53 = arith.addf %get3A_52, %dot_general3A_42 : vector<64x128xf32>
    %swap3A = arith.constant 0 : index
    %swap3A_54 = arith.constant 0 : index
    %swap3A_55 = vector.load %arg11[%swap3A, %swap3A_54] : memref<64x128xf32, #tpu.memory_space<vmem>>, vector<64x128xf32>
    tpu.vector_store %arg11[%swap3A, %swap3A_54], %add3A_53 {strides = array<i32>} : memref<64x128xf32, #tpu.memory_space<vmem>>, vector<64x128xf32>,
    %get3A_56 = arith.constant 0 : index
    %get3A_57 = arith.constant 0 : index
    %get3A_58 = vector.load %arg12[%get3A_56, %get3A_57] : memref<64x1xf32, #tpu.memory_space<vmem>>, vector<64x1xf32>
    %add3A_59 = arith.addf %get3A_58, %dot_general3A_46 : vector<64x1xf32>
    %swap3A_60 = arith.constant 0 : index
    %swap3A_61 = arith.constant 0 : index
    %swap3A_62 = vector.load %arg12[%swap3A_60, %swap3A_61] : memref<64x1xf32, #tpu.memory_space<vmem>>, vector<64x1xf32>
    tpu.vector_store %arg12[%swap3A_60, %swap3A_61], %add3A_59 {strides = array<i32>} : memref<64x1xf32, #tpu.memory_space<vmem>>, vector<64x1xf32>,
    %eq3A_63 = arith.constant 9 : i32
    %eq3A_64 = arith.cmpi eq, %arg0, %eq3A_63 : i32
    %convert_element_type3A_65 = arith.extui %eq3A_64 : i1 to i32
    %cond3A_66 = arith.constant 0 : i32
    %cond3A_67 = arith.cmpi ne, %convert_element_type3A_65, %cond3A_66 : i32
    scf.if %cond3A_67 {
      %get3A_68 = arith.constant 0 : index
      %get3A_69 = arith.constant 0 : index
      %get3A_70 = vector.load %arg11[%get3A_68, %get3A_69] : memref<64x128xf32, #tpu.memory_space<vmem>>, vector<64x128xf32>
      %get3A_71 = arith.constant 0 : index
      %get3A_72 = arith.constant 0 : index
      %get3A_73 = vector.load %arg12[%get3A_71, %get3A_72] : memref<64x1xf32, #tpu.memory_space<vmem>>, vector<64x1xf32>
      %max3A_74 = arith.constant 1.000000e+00 : f32
      %max3A_75 = vector.broadcast %max3A_74 : f32 to vector<64x1xf32>
      %max3A_76 = arith.maximumf %get3A_73, %max3A_75 : vector<64x1xf32>
      %div3A = vector.broadcast %max3A_76 : vector<64x1xf32> to vector<64x128xf32>
      %div3A_77 = arith.divf %get3A_70, %div3A : vector<64x128xf32>
      %get3A_78 = arith.constant 0 : index
      %get3A_79 = arith.constant 0 : index
      %get3A_80 = arith.constant 0 : index
      %get3A_81 = vector.load %arg6[%get3A_78, %get3A_79, %get3A_80] : memref<5x128x32xf32, #tpu.memory_space<vmem>>, vector<1x128x32xf32>
      %get3A_82 = vector.shape_cast %get3A_81 : vector<1x128x32xf32> to vector<128x32xf32>
      %dot_general3A_83 = arith.constant dense<0.000000e+00> : vector<64x32xf32>
      %dot_general3A_84 = tpu.matmul %div3A_77, %get3A_82, %dot_general3A_83 {dimension_numbers = #tpu.dot_dimension_numbers<[1], [0], [0], [1], [0, 0, 1, 1], [], []>, transpose_lhs_hint = false} : vector<64x128xf32>, vector<128x32xf32>, vector<64x32xf32> -> vector<64x32xf32>
      %get3A_85 = arith.constant 0 : index
      %get3A_86 = arith.constant 0 : index
      %get3A_87 = vector.load %arg7[%get3A_85, %get3A_86] : memref<5x32xf32, #tpu.memory_space<vmem>>, vector<1x32xf32>
      %get3A_88 = vector.shape_cast %get3A_87 : vector<1x32xf32> to vector<32xf32>
      %broadcast_in_dim3A_89 = vector.shape_cast %get3A_88 : vector<32xf32> to vector<1x32xf32>
      %add3A_90 = vector.broadcast %broadcast_in_dim3A_89 : vector<1x32xf32> to vector<64x32xf32>
      %add3A_91 = arith.addf %dot_general3A_84, %add3A_90 : vector<64x32xf32>
      %max3A_92 = arith.constant 0.000000e+00 : f32
      %max3A_93 = vector.broadcast %max3A_92 : f32 to vector<64x32xf32>
      %max3A_94 = arith.maximumf %add3A_91, %max3A_93 : vector<64x32xf32>
      %get3A_95 = arith.constant 0 : index
      %get3A_96 = arith.constant 0 : index
      %get3A_97 = arith.constant 0 : index
      %get3A_98 = vector.load %arg8[%get3A_95, %get3A_96, %get3A_97] : memref<5x32x1xf32, #tpu.memory_space<vmem>>, vector<1x32x1xf32>
      %get3A_99 = vector.shape_cast %get3A_98 : vector<1x32x1xf32> to vector<32x1xf32>
      %dot_general3A_100 = arith.constant dense<0.000000e+00> : vector<1x64xf32>
      %dot_general3A_101 = tpu.matmul %get3A_99, %max3A_94, %dot_general3A_100 {dimension_numbers = #tpu.dot_dimension_numbers<[0], [1], [1], [0], [0, 1, 1, 0], [], []>, transpose_lhs_hint = false} : vector<32x1xf32>, vector<64x32xf32>, vector<1x64xf32> -> vector<1x64xf32>
      %get3A_102 = arith.constant 0 : index
      %get3A_103 = arith.constant 0 : index
      %get3A_104 = vector.load %arg9[%get3A_102, %get3A_103] : memref<5x1xf32, #tpu.memory_space<vmem>>, vector<1x1xf32>
      %get3A_105 = vector.extract %get3A_104[0, 0] : f32 from vector<1x1xf32>
      %add3A_106 = vector.broadcast %get3A_105 : f32 to vector<1x64xf32>
      %add3A_107 = arith.addf %dot_general3A_101, %add3A_106 : vector<1x64xf32>
      %swap3A_108 = arith.constant 0 : index
      %swap3A_109 = arith.constant 0 : index
      %swap3A_110 = vector.load %arg10[%swap3A_108, %swap3A_109] : memref<5x64xf32, #tpu.memory_space<vmem>>, vector<1x64xf32>
      tpu.vector_store %arg10[%swap3A_108, %swap3A_109], %add3A_107 {strides = array<i32>} : memref<5x64xf32, #tpu.memory_space<vmem>>, vector<1x64xf32>,
      %get3A_111 = arith.constant 1 : index
      %get3A_112 = arith.constant 0 : index
      %get3A_113 = arith.constant 0 : index
      %get3A_114 = vector.load %arg6[%get3A_111, %get3A_112, %get3A_113] : memref<5x128x32xf32, #tpu.memory_space<vmem>>, vector<1x128x32xf32>
      %get3A_115 = vector.shape_cast %get3A_114 : vector<1x128x32xf32> to vector<128x32xf32>
      %dot_general3A_116 = arith.constant dense<0.000000e+00> : vector<64x32xf32>
      %dot_general3A_117 = tpu.matmul %div3A_77, %get3A_115, %dot_general3A_116 {dimension_numbers = #tpu.dot_dimension_numbers<[1], [0], [0], [1], [0, 0, 1, 1], [], []>, transpose_lhs_hint = false} : vector<64x128xf32>, vector<128x32xf32>, vector<64x32xf32> -> vector<64x32xf32>
      %get3A_118 = arith.constant 1 : index
      %get3A_119 = arith.constant 0 : index
      %get3A_120 = vector.load %arg7[%get3A_118, %get3A_119] : memref<5x32xf32, #tpu.memory_space<vmem>>, vector<1x32xf32>
      %get3A_121 = vector.shape_cast %get3A_120 : vector<1x32xf32> to vector<32xf32>
      %broadcast_in_dim3A_122 = vector.shape_cast %get3A_121 : vector<32xf32> to vector<1x32xf32>
      %add3A_123 = vector.broadcast %broadcast_in_dim3A_122 : vector<1x32xf32> to vector<64x32xf32>
      %add3A_124 = arith.addf %dot_general3A_117, %add3A_123 : vector<64x32xf32>
      %max3A_125 = arith.constant 0.000000e+00 : f32
      %max3A_126 = vector.broadcast %max3A_125 : f32 to vector<64x32xf32>
      %max3A_127 = arith.maximumf %add3A_124, %max3A_126 : vector<64x32xf32>
      %get3A_128 = arith.constant 1 : index
      %get3A_129 = arith.constant 0 : index
      %get3A_130 = arith.constant 0 : index
      %get3A_131 = vector.load %arg8[%get3A_128, %get3A_129, %get3A_130] : memref<5x32x1xf32, #tpu.memory_space<vmem>>, vector<1x32x1xf32>
      %get3A_132 = vector.shape_cast %get3A_131 : vector<1x32x1xf32> to vector<32x1xf32>
      %dot_general3A_133 = arith.constant dense<0.000000e+00> : vector<1x64xf32>
      %dot_general3A_134 = tpu.matmul %get3A_132, %max3A_127, %dot_general3A_133 {dimension_numbers = #tpu.dot_dimension_numbers<[0], [1], [1], [0], [0, 1, 1, 0], [], []>, transpose_lhs_hint = false} : vector<32x1xf32>, vector<64x32xf32>, vector<1x64xf32> -> vector<1x64xf32>
      %get3A_135 = arith.constant 1 : index
      %get3A_136 = arith.constant 0 : index
      %get3A_137 = vector.load %arg9[%get3A_135, %get3A_136] : memref<5x1xf32, #tpu.memory_space<vmem>>, vector<1x1xf32>
      %get3A_138 = vector.extract %get3A_137[0, 0] : f32 from vector<1x1xf32>
      %add3A_139 = vector.broadcast %get3A_138 : f32 to vector<1x64xf32>
      %add3A_140 = arith.addf %dot_general3A_134, %add3A_139 : vector<1x64xf32>
      %swap3A_141 = arith.constant 1 : index
      %swap3A_142 = arith.constant 0 : index
      %swap3A_143 = vector.load %arg10[%swap3A_141, %swap3A_142] : memref<5x64xf32, #tpu.memory_space<vmem>>, vector<1x64xf32>
      tpu.vector_store %arg10[%swap3A_141, %swap3A_142], %add3A_140 {strides = array<i32>} : memref<5x64xf32, #tpu.memory_space<vmem>>, vector<1x64xf32>,
      %get3A_144 = arith.constant 2 : index
      %get3A_145 = arith.constant 0 : index
      %get3A_146 = arith.constant 0 : index
      %get3A_147 = vector.load %arg6[%get3A_144, %get3A_145, %get3A_146] : memref<5x128x32xf32, #tpu.memory_space<vmem>>, vector<1x128x32xf32>
      %get3A_148 = vector.shape_cast %get3A_147 : vector<1x128x32xf32> to vector<128x32xf32>
      %dot_general3A_149 = arith.constant dense<0.000000e+00> : vector<64x32xf32>
      %dot_general3A_150 = tpu.matmul %div3A_77, %get3A_148, %dot_general3A_149 {dimension_numbers = #tpu.dot_dimension_numbers<[1], [0], [0], [1], [0, 0, 1, 1], [], []>, transpose_lhs_hint = false} : vector<64x128xf32>, vector<128x32xf32>, vector<64x32xf32> -> vector<64x32xf32>
      %get3A_151 = arith.constant 2 : index
      %get3A_152 = arith.constant 0 : index
      %get3A_153 = vector.load %arg7[%get3A_151, %get3A_152] : memref<5x32xf32, #tpu.memory_space<vmem>>, vector<1x32xf32>
      %get3A_154 = vector.shape_cast %get3A_153 : vector<1x32xf32> to vector<32xf32>
      %broadcast_in_dim3A_155 = vector.shape_cast %get3A_154 : vector<32xf32> to vector<1x32xf32>
      %add3A_156 = vector.broadcast %broadcast_in_dim3A_155 : vector<1x32xf32> to vector<64x32xf32>
      %add3A_157 = arith.addf %dot_general3A_150, %add3A_156 : vector<64x32xf32>
      %max3A_158 = arith.constant 0.000000e+00 : f32
      %max3A_159 = vector.broadcast %max3A_158 : f32 to vector<64x32xf32>
      %max3A_160 = arith.maximumf %add3A_157, %max3A_159 : vector<64x32xf32>
      %get3A_161 = arith.constant 2 : index
      %get3A_162 = arith.constant 0 : index
      %get3A_163 = arith.constant 0 : index
      %get3A_164 = vector.load %arg8[%get3A_161, %get3A_162, %get3A_163] : memref<5x32x1xf32, #tpu.memory_space<vmem>>, vector<1x32x1xf32>
      %get3A_165 = vector.shape_cast %get3A_164 : vector<1x32x1xf32> to vector<32x1xf32>
      %dot_general3A_166 = arith.constant dense<0.000000e+00> : vector<1x64xf32>
      %dot_general3A_167 = tpu.matmul %get3A_165, %max3A_160, %dot_general3A_166 {dimension_numbers = #tpu.dot_dimension_numbers<[0], [1], [1], [0], [0, 1, 1, 0], [], []>, transpose_lhs_hint = false} : vector<32x1xf32>, vector<64x32xf32>, vector<1x64xf32> -> vector<1x64xf32>
      %get3A_168 = arith.constant 2 : index
      %get3A_169 = arith.constant 0 : index
      %get3A_170 = vector.load %arg9[%get3A_168, %get3A_169] : memref<5x1xf32, #tpu.memory_space<vmem>>, vector<1x1xf32>
      %get3A_171 = vector.extract %get3A_170[0, 0] : f32 from vector<1x1xf32>
      %add3A_172 = vector.broadcast %get3A_171 : f32 to vector<1x64xf32>
      %add3A_173 = arith.addf %dot_general3A_167, %add3A_172 : vector<1x64xf32>
      %swap3A_174 = arith.constant 2 : index
      %swap3A_175 = arith.constant 0 : index
      %swap3A_176 = vector.load %arg10[%swap3A_174, %swap3A_175] : memref<5x64xf32, #tpu.memory_space<vmem>>, vector<1x64xf32>
      tpu.vector_store %arg10[%swap3A_174, %swap3A_175], %add3A_173 {strides = array<i32>} : memref<5x64xf32, #tpu.memory_space<vmem>>, vector<1x64xf32>,
      %get3A_177 = arith.constant 3 : index
      %get3A_178 = arith.constant 0 : index
      %get3A_179 = arith.constant 0 : index
      %get3A_180 = vector.load %arg6[%get3A_177, %get3A_178, %get3A_179] : memref<5x128x32xf32, #tpu.memory_space<vmem>>, vector<1x128x32xf32>
      %get3A_181 = vector.shape_cast %get3A_180 : vector<1x128x32xf32> to vector<128x32xf32>
      %dot_general3A_182 = arith.constant dense<0.000000e+00> : vector<64x32xf32>
      %dot_general3A_183 = tpu.matmul %div3A_77, %get3A_181, %dot_general3A_182 {dimension_numbers = #tpu.dot_dimension_numbers<[1], [0], [0], [1], [0, 0, 1, 1], [], []>, transpose_lhs_hint = false} : vector<64x128xf32>, vector<128x32xf32>, vector<64x32xf32> -> vector<64x32xf32>
      %get3A_184 = arith.constant 3 : index
      %get3A_185 = arith.constant 0 : index
      %get3A_186 = vector.load %arg7[%get3A_184, %get3A_185] : memref<5x32xf32, #tpu.memory_space<vmem>>, vector<1x32xf32>
      %get3A_187 = vector.shape_cast %get3A_186 : vector<1x32xf32> to vector<32xf32>
      %broadcast_in_dim3A_188 = vector.shape_cast %get3A_187 : vector<32xf32> to vector<1x32xf32>
      %add3A_189 = vector.broadcast %broadcast_in_dim3A_188 : vector<1x32xf32> to vector<64x32xf32>
      %add3A_190 = arith.addf %dot_general3A_183, %add3A_189 : vector<64x32xf32>
      %max3A_191 = arith.constant 0.000000e+00 : f32
      %max3A_192 = vector.broadcast %max3A_191 : f32 to vector<64x32xf32>
      %max3A_193 = arith.maximumf %add3A_190, %max3A_192 : vector<64x32xf32>
      %get3A_194 = arith.constant 3 : index
      %get3A_195 = arith.constant 0 : index
      %get3A_196 = arith.constant 0 : index
      %get3A_197 = vector.load %arg8[%get3A_194, %get3A_195, %get3A_196] : memref<5x32x1xf32, #tpu.memory_space<vmem>>, vector<1x32x1xf32>
      %get3A_198 = vector.shape_cast %get3A_197 : vector<1x32x1xf32> to vector<32x1xf32>
      %dot_general3A_199 = arith.constant dense<0.000000e+00> : vector<1x64xf32>
      %dot_general3A_200 = tpu.matmul %get3A_198, %max3A_193, %dot_general3A_199 {dimension_numbers = #tpu.dot_dimension_numbers<[0], [1], [1], [0], [0, 1, 1, 0], [], []>, transpose_lhs_hint = false} : vector<32x1xf32>, vector<64x32xf32>, vector<1x64xf32> -> vector<1x64xf32>
      %get3A_201 = arith.constant 3 : index
      %get3A_202 = arith.constant 0 : index
      %get3A_203 = vector.load %arg9[%get3A_201, %get3A_202] : memref<5x1xf32, #tpu.memory_space<vmem>>, vector<1x1xf32>
      %get3A_204 = vector.extract %get3A_203[0, 0] : f32 from vector<1x1xf32>
      %add3A_205 = vector.broadcast %get3A_204 : f32 to vector<1x64xf32>
      %add3A_206 = arith.addf %dot_general3A_200, %add3A_205 : vector<1x64xf32>
      %swap3A_207 = arith.constant 3 : index
      %swap3A_208 = arith.constant 0 : index
      %swap3A_209 = vector.load %arg10[%swap3A_207, %swap3A_208] : memref<5x64xf32, #tpu.memory_space<vmem>>, vector<1x64xf32>
      tpu.vector_store %arg10[%swap3A_207, %swap3A_208], %add3A_206 {strides = array<i32>} : memref<5x64xf32, #tpu.memory_space<vmem>>, vector<1x64xf32>,
      %get3A_210 = arith.constant 4 : index
      %get3A_211 = arith.constant 0 : index
      %get3A_212 = arith.constant 0 : index
      %get3A_213 = vector.load %arg6[%get3A_210, %get3A_211, %get3A_212] : memref<5x128x32xf32, #tpu.memory_space<vmem>>, vector<1x128x32xf32>
      %get3A_214 = vector.shape_cast %get3A_213 : vector<1x128x32xf32> to vector<128x32xf32>
      %dot_general3A_215 = arith.constant dense<0.000000e+00> : vector<64x32xf32>
      %dot_general3A_216 = tpu.matmul %div3A_77, %get3A_214, %dot_general3A_215 {dimension_numbers = #tpu.dot_dimension_numbers<[1], [0], [0], [1], [0, 0, 1, 1], [], []>, transpose_lhs_hint = false} : vector<64x128xf32>, vector<128x32xf32>, vector<64x32xf32> -> vector<64x32xf32>
      %get3A_217 = arith.constant 4 : index
      %get3A_218 = arith.constant 0 : index
      %get3A_219 = vector.load %arg7[%get3A_217, %get3A_218] : memref<5x32xf32, #tpu.memory_space<vmem>>, vector<1x32xf32>
      %get3A_220 = vector.shape_cast %get3A_219 : vector<1x32xf32> to vector<32xf32>
      %broadcast_in_dim3A_221 = vector.shape_cast %get3A_220 : vector<32xf32> to vector<1x32xf32>
      %add3A_222 = vector.broadcast %broadcast_in_dim3A_221 : vector<1x32xf32> to vector<64x32xf32>
      %add3A_223 = arith.addf %dot_general3A_216, %add3A_222 : vector<64x32xf32>
      %max3A_224 = arith.constant 0.000000e+00 : f32
      %max3A_225 = vector.broadcast %max3A_224 : f32 to vector<64x32xf32>
      %max3A_226 = arith.maximumf %add3A_223, %max3A_225 : vector<64x32xf32>
      %get3A_227 = arith.constant 4 : index
      %get3A_228 = arith.constant 0 : index
      %get3A_229 = arith.constant 0 : index
      %get3A_230 = vector.load %arg8[%get3A_227, %get3A_228, %get3A_229] : memref<5x32x1xf32, #tpu.memory_space<vmem>>, vector<1x32x1xf32>
      %get3A_231 = vector.shape_cast %get3A_230 : vector<1x32x1xf32> to vector<32x1xf32>
      %dot_general3A_232 = arith.constant dense<0.000000e+00> : vector<1x64xf32>
      %dot_general3A_233 = tpu.matmul %get3A_231, %max3A_226, %dot_general3A_232 {dimension_numbers = #tpu.dot_dimension_numbers<[0], [1], [1], [0], [0, 1, 1, 0], [], []>, transpose_lhs_hint = false} : vector<32x1xf32>, vector<64x32xf32>, vector<1x64xf32> -> vector<1x64xf32>
      %get3A_234 = arith.constant 4 : index
      %get3A_235 = arith.constant 0 : index
      %get3A_236 = vector.load %arg9[%get3A_234, %get3A_235] : memref<5x1xf32, #tpu.memory_space<vmem>>, vector<1x1xf32>
      %get3A_237 = vector.extract %get3A_236[0, 0] : f32 from vector<1x1xf32>
      %add3A_238 = vector.broadcast %get3A_237 : f32 to vector<1x64xf32>
      %add3A_239 = arith.addf %dot_general3A_233, %add3A_238 : vector<1x64xf32>
      %swap3A_240 = arith.constant 4 : index
      %swap3A_241 = arith.constant 0 : index
      %swap3A_242 = vector.load %arg10[%swap3A_240, %swap3A_241] : memref<5x64xf32, #tpu.memory_space<vmem>>, vector<1x64xf32>
      tpu.vector_store %arg10[%swap3A_240, %swap3A_241], %add3A_239 {strides = array<i32>} : memref<5x64xf32, #tpu.memory_space<vmem>>, vector<1x64xf32>,
    } else {
    }
    return
  }
  func.func @transform_0(%arg0: i32) -> (i32, i32, i32) {
    %c0_i32 = arith.constant 0 : i32
    %c0_i32_0 = arith.constant 0 : i32
    %c0_i32_1 = arith.constant 0 : i32
    return %c0_i32, %arg0, %c0_i32_0 : i32, i32, i32
  }
  func.func @transform_1(%arg0: i32) -> (i32, i32) {
    %c0_i32 = arith.constant 0 : i32
    %c0_i32_0 = arith.constant 0 : i32
    return %arg0, %c0_i32 : i32, i32
  }
  func.func @transform_2(%arg0: i32) -> (i32, i32, i32) {
    %c0_i32 = arith.constant 0 : i32
    %c0_i32_0 = arith.constant 0 : i32
    %c0_i32_1 = arith.constant 0 : i32
    return %c0_i32, %arg0, %c0_i32_0 : i32, i32, i32
  }
  func.func @transform_3(%arg0: i32) -> (i32, i32) {
    %c0_i32 = arith.constant 0 : i32
    %c0_i32_0 = arith.constant 0 : i32
    %c0_i32_1 = arith.constant 0 : i32
    return %c0_i32, %c0_i32_0 : i32, i32
  }
  func.func @transform_4(%arg0: i32) -> (i32, i32) {
    %c0_i32 = arith.constant 0 : i32
    %c0_i32_0 = arith.constant 0 : i32
    return %arg0, %c0_i32 : i32, i32
  }
  func.func @transform_5(%arg0: i32) -> (i32, i32, i32) {
    %c0_i32 = arith.constant 0 : i32
    %c0_i32_0 = arith.constant 0 : i32
    %c0_i32_1 = arith.constant 0 : i32
    %c0_i32_2 = arith.constant 0 : i32
    return %c0_i32, %c0_i32_0, %c0_i32_1 : i32, i32, i32
  }
  func.func @transform_6(%arg0: i32) -> (i32, i32) {
    %c0_i32 = arith.constant 0 : i32
    %c0_i32_0 = arith.constant 0 : i32
    %c0_i32_1 = arith.constant 0 : i32
    return %c0_i32, %c0_i32_0 : i32, i32
  }
  func.func @transform_7(%arg0: i32) -> (i32, i32, i32) {
    %c0_i32 = arith.constant 0 : i32
    %c0_i32_0 = arith.constant 0 : i32
    %c0_i32_1 = arith.constant 0 : i32
    %c0_i32_2 = arith.constant 0 : i32
    return %c0_i32, %c0_i32_0, %c0_i32_1 : i32, i32, i32
  }
  func.func @transform_8(%arg0: i32) -> (i32, i32) {
    %c0_i32 = arith.constant 0 : i32
    %c0_i32_0 = arith.constant 0 : i32
    %c0_i32_1 = arith.constant 0 : i32
    return %c0_i32, %c0_i32_0 : i32, i32
  }
  func.func @transform_9(%arg0: i32) -> (i32, i32) {
    %c0_i32 = arith.constant 0 : i32
    %c0_i32_0 = arith.constant 0 : i32
    %c0_i32_1 = arith.constant 0 : i32
    return %c0_i32, %c0_i32_0 : i32, i32
  }
}

</mosaic_0001>

<sc_bundles>
// kernel: kernel.11.cloned.1.call-start
scs
__scs_entry_jumppad:
0x0: {  	(pc) =	sbr.rel $0x88, $3  }
0x1: {  	(tag) =	ssettag $0x0;
	lr =	simm.s32 $0x1  }
0x2: {  	[smem:$0x3F94] =	sst lr;
	_ =	strace $0xD0000000  }
0x3: {  	_ = 	snop  }
0x4: {  	_ = 	snop  }
0x5: {  	_ = 	snop  }
0x6: {  	_ = 	snop  }
0x7: {  	_ = 	snop  }
__scs_overlays_trampoline_lowered:
0x8: {  	[smem:$0x3FA3] =	sst s0  }
0x9: {  	[smem:$0x3FA4] =	sst s1  }
0xa: {  	[smem:$0x3FA5] =	sst s2  }
0xb: {  	[smem:$0x3FA6] =	sst s3  }
0xc: {  	[smem:$0x3FA7] =	sst s4  }
0xd: {  	[smem:$0x3FA8] =	sst s5  }
0xe: {  	[smem:$0x3FA9] =	sst s6  }
0xf: {  	[smem:$0x3FAA] =	sst s7  }
0x10: {  	[smem:$0x3FAB] =	sst s8  }
0x11: {  	[smem:$0x3FAC] =	sst s9;
	s0 =	simm.s32 @!p0 $0x0  }
0x12: {  	s1 =	sld [smem:$0x3F92];
	s0 =	simm.s32 @p0 $0x1  }
0x13: {  	[smem:$0x3FAD] =	sst s0;
	s0 =	simm.s32 @!p1 $0x0  }
0x14: {  	s2 =	sld [smem:$0x3F91];
	s0 =	simm.s32 @p1 $0x1  }
0x15: {  	[smem:$0x3FAE] =	sst s0;
	s0 =	simm.s32 @!p2 $0x0  }
0x16: {  	s3 =	sld [smem:$0x3FDB];
	s0 =	simm.s32 @p2 $0x1  }
0x17: {  	s4 =	simm.s32 $0x1BF5;
	[smem:$0x3FB0] =	sst s0  }
0x18: {  	s0 =	sld [smem:$0x3F93];
	_ =	swait.ge [sflag:s4], $0x0  }
0x19: {  	s7 =	sld [smem:$0x3F94]  }
0x1a: {  	s8 =	sadd.s32 $0xFFFFE003, lr  }
0x1b: {  	s9 =	sadd.s32 $0xFFFFFEF7, lr;
	s5 =	simm.s32 $0xFFFFFFFF;
	p2 =	slt.u32 s8, $0xFFFFF086  }
0x1c: {  	p1 =	slt.u32 s9, $0xF7A;
	s5 =	simm.s32 @!p2 $0x0  }
0x1d: {  	s5 =	simm.s32 @p1 $0x1;
	p0 =	seq.s32 s7, s2  }
0x1e: {  	s7 =	smul.u32 @!p0 $0xF7A, s2;
	p2 =	seq.s32 @!p0 s5, $0x0  }
0x1f: {  	s9 =	smul.u32 $0xF7A, s1;
	s8 =	simm.s32 @!p0 $0x1BF5;
	p2 =	por !p2, p0  }
0x20: {  	[sflag:s8] =	ssyncset.s32 @!p0 $0xFFFFF086;
	s6 =	sadd.s32 @!p0 s3, s7;
	s7 =	simm.s32 @!p0 $0x108  }
0x21: {  	s3 =	sadd.s32 s3, s9;
	s6 =	sadd.s32 @!p0 $0x88, s6;
	s7 =	simm.s32 @p2 $0x1082  }
0x22: {  	[simem:s7], [sflag:s8] =	dma.local @!p0 [hbm:s6], $0xF7A  }
0x23: {  	s9 =	sor.u32 $0xD0000000, s2;
	s6 =	simm.s32 $0x108;
	_ =	swait.ge @!p0 [sflag:s8], $0x0  }
0x24: {  	s3 =	sadd.s32 $0x88, s3;
	s6 =	simm.s32 @!p1 $0x1082;
	[sflag:s4] =	ssyncset.s32 $0xFFFFF086  }
0x25: {  	[simem:s6], [sflag:s4] =	dma.local [hbm:s3], $0xF7A  }
0x26: {  	[smem:$0x3F94] =	sst s1;
	(tag) =	ssettag s2;
	_ =	strace s9  }
0x27: {  	s1 =	sld [smem:$0x3FA4]  }
0x28: {  	s2 =	sld [smem:$0x3FA5]  }
0x29: {  	s4 =	sld [smem:$0x3FA7]  }
0x2a: {  	p0 =	seq.s32 s5, $0x0;
	s5 =	sld [smem:$0x3FA8]  }
0x2b: {  	s6 =	sld [smem:$0x3FA9]  }
0x2c: {  	s7 =	sld [smem:$0x3FAA]  }
0x2d: {  	s3 =	simm.s32 $0x108;
	s8 =	sld [smem:$0x3FAB]  }
0x2e: {  	s3 =	simm.s32 @!p0 $0x1082;
	s9 =	sld [smem:$0x3FAC]  }
0x2f: {  	lr =	sadd.s32 s0, s3;
	s0 =	sld [smem:$0x3FA3]  }
0x30: {  	s3 =	sld [smem:$0x3FA6]  }
0x31: {  	[smem:$0x3FAF] =	sst s10  }
0x32: {  	s10 =	sld [smem:$0x3FAD];
	_ =	sdelay $0x3  }
0x33: {  	p0 =	seq.s32 s10, $0x1;
	s10 =	sld [smem:$0x3FAF];
	_ =	sdelay $0x3  }
0x34: {  	[smem:$0x3FAF] =	sst s10  }
0x35: {  	s10 =	sld [smem:$0x3FAE];
	_ =	sdelay $0x3  }
0x36: {  	p1 =	seq.s32 s10, $0x1;
	s10 =	sld [smem:$0x3FAF];
	_ =	sdelay $0x3  }
0x37: {  	[smem:$0x3FAF] =	sst s10  }
0x38: {  	s10 =	sld [smem:$0x3FB0]  }
0x39: {  	_ = 	snop;
	(pc) =	sbr.ind lr, $3  }
0x3a: {  	_ = 	snop  }
0x3b: {  	_ = 	snop  }
0x3c: {  	p2 =	seq.s32 s10, $0x1;
	s10 =	sld [smem:$0x3FAF]  }
0x3d: {  	_ =	shalt  }
0x3e: {  	_ =	shalt  }
0x3f: {  	_ =	shalt  }
0x40: {  	_ =	shalt  }
0x41: {  	_ =	shalt  }
0x42: {  	_ =	shalt  }
0x43: {  	_ =	shalt  }
0x44: {  	_ =	shalt  }
0x45: {  	_ =	shalt  }
0x46: {  	_ =	shalt  }
0x47: {  	_ =	shalt  }
0x48: {  	_ =	shalt  }
0x49: {  	_ =	shalt  }
0x4a: {  	_ =	shalt  }
0x4b: {  	_ =	shalt  }
0x4c: {  	_ =	shalt  }
0x4d: {  	_ =	shalt  }
0x4e: {  	_ =	shalt  }
0x4f: {  	_ =	shalt  }
0x50: {  	_ =	shalt  }
0x51: {  	_ =	shalt  }
0x52: {  	_ =	shalt  }
0x53: {  	_ =	shalt  }
0x54: {  	_ =	shalt  }
0x55: {  	_ =	shalt  }
0x56: {  	_ =	shalt  }
0x57: {  	_ =	shalt  }
0x58: {  	_ =	shalt  }
0x59: {  	_ =	shalt  }
0x5a: {  	_ =	shalt  }
0x5b: {  	_ =	shalt  }
0x5c: {  	_ =	shalt  }
0x5d: {  	_ =	shalt  }
0x5e: {  	_ =	shalt  }
0x5f: {  	_ =	shalt  }
0x60: {  	_ =	shalt  }
0x61: {  	_ =	shalt  }
0x62: {  	_ =	shalt  }
0x63: {  	_ =	shalt  }
0x64: {  	_ =	shalt  }
0x65: {  	_ =	shalt  }
0x66: {  	_ =	shalt  }
0x67: {  	_ =	shalt  }
0x68: {  	_ =	shalt  }
0x69: {  	_ =	shalt  }
0x6a: {  	_ =	shalt  }
0x6b: {  	_ =	shalt  }
0x6c: {  	_ =	shalt  }
0x6d: {  	_ =	shalt  }
0x6e: {  	_ =	shalt  }
0x6f: {  	_ =	shalt  }
0x70: {  	_ =	shalt  }
0x71: {  	_ =	shalt  }
0x72: {  	_ =	shalt  }
0x73: {  	_ =	shalt  }
0x74: {  	_ =	shalt  }
0x75: {  	_ =	shalt  }
0x76: {  	_ =	shalt  }
0x77: {  	_ =	shalt  }
0x78: {  	_ =	shalt  }
0x79: {  	_ =	shalt  }
0x7a: {  	_ =	shalt  }
0x7b: {  	_ =	shalt  }
0x7c: {  	_ =	shalt  }
0x7d: {  	_ =	shalt  }
0x7e: {  	_ =	shalt  }
0x7f: {  	_ =	shalt  }
0x80: {  	_ =	shalt  }
0x81: {  	_ =	shalt  }
0x82: {  	_ =	shalt  }
0x83: {  	_ =	shalt  }
0x84: {  	_ =	shalt  }
0x85: {  	_ =	shalt  }
0x86: {  	_ =	shalt  }
0x87: {  	_ =	shalt  }
.Lfunc_end0:
.L_simem_size_0:
called_computation_lowered:
.L_overlay_start_0:
0x88: {  	s2 =	sld [smem:$0x3FD9]  }
0x89: {  	s3 =	sld [smem:$0x3FFE];
	_ =	sdelay $0x1  }
0x8a: {  	s1 =	srdreg.scid  }
0x8b: {  	s0 =	sand.u32 $0x1, s1  }
0x8c: {  	s16 =	sshll.u32 s0, $0xA;
	s2 =	sadd.s32 s3, s2  }
0x8d: {  	s2 =	sadd.s32 s2, s16  }
0x8e: {  	[smem:$0x3FBB] =	sst s2  }
0x8f: {  	_ = 	snop  }
0x90: {  	(tm) =	ssettm $0x1  }
0x91: {  	s17 =	sld [smem:$0x3FFB];
	_ =	sdelay $0x3  }
0x92: {  	_ =	strace s17  }
0x93: {  	s2 =	sld [smem:$0x3FFC];
	_ =	sdelay $0x3  }
0x94: {  	_ =	strace s2  }
0x95: {  	s2 =	sld [smem:$0x3FFD];
	_ =	sdelay $0x3  }
0x96: {  	_ =	strace s2  }
0x97: {  	_ =	strace $0x8FFFFFFF  }
0x98: {  	s18 =	sld [smem:$0x3FDB];
	_ =	sdelay $0x1  }
0x99: {  	s19 =	simm.s32 $_scs_section_size  }
0x9a: {  	s4 =	simm.s32 $_size__tile_overlayer_lowered;
	s5 =	simm.s32 $_tile_overlayer_lowered  }
0x9b: {  	s22 =	simm.s32 $0x1BFF;
	s21 =	sshll.u32 s5, $0x1;
	s2 =	sadd.s32 s19, s18  }
0x9c: {  	s6 =	simm.s32 $0x0;
	s20 =	sshll.u32 s4, $0x1;
	s4 =	sadd.s32 s21, s2  }
0x9d: {  	[timem:s6], [sflag:s22] =	dma.local [hbm:s4], s20  }
0x9e: {  	_ =	swait.ge [sflag:s22], s20  }
0x9f: {  	s3 =	ssub.s32 $0x0, s20;
	[sflag:s22] =	ssyncset.done $0x0  }
0xa0: {  	[sflag:s22] =	ssyncadd.s32 s3;
	_ =	sdelay $0x1  }
0xa1: {  	s23 =	simm.s32 $0x1B8B  }
0xa2: {  	_ =	swait.ge [sflag:s23], $0x1  }
0xa3: {  	[sflag:s23] =	ssyncset.done $0x0  }
0xa4: {  	s25 =	simm.s32 $0x1B8E;
	s24 =	sld [smem:$0x3FFE];
	[sflag:s23] =	ssyncadd.s32 $0xFFFFFFFF  }
0xa5: {  	s26 =	simm.s32 $execute0_lowered;
	[smem:$0x3FD2] =	sst s25  }
0xa6: {  	s4 =	sshll.u32 s26, $0x1;
	_ =	strace $0x80000046;
	[dreg:$0x1] =	wrdreg $0xFFFFFFFF  }
0xa7: {  	s28 =	simm.s32 $_size_execute0_lowered;
	s2 =	sadd.s32 s2, s4;
	[dreg:$0x0] =	wrdreg $0x0  }
0xa8: {  	s4 =	sshll.u32 s28, $0x1;
	[dreg:$0x2] =	wrdreg s2  }
0xa9: {  	[dreg:$0x3] =	wrdreg s4  }
0xaa: {  	[dreg:$0x4] =	wrdreg $0xC0  }
0xab: {  	_ =	task [dreg:s6], $0x5FFFF  }
0xac: {  	[dreg:$0x1] =	wrdreg $0xFFFFFFFF  }
0xad: {  	[dreg:$0x0] =	wrdreg $0x60  }
0xae: {  	[dreg:$0x2] =	wrdreg s24  }
0xaf: {  	[dreg:$0x3] =	wrdreg $0x68000  }
0xb0: {  	[dreg:$0x4] =	wrdreg $0x9  }
0xb1: {  	_ =	task.clear_ibuf [dreg:s6], $0x5FFFF;
	_ =	strace $0x90000046  }
0xb2: {  	s29 =	simm.s32 $0x9;
	_ =	strace $0x80000048  }
0xb3: {  	_ =	swait.ge [sflag:s29], $0x1  }
0xb4: {  	[sflag:s29] =	ssyncadd.s32 $0xFFFFFFFF  }
0xb5: {  	_ =	strace $0x90000048  }
0xb6: {  	_ =	sfence  }
0xb7: {  	s30 =	sld [smem:$0x0];
	_ =	sdelay $0x2  }
0xb8: {  	s31 =	sshll.u32 s1, $0xD;
	s1 =	sshrl.u32 s1, $0x2  }
0xb9: {  	s3 =	sand.u32 $0x4000, s31;
	s1 =	sadd.s32 s1, s30  }
0xba: {  	s0 =	sor.u32 s3, s0;
	s1 =	sshll.u32 s1, $0x11  }
0xbb: {  	s0 =	sor.u32 s1, s0  }
0xbc: {  	s0 =	sadd.s32 $0x8F2B, s0  }
0xbd: {  	[sflag:s0] =	ssyncadd.remote.s32 $0x1  }
0xbe: {  	_ =	sfence.sel $0xFFFF  }
0xbf: {  	[dreg:$0x0] =	wrdreg $0xFFFFFFFF;
	(pc) =	sbr.abs _section_cstart, $3  }
0xc0: {  	[dreg:$0x1] =	wrdreg $0xFFFFFFFF  }
0xc1: {  	_ =	task.clear_ibuf [dreg:s6], $0x2FFFF;
	_ =	strace $0x9FFFFFFF  }
0xc2: {  	(tm) =	ssettm $0x7FFFFFFF  }
0xc3: {  	_ =	shalt  }
tec
execute0_lowered:
.L_overlay_start_1:
0x0: {  	(tag) =	ssettag $0x1  }
0x1: {  	s5 =	rddreg [dreg:$0x0]  }
0x2: {  	s0 =	srdreg.scid;
	s2 =	rddreg [dreg:$0x1];
	s3 =	simm.s32 $0x0  }
0x3: {  	s12 =	simm.s32 $0x1;
	s4 =	sand.u32 $0x1, s0;
	s0 =	stileid.u32  }
0x4: {  	s13 =	simm.s32 $0x2800;
	s14 =	simm.s32 $0x80;
	s7 =	smul.u32 $0x2800, s0  }
0x5: {  	s17 =	simm.s32 $0x0;
	[smem:$0x7FF] =	sst s3;
	s8 =	smul.u32 $0x28000, s4  }
0x6: {  	s1 =	sshll.u32 s4, $0x4;
	s9 =	smul.u32 $0x50000, s0;
	s29 =	ssub.s32 $0x2, s4  }
0x7: {  	s15 =	sshll.u32 s0, $0x6;
	s1 =	sor.u32 s0, s1;
	s31 =	sshrl.u32 s29, $0x1  }
0x8: {  	s15 =	sor.u32 $0x1C01, s15;
	s6 =	smul.u32 $0x500, s1;
	s1 =	rddreg [dreg:$0x2]  }
0x9: {  	_ =	strace $0x80000047;
	s7 =	sadd.s32 s7, s8;
	s30 =	sshrl.u32 s9, $0x2  }
0xa: {  	s11 =	ssub.s32 s29, s31;
	s10 =	sadd.s32 s7, s5;
	s4 =	sadd.s32 s30, s2  }
0xb: {  	s11 =	smax.u32 s11, $0x1;
	s6 =	sadd.s32 s6, s5;
	s7 =	sadd.s32 $0x8000, s4  }
0xc: {  	s8 =	sadd.s32 $0xC000, s4;
	s9 =	sadd.s32 $0x10000, s4;
	s10 =	sadd.s32 $0x18400, s10  }
0xd: {  	v0 =	vimm.f32 $0.0e+00;
	v1 =	vimm.f32 $1.000000000e+00;
	s16 =	sshrl.u32 s4, $0x3;
	s5 =	sadd.s32 $0x4400, s6;
	s6 =	sadd.s32 $0x4000, s4  }
.LBB2_1:
0xe: {  	[tilespmem:s3], [sflag:$0x1] =	stream.linear.gather [hbm4b:s5+s3], $0x2800, $0x38;
	[tilespmem:$0x9000] =	vst v63  }
0xf: {  	_ =	swait.ge [sflag:s12], $0x2800  }
0x10: {  	[sflag:s12] =	ssyncset.done $0x0  }
0x11: {  	s18 =	simm.s32 $0x200;
	s19 =	simm.s32 $0x0;
	[sflag:s12] =	ssyncadd.s32 $0xFFFFD800  }
.LBB2_2:
0x12: {  	p0 =	sne.s32 s18, $0xFE00;
	[tilespmem:s19+$0x2800] =	vst v0;
	s19 =	smov.u32 s18;
	s18 =	sadd.s32 $0x200, s18  }
.Ltmp0:
0x13: {  	(pc) =	sbr.rel @p0 .LBB2_2-.Ltmp0, $2  }
0x14: {  	_ =	sdelay $0x2  }
0x15: {  	s19 =	sshra.s32 s19, $0x2  }
0x16: {  	[tilespmem:s19+$0x2800] =	vst v0  }
0x17: {  	[spmem:s4] =	stream.linear.scatter [tilespmem:s13], [sflag:$0x1], $0x4000, $0x38;
	[tilespmem:$0x9000] =	vst v63  }
0x18: {  	_ =	swait.ge [sflag:s12], $0x4000  }
0x19: {  	[sflag:s12] =	ssyncset.done $0x0  }
0x1a: {  	[sflag:s12] =	ssyncadd.s32 $0xFFFFC000  }
0x1b: {  	[spmem:s6] =	stream.linear.scatter [tilespmem:s13], [sflag:$0x1], $0x4000, $0x38;
	[tilespmem:$0x9000] =	vst v63  }
0x1c: {  	_ =	swait.ge [sflag:s12], $0x4000  }
0x1d: {  	[sflag:s12] =	ssyncset.done $0x0  }
0x1e: {  	[sflag:s12] =	ssyncadd.s32 $0xFFFFC000  }
0x1f: {  	[spmem:s7] =	stream.linear.scatter [tilespmem:s13], [sflag:$0x1], $0x4000, $0x38;
	[tilespmem:$0x9000] =	vst v63  }
0x20: {  	_ =	swait.ge [sflag:s12], $0x4000  }
0x21: {  	[sflag:s12] =	ssyncset.done $0x0  }
0x22: {  	[sflag:s12] =	ssyncadd.s32 $0xFFFFC000  }
0x23: {  	[spmem:s8] =	stream.linear.scatter [tilespmem:s13], [sflag:$0x1], $0x4000, $0x38;
	[tilespmem:$0x9000] =	vst v63  }
0x24: {  	_ =	swait.ge [sflag:s12], $0x4000  }
0x25: {  	[sflag:s12] =	ssyncset.done $0x0  }
0x26: {  	[sflag:s12] =	ssyncadd.s32 $0xFFFFC000  }
0x27: {  	[spmem:s9] =	stream.linear.scatter [tilespmem:s13], [sflag:$0x1], $0x4000, $0x38;
	[tilespmem:$0x9000] =	vst v63  }
0x28: {  	_ =	swait.ge [sflag:s12], $0x4000  }
0x29: {  	[sflag:s12] =	ssyncset.done $0x0  }
0x2a: {  	s18 =	simm.s32 $0x200;
	s19 =	simm.s32 $0x0;
	[sflag:s12] =	ssyncadd.s32 $0xFFFFC000  }
.LBB2_4:
0x2b: {  	p0 =	sne.s32 s18, $0xFE00;
	[tilespmem:s19+$0x2800] =	vst v1;
	s19 =	smov.u32 s18;
	s18 =	sadd.s32 $0x200, s18  }
.Ltmp1:
0x2c: {  	(pc) =	sbr.rel @p0 .LBB2_4-.Ltmp1, $2  }
0x2d: {  	_ =	sdelay $0x2  }
0x2e: {  	s19 =	sshra.s32 s19, $0x2  }
0x2f: {  	[tilespmem:s19+$0x2800] =	vst v1  }
0x30: {  	s18 =	simm.s32 $0x0;
	[bflag:$0x0] =	sbarrier.arrive $0xFFFF  }
0x31: {  	[spmem:s2] =	stream.indirect.scatter.add.f32 [tilespmem:s13], [sflag:$0x1], $0x10, s18, s14, $0xb8;
	[tilespmem:$0x9000] =	vst v63  }
0x32: {  	_ =	swait.ge [sflag:s12], $0x800  }
0x33: {  	s18 =	simm.s32 $0x200;
	[sflag:s12] =	ssyncset.done $0x0  }
.LBB2_6:
0x34: {  	s19 =	sshra.s32 s18, $0x2;
	[sflag:s12] =	ssyncadd.s32 $0xFFFFF800;
	p0 =	sne.s32 s18, $0x9E00  }
0x35: {  	[spmem:s2] =	stream.indirect.scatter.add.f32 [tilespmem:s13], [sflag:$0x1], $0x10, s19, s14, $0xb8;
	[tilespmem:$0x9000] =	vst v63  }
.Ltmp2:
0x36: {  	_ = 	snop;
	(pc) =	sbr.rel @p0 .LBB2_6-.Ltmp2, $4  }
0x37: {  	_ = 	snop  }
0x38: {  	s18 =	sadd.s32 $0x200, s18  }
0x39: {  	_ =	swait.ge [sflag:s12], $0x800  }
0x3a: {  	[sflag:s12] =	ssyncset.done $0x0  }
0x3b: {  	s17 =	sadd.s32 $0x1, s17  }
0x3c: {  	[sflag:s12] =	ssyncadd.s32 $0xFFFFF800;
	p0 =	sne.s32 s17, s11  }
.Ltmp3:
0x3d: {  	[bflag:$0x0] =	sbarrier.arrive $0xFFFF;
	(pc) =	sbr.rel @p0 .LBB2_1-.Ltmp3, $4  }
0x3e: {  	[hbm:s10], [sflag:s15] =	dma.local [spmem:s16], $0x2800  }
0x3f: {  	_ =	swait.ge [sflag:s12], $0x2800  }
0x40: {  	[sflag:s12] =	ssyncset.done $0x0  }
0x41: {  	[sflag:s12] =	ssyncadd.s32 $0xFFFFD800  }
0x42: {  	_ =	sfence.sel $0x180000  }
0x43: {  	[bflag:$0x0] =	sbarrier.arrive $0xFFFF  }
0x44: {  	p0 =	sne.s32 s0, $0x0;
	_ =	strace $0x90000047  }
0x45: {  	s0 =	sadd.s32 @!p0 $0x100000, s1;
	[bflag:$0x2] =	sbarrier.arrive $0xFFFF  }
0x46: {  	[sflag:s0] =	ssyncadd.tile.s32 @!p0 $0x1;
	_ =	shalt  }
.Lfunc_end2:
_tile_overlayer_lowered:
.L_overlay_start_2:
0x47: {  	(tag) =	ssettag $0x2  }
0x48: {  	s0 =	rddreg [dreg:$0x0];
	s2 =	stileid.u32  }
0x49: {  	s1 =	rddreg [dreg:$0x1];
	p0 =	sne.s32 s2, $0x0  }
0x4a: {  	s3 =	rddreg [dreg:$0x2];
	[bflag:$0x3] =	sbarrier.arrive $0xFFFF;
	s2 =	simm.s32 @!p0 $0x1C01  }
0x4b: {  	[timem:s3], [sflag:s2] =	dma.local @!p0 [hbm:s0], s1  }
0x4c: {  	s0 =	simm.s32 @!p0 $0x1  }
0x4d: {  	_ =	swait.ge @!p0 [sflag:s0], s1  }
0x4e: {  	s1 =	ssub.s32 @!p0 $0x0, s1;
	[sflag:s0] =	ssyncset.done @!p0 $0x0  }
0x4f: {  	[sflag:s0] =	ssyncadd.s32 @!p0 s1  }
0x50: {  	[bflag:$0x3] =	sbarrier.arrive $0xFFFF  }
0x51: {  	_ =	shalt  }

// kernel: kernel.14.cloned.1.call-start
scs
__scs_entry_jumppad:
0x0: {  	(pc) =	sbr.rel $0x88, $3  }
0x1: {  	(tag) =	ssettag $0x0;
	lr =	simm.s32 $0x1  }
0x2: {  	[smem:$0x3F94] =	sst lr;
	_ =	strace $0xD0000000  }
0x3: {  	_ = 	snop  }
0x4: {  	_ = 	snop  }
0x5: {  	_ = 	snop  }
0x6: {  	_ = 	snop  }
0x7: {  	_ = 	snop  }
__scs_overlays_trampoline_lowered:
0x8: {  	[smem:$0x3FA3] =	sst s0  }
0x9: {  	[smem:$0x3FA4] =	sst s1  }
0xa: {  	[smem:$0x3FA5] =	sst s2  }
0xb: {  	[smem:$0x3FA6] =	sst s3  }
0xc: {  	[smem:$0x3FA7] =	sst s4  }
0xd: {  	[smem:$0x3FA8] =	sst s5  }
0xe: {  	[smem:$0x3FA9] =	sst s6  }
0xf: {  	[smem:$0x3FAA] =	sst s7  }
0x10: {  	[smem:$0x3FAB] =	sst s8  }
0x11: {  	[smem:$0x3FAC] =	sst s9;
	s0 =	simm.s32 @!p0 $0x0  }
0x12: {  	s1 =	sld [smem:$0x3F92];
	s0 =	simm.s32 @p0 $0x1  }
0x13: {  	[smem:$0x3FAD] =	sst s0;
	s0 =	simm.s32 @!p1 $0x0  }
0x14: {  	s2 =	sld [smem:$0x3F91];
	s0 =	simm.s32 @p1 $0x1  }
0x15: {  	[smem:$0x3FAE] =	sst s0;
	s0 =	simm.s32 @!p2 $0x0  }
0x16: {  	s3 =	sld [smem:$0x3FDB];
	s0 =	simm.s32 @p2 $0x1  }
0x17: {  	s4 =	simm.s32 $0x1BF5;
	[smem:$0x3FB0] =	sst s0  }
0x18: {  	s0 =	sld [smem:$0x3F93];
	_ =	swait.ge [sflag:s4], $0x0  }
0x19: {  	s7 =	sld [smem:$0x3F94]  }
0x1a: {  	s8 =	sadd.s32 $0xFFFFE003, lr  }
0x1b: {  	s9 =	sadd.s32 $0xFFFFFEF7, lr;
	s5 =	simm.s32 $0xFFFFFFFF;
	p2 =	slt.u32 s8, $0xFFFFF086  }
0x1c: {  	p1 =	slt.u32 s9, $0xF7A;
	s5 =	simm.s32 @!p2 $0x0  }
0x1d: {  	s5 =	simm.s32 @p1 $0x1;
	p0 =	seq.s32 s7, s2  }
0x1e: {  	s7 =	smul.u32 @!p0 $0xF7A, s2;
	p2 =	seq.s32 @!p0 s5, $0x0  }
0x1f: {  	s9 =	smul.u32 $0xF7A, s1;
	s8 =	simm.s32 @!p0 $0x1BF5;
	p2 =	por !p2, p0  }
0x20: {  	[sflag:s8] =	ssyncset.s32 @!p0 $0xFFFFF086;
	s6 =	sadd.s32 @!p0 s3, s7;
	s7 =	simm.s32 @!p0 $0x108  }
0x21: {  	s3 =	sadd.s32 s3, s9;
	s6 =	sadd.s32 @!p0 $0x88, s6;
	s7 =	simm.s32 @p2 $0x1082  }
0x22: {  	[simem:s7], [sflag:s8] =	dma.local @!p0 [hbm:s6], $0xF7A  }
0x23: {  	s9 =	sor.u32 $0xD0000000, s2;
	s6 =	simm.s32 $0x108;
	_ =	swait.ge @!p0 [sflag:s8], $0x0  }
0x24: {  	s3 =	sadd.s32 $0x88, s3;
	s6 =	simm.s32 @!p1 $0x1082;
	[sflag:s4] =	ssyncset.s32 $0xFFFFF086  }
0x25: {  	[simem:s6], [sflag:s4] =	dma.local [hbm:s3], $0xF7A  }
0x26: {  	[smem:$0x3F94] =	sst s1;
	(tag) =	ssettag s2;
	_ =	strace s9  }
0x27: {  	s1 =	sld [smem:$0x3FA4]  }
0x28: {  	s2 =	sld [smem:$0x3FA5]  }
0x29: {  	s4 =	sld [smem:$0x3FA7]  }
0x2a: {  	p0 =	seq.s32 s5, $0x0;
	s5 =	sld [smem:$0x3FA8]  }
0x2b: {  	s6 =	sld [smem:$0x3FA9]  }
0x2c: {  	s7 =	sld [smem:$0x3FAA]  }
0x2d: {  	s3 =	simm.s32 $0x108;
	s8 =	sld [smem:$0x3FAB]  }
0x2e: {  	s3 =	simm.s32 @!p0 $0x1082;
	s9 =	sld [smem:$0x3FAC]  }
0x2f: {  	lr =	sadd.s32 s0, s3;
	s0 =	sld [smem:$0x3FA3]  }
0x30: {  	s3 =	sld [smem:$0x3FA6]  }
0x31: {  	[smem:$0x3FAF] =	sst s10  }
0x32: {  	s10 =	sld [smem:$0x3FAD];
	_ =	sdelay $0x3  }
0x33: {  	p0 =	seq.s32 s10, $0x1;
	s10 =	sld [smem:$0x3FAF];
	_ =	sdelay $0x3  }
0x34: {  	[smem:$0x3FAF] =	sst s10  }
0x35: {  	s10 =	sld [smem:$0x3FAE];
	_ =	sdelay $0x3  }
0x36: {  	p1 =	seq.s32 s10, $0x1;
	s10 =	sld [smem:$0x3FAF];
	_ =	sdelay $0x3  }
0x37: {  	[smem:$0x3FAF] =	sst s10  }
0x38: {  	s10 =	sld [smem:$0x3FB0]  }
0x39: {  	_ = 	snop;
	(pc) =	sbr.ind lr, $3  }
0x3a: {  	_ = 	snop  }
0x3b: {  	_ = 	snop  }
0x3c: {  	p2 =	seq.s32 s10, $0x1;
	s10 =	sld [smem:$0x3FAF]  }
0x3d: {  	_ =	shalt  }
0x3e: {  	_ =	shalt  }
0x3f: {  	_ =	shalt  }
0x40: {  	_ =	shalt  }
0x41: {  	_ =	shalt  }
0x42: {  	_ =	shalt  }
0x43: {  	_ =	shalt  }
0x44: {  	_ =	shalt  }
0x45: {  	_ =	shalt  }
0x46: {  	_ =	shalt  }
0x47: {  	_ =	shalt  }
0x48: {  	_ =	shalt  }
0x49: {  	_ =	shalt  }
0x4a: {  	_ =	shalt  }
0x4b: {  	_ =	shalt  }
0x4c: {  	_ =	shalt  }
0x4d: {  	_ =	shalt  }
0x4e: {  	_ =	shalt  }
0x4f: {  	_ =	shalt  }
0x50: {  	_ =	shalt  }
0x51: {  	_ =	shalt  }
0x52: {  	_ =	shalt  }
0x53: {  	_ =	shalt  }
0x54: {  	_ =	shalt  }
0x55: {  	_ =	shalt  }
0x56: {  	_ =	shalt  }
0x57: {  	_ =	shalt  }
0x58: {  	_ =	shalt  }
0x59: {  	_ =	shalt  }
0x5a: {  	_ =	shalt  }
0x5b: {  	_ =	shalt  }
0x5c: {  	_ =	shalt  }
0x5d: {  	_ =	shalt  }
0x5e: {  	_ =	shalt  }
0x5f: {  	_ =	shalt  }
0x60: {  	_ =	shalt  }
0x61: {  	_ =	shalt  }
0x62: {  	_ =	shalt  }
0x63: {  	_ =	shalt  }
0x64: {  	_ =	shalt  }
0x65: {  	_ =	shalt  }
0x66: {  	_ =	shalt  }
0x67: {  	_ =	shalt  }
0x68: {  	_ =	shalt  }
0x69: {  	_ =	shalt  }
0x6a: {  	_ =	shalt  }
0x6b: {  	_ =	shalt  }
0x6c: {  	_ =	shalt  }
0x6d: {  	_ =	shalt  }
0x6e: {  	_ =	shalt  }
0x6f: {  	_ =	shalt  }
0x70: {  	_ =	shalt  }
0x71: {  	_ =	shalt  }
0x72: {  	_ =	shalt  }
0x73: {  	_ =	shalt  }
0x74: {  	_ =	shalt  }
0x75: {  	_ =	shalt  }
0x76: {  	_ =	shalt  }
0x77: {  	_ =	shalt  }
0x78: {  	_ =	shalt  }
0x79: {  	_ =	shalt  }
0x7a: {  	_ =	shalt  }
0x7b: {  	_ =	shalt  }
0x7c: {  	_ =	shalt  }
0x7d: {  	_ =	shalt  }
0x7e: {  	_ =	shalt  }
0x7f: {  	_ =	shalt  }
0x80: {  	_ =	shalt  }
0x81: {  	_ =	shalt  }
0x82: {  	_ =	shalt  }
0x83: {  	_ =	shalt  }
0x84: {  	_ =	shalt  }
0x85: {  	_ =	shalt  }
0x86: {  	_ =	shalt  }
0x87: {  	_ =	shalt  }
.Lfunc_end0:
.L_simem_size_0:
called_computation.1_lowered:
.L_overlay_start_0:
0x88: {  	s2 =	sld [smem:$0x3FD9]  }
0x89: {  	s3 =	sld [smem:$0x3FFE];
	_ =	sdelay $0x1  }
0x8a: {  	s1 =	srdreg.scid  }
0x8b: {  	s0 =	sand.u32 $0x1, s1  }
0x8c: {  	s16 =	sshll.u32 s0, $0xA;
	s2 =	sadd.s32 s3, s2  }
0x8d: {  	s2 =	sadd.s32 s2, s16  }
0x8e: {  	[smem:$0x3FBB] =	sst s2  }
0x8f: {  	_ = 	snop  }
0x90: {  	(tm) =	ssettm $0x1  }
0x91: {  	s17 =	sld [smem:$0x3FFB];
	_ =	sdelay $0x3  }
0x92: {  	_ =	strace s17  }
0x93: {  	s2 =	sld [smem:$0x3FFC];
	_ =	sdelay $0x3  }
0x94: {  	_ =	strace s2  }
0x95: {  	s2 =	sld [smem:$0x3FFD];
	_ =	sdelay $0x3  }
0x96: {  	_ =	strace s2  }
0x97: {  	_ =	strace $0x8FFFFFFF  }
0x98: {  	s18 =	sld [smem:$0x3FDB];
	_ =	sdelay $0x1  }
0x99: {  	s19 =	simm.s32 $_scs_section_size  }
0x9a: {  	s4 =	simm.s32 $_size__tile_overlayer_lowered;
	s5 =	simm.s32 $_tile_overlayer_lowered  }
0x9b: {  	s22 =	simm.s32 $0x1BFF;
	s21 =	sshll.u32 s5, $0x1;
	s2 =	sadd.s32 s19, s18  }
0x9c: {  	s6 =	simm.s32 $0x0;
	s20 =	sshll.u32 s4, $0x1;
	s4 =	sadd.s32 s21, s2  }
0x9d: {  	[timem:s6], [sflag:s22] =	dma.local [hbm:s4], s20  }
0x9e: {  	_ =	swait.ge [sflag:s22], s20  }
0x9f: {  	s3 =	ssub.s32 $0x0, s20;
	[sflag:s22] =	ssyncset.done $0x0  }
0xa0: {  	[sflag:s22] =	ssyncadd.s32 s3;
	_ =	sdelay $0x1  }
0xa1: {  	s23 =	simm.s32 $0x1B8B  }
0xa2: {  	_ =	swait.ge [sflag:s23], $0x1  }
0xa3: {  	[sflag:s23] =	ssyncset.done $0x0  }
0xa4: {  	s25 =	simm.s32 $0x1B8E;
	s24 =	sld [smem:$0x3FFE];
	[sflag:s23] =	ssyncadd.s32 $0xFFFFFFFF  }
0xa5: {  	s26 =	simm.s32 $execute0_lowered;
	[smem:$0x3FD2] =	sst s25  }
0xa6: {  	s4 =	sshll.u32 s26, $0x1;
	_ =	strace $0x80000049;
	[dreg:$0x1] =	wrdreg $0xFFFFFFFF  }
0xa7: {  	s28 =	simm.s32 $_size_execute0_lowered;
	s2 =	sadd.s32 s2, s4;
	[dreg:$0x0] =	wrdreg $0x0  }
0xa8: {  	s4 =	sshll.u32 s28, $0x1;
	[dreg:$0x2] =	wrdreg s2  }
0xa9: {  	[dreg:$0x3] =	wrdreg s4  }
0xaa: {  	[dreg:$0x4] =	wrdreg $0xC0  }
0xab: {  	_ =	task [dreg:s6], $0x5FFFF  }
0xac: {  	[dreg:$0x1] =	wrdreg $0xFFFFFFFF  }
0xad: {  	[dreg:$0x0] =	wrdreg $0x60  }
0xae: {  	[dreg:$0x2] =	wrdreg s24  }
0xaf: {  	[dreg:$0x3] =	wrdreg $0xA8000  }
0xb0: {  	[dreg:$0x4] =	wrdreg $0x9  }
0xb1: {  	_ =	task.clear_ibuf [dreg:s6], $0x5FFFF;
	_ =	strace $0x90000049  }
0xb2: {  	s29 =	simm.s32 $0x9;
	_ =	strace $0x8000004B  }
0xb3: {  	_ =	swait.ge [sflag:s29], $0x1  }
0xb4: {  	[sflag:s29] =	ssyncadd.s32 $0xFFFFFFFF  }
0xb5: {  	_ =	strace $0x9000004B  }
0xb6: {  	_ =	sfence  }
0xb7: {  	s30 =	sld [smem:$0x0];
	_ =	sdelay $0x2  }
0xb8: {  	s31 =	sshll.u32 s1, $0xD;
	s1 =	sshrl.u32 s1, $0x2  }
0xb9: {  	s3 =	sand.u32 $0x4000, s31;
	s1 =	sadd.s32 s1, s30  }
0xba: {  	s0 =	sor.u32 s3, s0;
	s1 =	sshll.u32 s1, $0x11  }
0xbb: {  	s0 =	sor.u32 s1, s0  }
0xbc: {  	s0 =	sadd.s32 $0x8F2B, s0  }
0xbd: {  	[sflag:s0] =	ssyncadd.remote.s32 $0x1  }
0xbe: {  	_ =	sfence.sel $0xFFFF  }
0xbf: {  	[dreg:$0x0] =	wrdreg $0xFFFFFFFF;
	(pc) =	sbr.abs _section_cstart, $3  }
0xc0: {  	[dreg:$0x1] =	wrdreg $0xFFFFFFFF  }
0xc1: {  	_ =	task.clear_ibuf [dreg:s6], $0x2FFFF;
	_ =	strace $0x9FFFFFFF  }
0xc2: {  	(tm) =	ssettm $0x7FFFFFFF  }
0xc3: {  	_ =	shalt  }
tec
execute0_lowered:
.L_overlay_start_1:
0x0: {  	(tag) =	ssettag $0x1  }
0x1: {  	s5 =	rddreg [dreg:$0x0]  }
0x2: {  	s2 =	rddreg [dreg:$0x1]  }
0x3: {  	s0 =	rddreg [dreg:$0x2]  }
0x4: {  	s4 =	srdreg.scid;
	s1 =	stileid.u32;
	s3 =	simm.s32 $0x0  }
0x5: {  	s17 =	simm.s32 $0x3;
	s18 =	simm.s32 $0x1400;
	s19 =	simm.s32 $0x80  }
0x6: {  	s20 =	simm.s32 $0x6800;
	s21 =	simm.s32 $0x1;
	s22 =	simm.s32 $0x2  }
0x7: {  	s23 =	simm.s32 $0x1380;
	s24 =	simm.s32 $0x2700;
	s25 =	simm.s32 $0x2780  }
0x8: {  	s6 =	sand.u32 $0x1, s4;
	s7 =	smul.u32 $0x2800, s1;
	[smem:$0x7FF] =	sst s3  }
0x9: {  	s4 =	sadd.s32 $0x68400, s5;
	s12 =	sadd.s32 $0xE400, s5;
	s26 =	smul.u32 $0x50000, s1  }
0xa: {  	s13 =	sadd.s32 $0x4400, s5;
	s8 =	smul.u32 $0x28000, s6;
	s28 =	sshll.u32 s6, $0x4  }
0xb: {  	_ =	strace $0x8000004A;
	s6 =	ssub.s32 $0x2, s6;
	s29 =	sor.u32 s1, s28  }
0xc: {  	s30 =	sshrl.u32 s26, $0x2;
	s31 =	sshrl.u32 s6, $0x1;
	s9 =	smul.u32 $0x2800, s29  }
0xd: {  	s7 =	sadd.s32 s7, s8;
	s15 =	ssub.s32 s6, s31;
	s11 =	smul.u32 $0x500, s29  }
0xe: {  	s14 =	sadd.s32 s7, s5;
	s5 =	sadd.s32 s30, s2;
	s15 =	smax.u32 s15, $0x1  }
0xf: {  	s6 =	sadd.s32 $0x4000, s5;
	s7 =	sadd.s32 $0x8000, s5;
	s8 =	sadd.s32 $0xC000, s5  }
0x10: {  	s16 =	sshrl.u32 s9, $0x3;
	s9 =	sadd.s32 $0x10000, s5;
	s10 =	sadd.s32 s12, s11  }
0x11: {  	s11 =	sadd.s32 s13, s11;
	s14 =	sadd.s32 $0x8F600, s14;
	s16 =	sadd.s32 $0x280, s16  }
0x12: {  	v0 =	vimm.f32 $0.0e+00;
	s12 =	sadd.s32 s12, s16;
	s13 =	sadd.s32 s13, s16;
	s16 =	simm.s32 $0x2800  }
.LBB2_1:
0x13: {  	s26 =	simm.s32 $0x0;
	s28 =	simm.s32 $0x200  }
.LBB2_2:
0x14: {  	p0 =	sne.s32 s28, $0xFE00;
	[tilespmem:s26+$0x2870] =	vst v0  }
0x15: {  	[tilespmem:s26+$0x2800] =	vst v0  }
0x16: {  	[tilespmem:s26+$0x2810] =	vst v0  }
.Ltmp0:
0x17: {  	[tilespmem:s26+$0x2820] =	vst v0;
	(pc) =	sbr.rel @p0 .LBB2_2-.Ltmp0, $4  }
0x18: {  	[tilespmem:s26+$0x2830] =	vst v0  }
0x19: {  	[tilespmem:s26+$0x2840] =	vst v0  }
0x1a: {  	[tilespmem:s26+$0x2850] =	vst v0  }
0x1b: {  	[tilespmem:s26+$0x2860] =	vst v0;
	s26 =	sshra.s32 s28, $0x2;
	s28 =	sadd.s32 $0x200, s28  }
0x1c: {  	[tilespmem:s26+$0x2870] =	vst v0  }
0x1d: {  	[tilespmem:s26+$0x2800] =	vst v0  }
0x1e: {  	[tilespmem:s26+$0x2810] =	vst v0  }
0x1f: {  	[tilespmem:s26+$0x2820] =	vst v0  }
0x20: {  	[tilespmem:s26+$0x2830] =	vst v0  }
0x21: {  	[tilespmem:s26+$0x2840] =	vst v0  }
0x22: {  	[tilespmem:s26+$0x2850] =	vst v0  }
0x23: {  	[tilespmem:s26+$0x2860] =	vst v0  }
0x24: {  	[spmem:s5] =	stream.linear.scatter [tilespmem:s16], [sflag:$0x3], $0x4000, $0x38;
	[tilespmem:$0x1E800] =	vst v63  }
0x25: {  	_ =	swait.ge [sflag:s17], $0x4000  }
0x26: {  	[sflag:s17] =	ssyncset.done $0x0  }
0x27: {  	[sflag:s17] =	ssyncadd.s32 $0xFFFFC000  }
0x28: {  	[spmem:s6] =	stream.linear.scatter [tilespmem:s16], [sflag:$0x3], $0x4000, $0x38;
	[tilespmem:$0x1E800] =	vst v63  }
0x29: {  	_ =	swait.ge [sflag:s17], $0x4000  }
0x2a: {  	[sflag:s17] =	ssyncset.done $0x0  }
0x2b: {  	[sflag:s17] =	ssyncadd.s32 $0xFFFFC000  }
0x2c: {  	[spmem:s7] =	stream.linear.scatter [tilespmem:s16], [sflag:$0x3], $0x4000, $0x38;
	[tilespmem:$0x1E800] =	vst v63  }
0x2d: {  	_ =	swait.ge [sflag:s17], $0x4000  }
0x2e: {  	[sflag:s17] =	ssyncset.done $0x0  }
0x2f: {  	[sflag:s17] =	ssyncadd.s32 $0xFFFFC000  }
0x30: {  	[spmem:s8] =	stream.linear.scatter [tilespmem:s16], [sflag:$0x3], $0x4000, $0x38;
	[tilespmem:$0x1E800] =	vst v63  }
0x31: {  	_ =	swait.ge [sflag:s17], $0x4000  }
0x32: {  	[sflag:s17] =	ssyncset.done $0x0  }
0x33: {  	[sflag:s17] =	ssyncadd.s32 $0xFFFFC000  }
0x34: {  	[spmem:s9] =	stream.linear.scatter [tilespmem:s16], [sflag:$0x3], $0x4000, $0x38;
	[tilespmem:$0x1E800] =	vst v63  }
0x35: {  	_ =	swait.ge [sflag:s17], $0x4000  }
0x36: {  	[sflag:s17] =	ssyncset.done $0x0  }
0x37: {  	[sflag:s17] =	ssyncadd.s32 $0xFFFFC000  }
0x38: {  	s30 =	simm.s32 $0x0;
	[bflag:$0x0] =	sbarrier.arrive $0xFFFF  }
0x39: {  	[tilespmem:s30], [sflag:$0x3] =	stream.linear.gather [hbm4b:s10+s30], $0x1400, $0x38;
	[tilespmem:$0x1E800] =	vst v63  }
0x3a: {  	_ =	swait.ge [sflag:s17], $0x1400  }
0x3b: {  	[sflag:s17] =	ssyncset.done $0x0  }
0x3c: {  	[sflag:s17] =	ssyncadd.s32 $0xFFFFEC00  }
0x3d: {  	[tilespmem:s18], [sflag:$0x3] =	stream.linear.gather [hbm4b:s11+s30], $0x1400, $0x38;
	[tilespmem:$0x1E800] =	vst v63  }
0x3e: {  	_ =	swait.ge [sflag:s17], $0x1400  }
0x3f: {  	[sflag:s17] =	ssyncset.done $0x0  }
0x40: {  	[sflag:s17] =	ssyncadd.s32 $0xFFFFEC00  }
0x41: {  	[tilespmem:s16], [sflag:$0x1] =	stream.indirect.gather [hbm4b:s4+s19], $0x80, s30, s19, $0xb8;
	[tilespmem:$0x1E800] =	vst v63  }
0x42: {  	s31 =	simm.s32 $0x80  }
0x43: {  	[tilespmem:s20], [sflag:$0x2] =	stream.indirect.gather [hbm4b:s4+s19], $0x80, s31, s19, $0xb8;
	[tilespmem:$0x1E800] =	vst v63  }
0x44: {  	_ =	swait.ge [sflag:s21], $0x4000  }
0x45: {  	[sflag:s21] =	ssyncset.done $0x0  }
0x46: {  	s29 =	simm.s32 $0x1400;
	[sflag:s21] =	ssyncadd.s32 $0xFFFFC000  }
0x47: {  	[spmem:s2] =	stream.indirect.scatter.add.f32 [tilespmem:s16], [sflag:$0x3], $0x80, s29, s19, $0xb8;
	[tilespmem:$0x1E800] =	vst v63  }
0x48: {  	_ =	swait.ge [sflag:s17], $0x4000  }
0x49: {  	[sflag:s17] =	ssyncset.done $0x0  }
0x4a: {  	s30 =	simm.s32 $0x100;
	[sflag:s17] =	ssyncadd.s32 $0xFFFFC000  }
0x4b: {  	[tilespmem:s16], [sflag:$0x1] =	stream.indirect.gather [hbm4b:s4+s19], $0x80, s30, s19, $0xb8;
	[tilespmem:$0x1E800] =	vst v63  }
0x4c: {  	_ =	swait.ge [sflag:s22], $0x4000  }
0x4d: {  	[sflag:s22] =	ssyncset.done $0x0  }
0x4e: {  	s31 =	simm.s32 $0x1480;
	[sflag:s22] =	ssyncadd.s32 $0xFFFFC000  }
0x4f: {  	[spmem:s2] =	stream.indirect.scatter.add.f32 [tilespmem:s20], [sflag:$0x3], $0x80, s31, s19, $0xb8;
	[tilespmem:$0x1E800] =	vst v63  }
0x50: {  	_ =	swait.ge [sflag:s17], $0x4000  }
0x51: {  	s28 =	simm.s32 $0x800;
	s26 =	simm.s32 $0x100;
	[sflag:s17] =	ssyncset.done $0x0  }
.LBB2_4:
0x52: {  	s29 =	sadd.s32 $0x80, s26  }
0x53: {  	[sflag:s17] =	ssyncadd.s32 $0xFFFFC000;
	s30 =	smov.u32 s28;
	s31 =	sadd.s32 $0x400, s28  }
0x54: {  	[tilespmem:s20], [sflag:$0x2] =	stream.indirect.gather [hbm4b:s4+s19], $0x80, s29, s19, $0xb8;
	[tilespmem:$0x1E800] =	vst v63  }
0x55: {  	p0 =	sne.s32 s28, $0x4800;
	_ =	swait.ge [sflag:s21], $0x4000  }
0x56: {  	[sflag:s21] =	ssyncset.done $0x0  }
0x57: {  	s28 =	sadd.s32 $0x1400, s26;
	[sflag:s21] =	ssyncadd.s32 $0xFFFFC000  }
0x58: {  	[spmem:s2] =	stream.indirect.scatter.add.f32 [tilespmem:s16], [sflag:$0x3], $0x80, s28, s19, $0xb8;
	[tilespmem:$0x1E800] =	vst v63  }
0x59: {  	_ =	swait.ge [sflag:s17], $0x4000  }
0x5a: {  	[sflag:s17] =	ssyncset.done $0x0  }
0x5b: {  	s28 =	sadd.s32 $0x100, s26;
	[sflag:s17] =	ssyncadd.s32 $0xFFFFC000  }
0x5c: {  	[tilespmem:s16], [sflag:$0x1] =	stream.indirect.gather [hbm4b:s4+s19], $0x80, s28, s19, $0xb8;
	[tilespmem:$0x1E800] =	vst v63  }
0x5d: {  	_ =	swait.ge [sflag:s22], $0x4000  }
.Ltmp1:
0x5e: {  	[sflag:s22] =	ssyncset.done $0x0;
	(pc) =	sbr.rel @p0 .LBB2_4-.Ltmp1, $4  }
0x5f: {  	s26 =	sadd.s32 $0x1480, s26;
	[sflag:s22] =	ssyncadd.s32 $0xFFFFC000  }
0x60: {  	[spmem:s2] =	stream.indirect.scatter.add.f32 [tilespmem:s20], [sflag:$0x3], $0x80, s26, s19, $0xb8;
	[tilespmem:$0x1E800] =	vst v63  }
0x61: {  	_ =	swait.ge [sflag:s17], $0x4000  }
0x62: {  	s28 =	smov.u32 s31;
	s26 =	sshra.s32 s30, $0x2;
	[sflag:s17] =	ssyncset.done $0x0  }
0x63: {  	s28 =	sadd.s32 $0x80, s26;
	[sflag:s17] =	ssyncadd.s32 $0xFFFFC000  }
0x64: {  	[tilespmem:s20], [sflag:$0x2] =	stream.indirect.gather [hbm4b:s4+s19], $0x80, s28, s19, $0xb8;
	[tilespmem:$0x1E800] =	vst v63  }
0x65: {  	_ =	swait.ge [sflag:s21], $0x4000  }
0x66: {  	[sflag:s21] =	ssyncset.done $0x0  }
0x67: {  	s28 =	sadd.s32 $0x1400, s26;
	[sflag:s21] =	ssyncadd.s32 $0xFFFFC000  }
0x68: {  	[spmem:s2] =	stream.indirect.scatter.add.f32 [tilespmem:s16], [sflag:$0x3], $0x80, s28, s19, $0xb8;
	[tilespmem:$0x1E800] =	vst v63  }
0x69: {  	_ =	swait.ge [sflag:s17], $0x4000  }
0x6a: {  	[sflag:s17] =	ssyncset.done $0x0  }
0x6b: {  	s28 =	sadd.s32 $0x100, s26;
	[sflag:s17] =	ssyncadd.s32 $0xFFFFC000  }
0x6c: {  	[tilespmem:s16], [sflag:$0x1] =	stream.indirect.gather [hbm4b:s4+s19], $0x80, s28, s19, $0xb8;
	[tilespmem:$0x1E800] =	vst v63  }
0x6d: {  	_ =	swait.ge [sflag:s22], $0x4000  }
0x6e: {  	[sflag:s22] =	ssyncset.done $0x0  }
0x6f: {  	s29 =	sadd.s32 $0x1480, s26;
	[sflag:s22] =	ssyncadd.s32 $0xFFFFC000  }
0x70: {  	[spmem:s2] =	stream.indirect.scatter.add.f32 [tilespmem:s20], [sflag:$0x3], $0x80, s29, s19, $0xb8;
	[tilespmem:$0x1E800] =	vst v63  }
0x71: {  	_ =	swait.ge [sflag:s17], $0x4000  }
0x72: {  	[sflag:s17] =	ssyncset.done $0x0  }
0x73: {  	[sflag:s17] =	ssyncadd.s32 $0xFFFFC000  }
0x74: {  	[tilespmem:s20], [sflag:$0x2] =	stream.indirect.gather [hbm4b:s4+s19], $0x80, s23, s19, $0xb8;
	[tilespmem:$0x1E800] =	vst v63  }
0x75: {  	_ =	swait.ge [sflag:s21], $0x4000  }
0x76: {  	[sflag:s21] =	ssyncset.done $0x0  }
0x77: {  	[sflag:s21] =	ssyncadd.s32 $0xFFFFC000  }
0x78: {  	[spmem:s2] =	stream.indirect.scatter.add.f32 [tilespmem:s16], [sflag:$0x3], $0x80, s24, s19, $0xb8;
	[tilespmem:$0x1E800] =	vst v63  }
0x79: {  	_ =	swait.ge [sflag:s17], $0x4000  }
0x7a: {  	[sflag:s17] =	ssyncset.done $0x0  }
0x7b: {  	[sflag:s17] =	ssyncadd.s32 $0xFFFFC000  }
0x7c: {  	_ =	swait.ge [sflag:s22], $0x4000  }
0x7d: {  	[sflag:s22] =	ssyncset.done $0x0  }
0x7e: {  	[sflag:s22] =	ssyncadd.s32 $0xFFFFC000  }
0x7f: {  	[spmem:s2] =	stream.indirect.scatter.add.f32 [tilespmem:s20], [sflag:$0x3], $0x80, s25, s19, $0xb8;
	[tilespmem:$0x1E800] =	vst v63  }
0x80: {  	_ =	swait.ge [sflag:s17], $0x4000  }
0x81: {  	[sflag:s17] =	ssyncset.done $0x0  }
0x82: {  	s30 =	simm.s32 $0x0;
	[sflag:s17] =	ssyncadd.s32 $0xFFFFC000  }
0x83: {  	[tilespmem:s30], [sflag:$0x3] =	stream.linear.gather [hbm4b:s12+s30], $0x1400, $0x38;
	[tilespmem:$0x1E800] =	vst v63  }
0x84: {  	_ =	swait.ge [sflag:s17], $0x1400  }
0x85: {  	[sflag:s17] =	ssyncset.done $0x0  }
0x86: {  	[sflag:s17] =	ssyncadd.s32 $0xFFFFEC00  }
0x87: {  	[tilespmem:s18], [sflag:$0x3] =	stream.linear.gather [hbm4b:s13+s30], $0x1400, $0x38;
	[tilespmem:$0x1E800] =	vst v63  }
0x88: {  	_ =	swait.ge [sflag:s17], $0x1400  }
0x89: {  	[sflag:s17] =	ssyncset.done $0x0  }
0x8a: {  	[sflag:s17] =	ssyncadd.s32 $0xFFFFEC00  }
0x8b: {  	[tilespmem:s16], [sflag:$0x1] =	stream.indirect.gather [hbm4b:s4+s19], $0x80, s30, s19, $0xb8;
	[tilespmem:$0x1E800] =	vst v63  }
0x8c: {  	s31 =	simm.s32 $0x80  }
0x8d: {  	[tilespmem:s20], [sflag:$0x2] =	stream.indirect.gather [hbm4b:s4+s19], $0x80, s31, s19, $0xb8;
	[tilespmem:$0x1E800] =	vst v63  }
0x8e: {  	_ =	swait.ge [sflag:s21], $0x4000  }
0x8f: {  	[sflag:s21] =	ssyncset.done $0x0  }
0x90: {  	s29 =	simm.s32 $0x1400;
	[sflag:s21] =	ssyncadd.s32 $0xFFFFC000  }
0x91: {  	[spmem:s2] =	stream.indirect.scatter.add.f32 [tilespmem:s16], [sflag:$0x3], $0x80, s29, s19, $0xb8;
	[tilespmem:$0x1E800] =	vst v63  }
0x92: {  	_ =	swait.ge [sflag:s17], $0x4000  }
0x93: {  	[sflag:s17] =	ssyncset.done $0x0  }
0x94: {  	s30 =	simm.s32 $0x100;
	[sflag:s17] =	ssyncadd.s32 $0xFFFFC000  }
0x95: {  	[tilespmem:s16], [sflag:$0x1] =	stream.indirect.gather [hbm4b:s4+s19], $0x80, s30, s19, $0xb8;
	[tilespmem:$0x1E800] =	vst v63  }
0x96: {  	_ =	swait.ge [sflag:s22], $0x4000  }
0x97: {  	[sflag:s22] =	ssyncset.done $0x0  }
0x98: {  	s31 =	simm.s32 $0x1480;
	[sflag:s22] =	ssyncadd.s32 $0xFFFFC000  }
0x99: {  	[spmem:s2] =	stream.indirect.scatter.add.f32 [tilespmem:s20], [sflag:$0x3], $0x80, s31, s19, $0xb8;
	[tilespmem:$0x1E800] =	vst v63  }
0x9a: {  	_ =	swait.ge [sflag:s17], $0x4000  }
0x9b: {  	s26 =	simm.s32 $0x100;
	s28 =	simm.s32 $0x800;
	[sflag:s17] =	ssyncset.done $0x0  }
.LBB2_6:
0x9c: {  	s29 =	sadd.s32 $0x80, s26  }
0x9d: {  	[sflag:s17] =	ssyncadd.s32 $0xFFFFC000;
	s30 =	smov.u32 s28;
	s31 =	sadd.s32 $0x400, s28  }
0x9e: {  	[tilespmem:s20], [sflag:$0x2] =	stream.indirect.gather [hbm4b:s4+s19], $0x80, s29, s19, $0xb8;
	[tilespmem:$0x1E800] =	vst v63  }
0x9f: {  	p0 =	sne.s32 s28, $0x4800;
	_ =	swait.ge [sflag:s21], $0x4000  }
0xa0: {  	[sflag:s21] =	ssyncset.done $0x0  }
0xa1: {  	s28 =	sadd.s32 $0x1400, s26;
	[sflag:s21] =	ssyncadd.s32 $0xFFFFC000  }
0xa2: {  	[spmem:s2] =	stream.indirect.scatter.add.f32 [tilespmem:s16], [sflag:$0x3], $0x80, s28, s19, $0xb8;
	[tilespmem:$0x1E800] =	vst v63  }
0xa3: {  	_ =	swait.ge [sflag:s17], $0x4000  }
0xa4: {  	[sflag:s17] =	ssyncset.done $0x0  }
0xa5: {  	s28 =	sadd.s32 $0x100, s26;
	[sflag:s17] =	ssyncadd.s32 $0xFFFFC000  }
0xa6: {  	[tilespmem:s16], [sflag:$0x1] =	stream.indirect.gather [hbm4b:s4+s19], $0x80, s28, s19, $0xb8;
	[tilespmem:$0x1E800] =	vst v63  }
0xa7: {  	_ =	swait.ge [sflag:s22], $0x4000  }
.Ltmp2:
0xa8: {  	[sflag:s22] =	ssyncset.done $0x0;
	(pc) =	sbr.rel @p0 .LBB2_6-.Ltmp2, $4  }
0xa9: {  	s26 =	sadd.s32 $0x1480, s26;
	[sflag:s22] =	ssyncadd.s32 $0xFFFFC000  }
0xaa: {  	[spmem:s2] =	stream.indirect.scatter.add.f32 [tilespmem:s20], [sflag:$0x3], $0x80, s26, s19, $0xb8;
	[tilespmem:$0x1E800] =	vst v63  }
0xab: {  	_ =	swait.ge [sflag:s17], $0x4000  }
0xac: {  	s28 =	smov.u32 s31;
	s26 =	sshra.s32 s30, $0x2;
	[sflag:s17] =	ssyncset.done $0x0  }
0xad: {  	s28 =	sadd.s32 $0x80, s26;
	[sflag:s17] =	ssyncadd.s32 $0xFFFFC000  }
0xae: {  	[tilespmem:s20], [sflag:$0x2] =	stream.indirect.gather [hbm4b:s4+s19], $0x80, s28, s19, $0xb8;
	[tilespmem:$0x1E800] =	vst v63  }
0xaf: {  	_ =	swait.ge [sflag:s21], $0x4000  }
0xb0: {  	[sflag:s21] =	ssyncset.done $0x0  }
0xb1: {  	s30 =	sadd.s32 $0x1400, s26;
	[sflag:s21] =	ssyncadd.s32 $0xFFFFC000  }
0xb2: {  	[spmem:s2] =	stream.indirect.scatter.add.f32 [tilespmem:s16], [sflag:$0x3], $0x80, s30, s19, $0xb8;
	[tilespmem:$0x1E800] =	vst v63  }
0xb3: {  	_ =	swait.ge [sflag:s17], $0x4000  }
0xb4: {  	[sflag:s17] =	ssyncset.done $0x0  }
0xb5: {  	s31 =	sadd.s32 $0x100, s26;
	[sflag:s17] =	ssyncadd.s32 $0xFFFFC000  }
0xb6: {  	[tilespmem:s16], [sflag:$0x1] =	stream.indirect.gather [hbm4b:s4+s19], $0x80, s31, s19, $0xb8;
	[tilespmem:$0x1E800] =	vst v63  }
0xb7: {  	_ =	swait.ge [sflag:s22], $0x4000  }
0xb8: {  	[sflag:s22] =	ssyncset.done $0x0  }
0xb9: {  	s29 =	sadd.s32 $0x1480, s26;
	[sflag:s22] =	ssyncadd.s32 $0xFFFFC000  }
0xba: {  	[spmem:s2] =	stream.indirect.scatter.add.f32 [tilespmem:s20], [sflag:$0x3], $0x80, s29, s19, $0xb8;
	[tilespmem:$0x1E800] =	vst v63  }
0xbb: {  	_ =	swait.ge [sflag:s17], $0x4000  }
0xbc: {  	[sflag:s17] =	ssyncset.done $0x0  }
0xbd: {  	[sflag:s17] =	ssyncadd.s32 $0xFFFFC000  }
0xbe: {  	[tilespmem:s20], [sflag:$0x2] =	stream.indirect.gather [hbm4b:s4+s19], $0x80, s23, s19, $0xb8;
	[tilespmem:$0x1E800] =	vst v63  }
0xbf: {  	_ =	swait.ge [sflag:s21], $0x4000  }
0xc0: {  	[sflag:s21] =	ssyncset.done $0x0  }
0xc1: {  	[sflag:s21] =	ssyncadd.s32 $0xFFFFC000  }
0xc2: {  	[spmem:s2] =	stream.indirect.scatter.add.f32 [tilespmem:s16], [sflag:$0x3], $0x80, s24, s19, $0xb8;
	[tilespmem:$0x1E800] =	vst v63  }
0xc3: {  	_ =	swait.ge [sflag:s17], $0x4000  }
0xc4: {  	[sflag:s17] =	ssyncset.done $0x0  }
0xc5: {  	[sflag:s17] =	ssyncadd.s32 $0xFFFFC000  }
0xc6: {  	_ =	swait.ge [sflag:s22], $0x4000  }
0xc7: {  	[sflag:s22] =	ssyncset.done $0x0  }
0xc8: {  	[sflag:s22] =	ssyncadd.s32 $0xFFFFC000  }
0xc9: {  	[spmem:s2] =	stream.indirect.scatter.add.f32 [tilespmem:s20], [sflag:$0x3], $0x80, s25, s19, $0xb8;
	[tilespmem:$0x1E800] =	vst v63  }
0xca: {  	_ =	swait.ge [sflag:s17], $0x4000  }
0xcb: {  	s3 =	sadd.s32 $0x1, s3;
	s30 =	sshll.u32 s1, $0x6;
	[sflag:s17] =	ssyncset.done $0x0  }
0xcc: {  	p0 =	sne.s32 s3, s15;
	s26 =	sor.u32 $0x1C03, s30;
	[sflag:s17] =	ssyncadd.s32 $0xFFFFC000  }
.Ltmp3:
0xcd: {  	s31 =	sshrl.u32 s5, $0x3;
	[bflag:$0x0] =	sbarrier.arrive $0xFFFF;
	(pc) =	sbr.rel @p0 .LBB2_1-.Ltmp3, $4  }
0xce: {  	[hbm:s14], [sflag:s26] =	dma.local [spmem:s31], $0x2800  }
0xcf: {  	_ =	swait.ge [sflag:s17], $0x2800  }
0xd0: {  	[sflag:s17] =	ssyncset.done $0x0  }
0xd1: {  	[sflag:s17] =	ssyncadd.s32 $0xFFFFD800  }
0xd2: {  	_ =	sfence.sel $0x180000  }
0xd3: {  	[bflag:$0x0] =	sbarrier.arrive $0xFFFF  }
0xd4: {  	p0 =	sne.s32 s1, $0x0;
	_ =	strace $0x9000004A  }
0xd5: {  	s0 =	sadd.s32 @!p0 $0x100000, s0;
	[bflag:$0x2] =	sbarrier.arrive $0xFFFF  }
0xd6: {  	[sflag:s0] =	ssyncadd.tile.s32 @!p0 $0x1;
	_ =	shalt  }
.Lfunc_end2:
_tile_overlayer_lowered:
.L_overlay_start_2:
0xd7: {  	(tag) =	ssettag $0x2  }
0xd8: {  	s0 =	rddreg [dreg:$0x0];
	s2 =	stileid.u32  }
0xd9: {  	s1 =	rddreg [dreg:$0x1];
	p0 =	sne.s32 s2, $0x0  }
0xda: {  	s3 =	rddreg [dreg:$0x2];
	[bflag:$0x3] =	sbarrier.arrive $0xFFFF;
	s2 =	simm.s32 @!p0 $0x1C03  }
0xdb: {  	[timem:s3], [sflag:s2] =	dma.local @!p0 [hbm:s0], s1  }
0xdc: {  	s0 =	simm.s32 @!p0 $0x3  }
0xdd: {  	_ =	swait.ge @!p0 [sflag:s0], s1  }
0xde: {  	s1 =	ssub.s32 @!p0 $0x0, s1;
	[sflag:s0] =	ssyncset.done @!p0 $0x0  }
0xdf: {  	[sflag:s0] =	ssyncadd.s32 @!p0 s1  }
0xe0: {  	[bflag:$0x3] =	sbarrier.arrive $0xFFFF  }
0xe1: {  	_ =	shalt  }

// kernel: kernel.17.cloned.1.call-start
scs
__scs_entry_jumppad:
0x0: {  	(pc) =	sbr.rel $0x88, $3  }
0x1: {  	(tag) =	ssettag $0x0;
	lr =	simm.s32 $0x1  }
0x2: {  	[smem:$0x3F94] =	sst lr;
	_ =	strace $0xD0000000  }
0x3: {  	_ = 	snop  }
0x4: {  	_ = 	snop  }
0x5: {  	_ = 	snop  }
0x6: {  	_ = 	snop  }
0x7: {  	_ = 	snop  }
__scs_overlays_trampoline_lowered:
0x8: {  	[smem:$0x3FA3] =	sst s0  }
0x9: {  	[smem:$0x3FA4] =	sst s1  }
0xa: {  	[smem:$0x3FA5] =	sst s2  }
0xb: {  	[smem:$0x3FA6] =	sst s3  }
0xc: {  	[smem:$0x3FA7] =	sst s4  }
0xd: {  	[smem:$0x3FA8] =	sst s5  }
0xe: {  	[smem:$0x3FA9] =	sst s6  }
0xf: {  	[smem:$0x3FAA] =	sst s7  }
0x10: {  	[smem:$0x3FAB] =	sst s8  }
0x11: {  	[smem:$0x3FAC] =	sst s9;
	s0 =	simm.s32 @!p0 $0x0  }
0x12: {  	s1 =	sld [smem:$0x3F92];
	s0 =	simm.s32 @p0 $0x1  }
0x13: {  	[smem:$0x3FAD] =	sst s0;
	s0 =	simm.s32 @!p1 $0x0  }
0x14: {  	s2 =	sld [smem:$0x3F91];
	s0 =	simm.s32 @p1 $0x1  }
0x15: {  	[smem:$0x3FAE] =	sst s0;
	s0 =	simm.s32 @!p2 $0x0  }
0x16: {  	s3 =	sld [smem:$0x3FDB];
	s0 =	simm.s32 @p2 $0x1  }
0x17: {  	s4 =	simm.s32 $0x1BF5;
	[smem:$0x3FB0] =	sst s0  }
0x18: {  	s0 =	sld [smem:$0x3F93];
	_ =	swait.ge [sflag:s4], $0x0  }
0x19: {  	s7 =	sld [smem:$0x3F94]  }
0x1a: {  	s8 =	sadd.s32 $0xFFFFE003, lr  }
0x1b: {  	s9 =	sadd.s32 $0xFFFFFEF7, lr;
	s5 =	simm.s32 $0xFFFFFFFF;
	p2 =	slt.u32 s8, $0xFFFFF086  }
0x1c: {  	p1 =	slt.u32 s9, $0xF7A;
	s5 =	simm.s32 @!p2 $0x0  }
0x1d: {  	s5 =	simm.s32 @p1 $0x1;
	p0 =	seq.s32 s7, s2  }
0x1e: {  	s7 =	smul.u32 @!p0 $0xF7A, s2;
	p2 =	seq.s32 @!p0 s5, $0x0  }
0x1f: {  	s9 =	smul.u32 $0xF7A, s1;
	s8 =	simm.s32 @!p0 $0x1BF5;
	p2 =	por !p2, p0  }
0x20: {  	[sflag:s8] =	ssyncset.s32 @!p0 $0xFFFFF086;
	s6 =	sadd.s32 @!p0 s3, s7;
	s7 =	simm.s32 @!p0 $0x108  }
0x21: {  	s3 =	sadd.s32 s3, s9;
	s6 =	sadd.s32 @!p0 $0x88, s6;
	s7 =	simm.s32 @p2 $0x1082  }
0x22: {  	[simem:s7], [sflag:s8] =	dma.local @!p0 [hbm:s6], $0xF7A  }
0x23: {  	s9 =	sor.u32 $0xD0000000, s2;
	s6 =	simm.s32 $0x108;
	_ =	swait.ge @!p0 [sflag:s8], $0x0  }
0x24: {  	s3 =	sadd.s32 $0x88, s3;
	s6 =	simm.s32 @!p1 $0x1082;
	[sflag:s4] =	ssyncset.s32 $0xFFFFF086  }
0x25: {  	[simem:s6], [sflag:s4] =	dma.local [hbm:s3], $0xF7A  }
0x26: {  	[smem:$0x3F94] =	sst s1;
	(tag) =	ssettag s2;
	_ =	strace s9  }
0x27: {  	s1 =	sld [smem:$0x3FA4]  }
0x28: {  	s2 =	sld [smem:$0x3FA5]  }
0x29: {  	s4 =	sld [smem:$0x3FA7]  }
0x2a: {  	p0 =	seq.s32 s5, $0x0;
	s5 =	sld [smem:$0x3FA8]  }
0x2b: {  	s6 =	sld [smem:$0x3FA9]  }
0x2c: {  	s7 =	sld [smem:$0x3FAA]  }
0x2d: {  	s3 =	simm.s32 $0x108;
	s8 =	sld [smem:$0x3FAB]  }
0x2e: {  	s3 =	simm.s32 @!p0 $0x1082;
	s9 =	sld [smem:$0x3FAC]  }
0x2f: {  	lr =	sadd.s32 s0, s3;
	s0 =	sld [smem:$0x3FA3]  }
0x30: {  	s3 =	sld [smem:$0x3FA6]  }
0x31: {  	[smem:$0x3FAF] =	sst s10  }
0x32: {  	s10 =	sld [smem:$0x3FAD];
	_ =	sdelay $0x3  }
0x33: {  	p0 =	seq.s32 s10, $0x1;
	s10 =	sld [smem:$0x3FAF];
	_ =	sdelay $0x3  }
0x34: {  	[smem:$0x3FAF] =	sst s10  }
0x35: {  	s10 =	sld [smem:$0x3FAE];
	_ =	sdelay $0x3  }
0x36: {  	p1 =	seq.s32 s10, $0x1;
	s10 =	sld [smem:$0x3FAF];
	_ =	sdelay $0x3  }
0x37: {  	[smem:$0x3FAF] =	sst s10  }
0x38: {  	s10 =	sld [smem:$0x3FB0]  }
0x39: {  	_ = 	snop;
	(pc) =	sbr.ind lr, $3  }
0x3a: {  	_ = 	snop  }
0x3b: {  	_ = 	snop  }
0x3c: {  	p2 =	seq.s32 s10, $0x1;
	s10 =	sld [smem:$0x3FAF]  }
0x3d: {  	_ =	shalt  }
0x3e: {  	_ =	shalt  }
0x3f: {  	_ =	shalt  }
0x40: {  	_ =	shalt  }
0x41: {  	_ =	shalt  }
0x42: {  	_ =	shalt  }
0x43: {  	_ =	shalt  }
0x44: {  	_ =	shalt  }
0x45: {  	_ =	shalt  }
0x46: {  	_ =	shalt  }
0x47: {  	_ =	shalt  }
0x48: {  	_ =	shalt  }
0x49: {  	_ =	shalt  }
0x4a: {  	_ =	shalt  }
0x4b: {  	_ =	shalt  }
0x4c: {  	_ =	shalt  }
0x4d: {  	_ =	shalt  }
0x4e: {  	_ =	shalt  }
0x4f: {  	_ =	shalt  }
0x50: {  	_ =	shalt  }
0x51: {  	_ =	shalt  }
0x52: {  	_ =	shalt  }
0x53: {  	_ =	shalt  }
0x54: {  	_ =	shalt  }
0x55: {  	_ =	shalt  }
0x56: {  	_ =	shalt  }
0x57: {  	_ =	shalt  }
0x58: {  	_ =	shalt  }
0x59: {  	_ =	shalt  }
0x5a: {  	_ =	shalt  }
0x5b: {  	_ =	shalt  }
0x5c: {  	_ =	shalt  }
0x5d: {  	_ =	shalt  }
0x5e: {  	_ =	shalt  }
0x5f: {  	_ =	shalt  }
0x60: {  	_ =	shalt  }
0x61: {  	_ =	shalt  }
0x62: {  	_ =	shalt  }
0x63: {  	_ =	shalt  }
0x64: {  	_ =	shalt  }
0x65: {  	_ =	shalt  }
0x66: {  	_ =	shalt  }
0x67: {  	_ =	shalt  }
0x68: {  	_ =	shalt  }
0x69: {  	_ =	shalt  }
0x6a: {  	_ =	shalt  }
0x6b: {  	_ =	shalt  }
0x6c: {  	_ =	shalt  }
0x6d: {  	_ =	shalt  }
0x6e: {  	_ =	shalt  }
0x6f: {  	_ =	shalt  }
0x70: {  	_ =	shalt  }
0x71: {  	_ =	shalt  }
0x72: {  	_ =	shalt  }
0x73: {  	_ =	shalt  }
0x74: {  	_ =	shalt  }
0x75: {  	_ =	shalt  }
0x76: {  	_ =	shalt  }
0x77: {  	_ =	shalt  }
0x78: {  	_ =	shalt  }
0x79: {  	_ =	shalt  }
0x7a: {  	_ =	shalt  }
0x7b: {  	_ =	shalt  }
0x7c: {  	_ =	shalt  }
0x7d: {  	_ =	shalt  }
0x7e: {  	_ =	shalt  }
0x7f: {  	_ =	shalt  }
0x80: {  	_ =	shalt  }
0x81: {  	_ =	shalt  }
0x82: {  	_ =	shalt  }
0x83: {  	_ =	shalt  }
0x84: {  	_ =	shalt  }
0x85: {  	_ =	shalt  }
0x86: {  	_ =	shalt  }
0x87: {  	_ =	shalt  }
.Lfunc_end0:
.L_simem_size_0:
called_computation.2_lowered:
.L_overlay_start_0:
0x88: {  	s2 =	sld [smem:$0x3FD9]  }
0x89: {  	s3 =	sld [smem:$0x3FFE];
	_ =	sdelay $0x1  }
0x8a: {  	s1 =	srdreg.scid  }
0x8b: {  	s0 =	sand.u32 $0x1, s1  }
0x8c: {  	s16 =	sshll.u32 s0, $0xA;
	s2 =	sadd.s32 s3, s2  }
0x8d: {  	s2 =	sadd.s32 s2, s16  }
0x8e: {  	[smem:$0x3FBB] =	sst s2  }
0x8f: {  	_ = 	snop  }
0x90: {  	(tm) =	ssettm $0x1  }
0x91: {  	s17 =	sld [smem:$0x3FFB];
	_ =	sdelay $0x3  }
0x92: {  	_ =	strace s17  }
0x93: {  	s2 =	sld [smem:$0x3FFC];
	_ =	sdelay $0x3  }
0x94: {  	_ =	strace s2  }
0x95: {  	s2 =	sld [smem:$0x3FFD];
	_ =	sdelay $0x3  }
0x96: {  	_ =	strace s2  }
0x97: {  	_ =	strace $0x8FFFFFFF  }
0x98: {  	s18 =	sld [smem:$0x3FDB];
	_ =	sdelay $0x1  }
0x99: {  	s19 =	simm.s32 $_scs_section_size  }
0x9a: {  	s4 =	simm.s32 $_size__tile_overlayer_lowered;
	s5 =	simm.s32 $_tile_overlayer_lowered  }
0x9b: {  	s22 =	simm.s32 $0x1BFF;
	s21 =	sshll.u32 s5, $0x1;
	s2 =	sadd.s32 s19, s18  }
0x9c: {  	s6 =	simm.s32 $0x0;
	s20 =	sshll.u32 s4, $0x1;
	s4 =	sadd.s32 s21, s2  }
0x9d: {  	[timem:s6], [sflag:s22] =	dma.local [hbm:s4], s20  }
0x9e: {  	_ =	swait.ge [sflag:s22], s20  }
0x9f: {  	s3 =	ssub.s32 $0x0, s20;
	[sflag:s22] =	ssyncset.done $0x0  }
0xa0: {  	[sflag:s22] =	ssyncadd.s32 s3;
	_ =	sdelay $0x1  }
0xa1: {  	s23 =	simm.s32 $0x1B8B  }
0xa2: {  	_ =	swait.ge [sflag:s23], $0x1  }
0xa3: {  	[sflag:s23] =	ssyncset.done $0x0  }
0xa4: {  	s25 =	simm.s32 $0x1B8E;
	s24 =	sld [smem:$0x3FFE];
	[sflag:s23] =	ssyncadd.s32 $0xFFFFFFFF  }
0xa5: {  	s26 =	simm.s32 $execute0_lowered;
	[smem:$0x3FD2] =	sst s25  }
0xa6: {  	s4 =	sshll.u32 s26, $0x1;
	_ =	strace $0x8000004C;
	[dreg:$0x1] =	wrdreg $0xFFFFFFFF  }
0xa7: {  	s28 =	simm.s32 $_size_execute0_lowered;
	s2 =	sadd.s32 s2, s4;
	[dreg:$0x0] =	wrdreg $0x0  }
0xa8: {  	s4 =	sshll.u32 s28, $0x1;
	[dreg:$0x2] =	wrdreg s2  }
0xa9: {  	[dreg:$0x3] =	wrdreg s4  }
0xaa: {  	[dreg:$0x4] =	wrdreg $0xC0  }
0xab: {  	_ =	task [dreg:s6], $0x5FFFF  }
0xac: {  	[dreg:$0x1] =	wrdreg $0xFFFFFFFF  }
0xad: {  	[dreg:$0x0] =	wrdreg $0x60  }
0xae: {  	[dreg:$0x2] =	wrdreg s24  }
0xaf: {  	[dreg:$0x3] =	wrdreg $0xA8000  }
0xb0: {  	[dreg:$0x4] =	wrdreg $0x9  }
0xb1: {  	_ =	task.clear_ibuf [dreg:s6], $0x5FFFF;
	_ =	strace $0x9000004C  }
0xb2: {  	s29 =	simm.s32 $0x9;
	_ =	strace $0x8000004E  }
0xb3: {  	_ =	swait.ge [sflag:s29], $0x1  }
0xb4: {  	[sflag:s29] =	ssyncadd.s32 $0xFFFFFFFF  }
0xb5: {  	_ =	strace $0x9000004E  }
0xb6: {  	_ =	sfence  }
0xb7: {  	s30 =	sld [smem:$0x0];
	_ =	sdelay $0x2  }
0xb8: {  	s31 =	sshll.u32 s1, $0xD;
	s1 =	sshrl.u32 s1, $0x2  }
0xb9: {  	s3 =	sand.u32 $0x4000, s31;
	s1 =	sadd.s32 s1, s30  }
0xba: {  	s0 =	sor.u32 s3, s0;
	s1 =	sshll.u32 s1, $0x11  }
0xbb: {  	s0 =	sor.u32 s1, s0  }
0xbc: {  	s0 =	sadd.s32 $0x8F2B, s0  }
0xbd: {  	[sflag:s0] =	ssyncadd.remote.s32 $0x1  }
0xbe: {  	_ =	sfence.sel $0xFFFF  }
0xbf: {  	[dreg:$0x0] =	wrdreg $0xFFFFFFFF;
	(pc) =	sbr.abs _section_cstart, $3  }
0xc0: {  	[dreg:$0x1] =	wrdreg $0xFFFFFFFF  }
0xc1: {  	_ =	task.clear_ibuf [dreg:s6], $0x2FFFF;
	_ =	strace $0x9FFFFFFF  }
0xc2: {  	(tm) =	ssettm $0x7FFFFFFF  }
0xc3: {  	_ =	shalt  }
tec
execute0_lowered:
.L_overlay_start_1:
0x0: {  	(tag) =	ssettag $0x1  }
0x1: {  	s5 =	rddreg [dreg:$0x0]  }
0x2: {  	s2 =	rddreg [dreg:$0x1]  }
0x3: {  	s0 =	rddreg [dreg:$0x2]  }
0x4: {  	s4 =	srdreg.scid;
	s1 =	stileid.u32;
	s3 =	simm.s32 $0x0  }
0x5: {  	s17 =	simm.s32 $0x3;
	s18 =	simm.s32 $0x1400;
	s19 =	simm.s32 $0x80  }
0x6: {  	s20 =	simm.s32 $0x6800;
	s21 =	simm.s32 $0x1;
	s22 =	simm.s32 $0x2  }
0x7: {  	s23 =	simm.s32 $0x1380;
	s24 =	simm.s32 $0x2700;
	s25 =	simm.s32 $0x2780  }
0x8: {  	s6 =	sand.u32 $0x1, s4;
	s7 =	smul.u32 $0x2800, s1;
	[smem:$0x7FF] =	sst s3  }
0x9: {  	s4 =	sadd.s32 $0x68400, s5;
	s12 =	sadd.s32 $0xE400, s5;
	s26 =	smul.u32 $0x50000, s1  }
0xa: {  	s13 =	sadd.s32 $0x4400, s5;
	s8 =	smul.u32 $0x28000, s6;
	s28 =	sshll.u32 s6, $0x4  }
0xb: {  	_ =	strace $0x8000004D;
	s6 =	ssub.s32 $0x2, s6;
	s29 =	sor.u32 s1, s28  }
0xc: {  	s30 =	sshrl.u32 s26, $0x2;
	s31 =	sshrl.u32 s6, $0x1;
	s9 =	smul.u32 $0x2800, s29  }
0xd: {  	s7 =	sadd.s32 s7, s8;
	s15 =	ssub.s32 s6, s31;
	s11 =	smul.u32 $0x500, s29  }
0xe: {  	s14 =	sadd.s32 s7, s5;
	s5 =	sadd.s32 s30, s2;
	s15 =	smax.u32 s15, $0x1  }
0xf: {  	s6 =	sadd.s32 $0x4000, s5;
	s7 =	sadd.s32 $0x8000, s5;
	s8 =	sadd.s32 $0xC000, s5  }
0x10: {  	s16 =	sshrl.u32 s9, $0x3;
	s9 =	sadd.s32 $0x10000, s5;
	s10 =	sadd.s32 s12, s11  }
0x11: {  	s11 =	sadd.s32 s13, s11;
	s14 =	sadd.s32 $0x8F600, s14;
	s16 =	sadd.s32 $0x280, s16  }
0x12: {  	v0 =	vimm.f32 $0.0e+00;
	s12 =	sadd.s32 s12, s16;
	s13 =	sadd.s32 s13, s16;
	s16 =	simm.s32 $0x2800  }
.LBB2_1:
0x13: {  	s26 =	simm.s32 $0x0;
	s28 =	simm.s32 $0x200  }
.LBB2_2:
0x14: {  	p0 =	sne.s32 s28, $0xFE00;
	[tilespmem:s26+$0x2870] =	vst v0  }
0x15: {  	[tilespmem:s26+$0x2800] =	vst v0  }
0x16: {  	[tilespmem:s26+$0x2810] =	vst v0  }
.Ltmp0:
0x17: {  	[tilespmem:s26+$0x2820] =	vst v0;
	(pc) =	sbr.rel @p0 .LBB2_2-.Ltmp0, $4  }
0x18: {  	[tilespmem:s26+$0x2830] =	vst v0  }
0x19: {  	[tilespmem:s26+$0x2840] =	vst v0  }
0x1a: {  	[tilespmem:s26+$0x2850] =	vst v0  }
0x1b: {  	[tilespmem:s26+$0x2860] =	vst v0;
	s26 =	sshra.s32 s28, $0x2;
	s28 =	sadd.s32 $0x200, s28  }
0x1c: {  	[tilespmem:s26+$0x2870] =	vst v0  }
0x1d: {  	[tilespmem:s26+$0x2800] =	vst v0  }
0x1e: {  	[tilespmem:s26+$0x2810] =	vst v0  }
0x1f: {  	[tilespmem:s26+$0x2820] =	vst v0  }
0x20: {  	[tilespmem:s26+$0x2830] =	vst v0  }
0x21: {  	[tilespmem:s26+$0x2840] =	vst v0  }
0x22: {  	[tilespmem:s26+$0x2850] =	vst v0  }
0x23: {  	[tilespmem:s26+$0x2860] =	vst v0  }
0x24: {  	[spmem:s5] =	stream.linear.scatter [tilespmem:s16], [sflag:$0x3], $0x4000, $0x38;
	[tilespmem:$0x1E800] =	vst v63  }
0x25: {  	_ =	swait.ge [sflag:s17], $0x4000  }
0x26: {  	[sflag:s17] =	ssyncset.done $0x0  }
0x27: {  	[sflag:s17] =	ssyncadd.s32 $0xFFFFC000  }
0x28: {  	[spmem:s6] =	stream.linear.scatter [tilespmem:s16], [sflag:$0x3], $0x4000, $0x38;
	[tilespmem:$0x1E800] =	vst v63  }
0x29: {  	_ =	swait.ge [sflag:s17], $0x4000  }
0x2a: {  	[sflag:s17] =	ssyncset.done $0x0  }
0x2b: {  	[sflag:s17] =	ssyncadd.s32 $0xFFFFC000  }
0x2c: {  	[spmem:s7] =	stream.linear.scatter [tilespmem:s16], [sflag:$0x3], $0x4000, $0x38;
	[tilespmem:$0x1E800] =	vst v63  }
0x2d: {  	_ =	swait.ge [sflag:s17], $0x4000  }
0x2e: {  	[sflag:s17] =	ssyncset.done $0x0  }
0x2f: {  	[sflag:s17] =	ssyncadd.s32 $0xFFFFC000  }
0x30: {  	[spmem:s8] =	stream.linear.scatter [tilespmem:s16], [sflag:$0x3], $0x4000, $0x38;
	[tilespmem:$0x1E800] =	vst v63  }
0x31: {  	_ =	swait.ge [sflag:s17], $0x4000  }
0x32: {  	[sflag:s17] =	ssyncset.done $0x0  }
0x33: {  	[sflag:s17] =	ssyncadd.s32 $0xFFFFC000  }
0x34: {  	[spmem:s9] =	stream.linear.scatter [tilespmem:s16], [sflag:$0x3], $0x4000, $0x38;
	[tilespmem:$0x1E800] =	vst v63  }
0x35: {  	_ =	swait.ge [sflag:s17], $0x4000  }
0x36: {  	[sflag:s17] =	ssyncset.done $0x0  }
0x37: {  	[sflag:s17] =	ssyncadd.s32 $0xFFFFC000  }
0x38: {  	s30 =	simm.s32 $0x0;
	[bflag:$0x0] =	sbarrier.arrive $0xFFFF  }
0x39: {  	[tilespmem:s30], [sflag:$0x3] =	stream.linear.gather [hbm4b:s10+s30], $0x1400, $0x38;
	[tilespmem:$0x1E800] =	vst v63  }
0x3a: {  	_ =	swait.ge [sflag:s17], $0x1400  }
0x3b: {  	[sflag:s17] =	ssyncset.done $0x0  }
0x3c: {  	[sflag:s17] =	ssyncadd.s32 $0xFFFFEC00  }
0x3d: {  	[tilespmem:s18], [sflag:$0x3] =	stream.linear.gather [hbm4b:s11+s30], $0x1400, $0x38;
	[tilespmem:$0x1E800] =	vst v63  }
0x3e: {  	_ =	swait.ge [sflag:s17], $0x1400  }
0x3f: {  	[sflag:s17] =	ssyncset.done $0x0  }
0x40: {  	[sflag:s17] =	ssyncadd.s32 $0xFFFFEC00  }
0x41: {  	[tilespmem:s16], [sflag:$0x1] =	stream.indirect.gather [hbm4b:s4+s19], $0x80, s30, s19, $0xb8;
	[tilespmem:$0x1E800] =	vst v63  }
0x42: {  	s31 =	simm.s32 $0x80  }
0x43: {  	[tilespmem:s20], [sflag:$0x2] =	stream.indirect.gather [hbm4b:s4+s19], $0x80, s31, s19, $0xb8;
	[tilespmem:$0x1E800] =	vst v63  }
0x44: {  	_ =	swait.ge [sflag:s21], $0x4000  }
0x45: {  	[sflag:s21] =	ssyncset.done $0x0  }
0x46: {  	s29 =	simm.s32 $0x1400;
	[sflag:s21] =	ssyncadd.s32 $0xFFFFC000  }
0x47: {  	[spmem:s2] =	stream.indirect.scatter.add.f32 [tilespmem:s16], [sflag:$0x3], $0x80, s29, s19, $0xb8;
	[tilespmem:$0x1E800] =	vst v63  }
0x48: {  	_ =	swait.ge [sflag:s17], $0x4000  }
0x49: {  	[sflag:s17] =	ssyncset.done $0x0  }
0x4a: {  	s30 =	simm.s32 $0x100;
	[sflag:s17] =	ssyncadd.s32 $0xFFFFC000  }
0x4b: {  	[tilespmem:s16], [sflag:$0x1] =	stream.indirect.gather [hbm4b:s4+s19], $0x80, s30, s19, $0xb8;
	[tilespmem:$0x1E800] =	vst v63  }
0x4c: {  	_ =	swait.ge [sflag:s22], $0x4000  }
0x4d: {  	[sflag:s22] =	ssyncset.done $0x0  }
0x4e: {  	s31 =	simm.s32 $0x1480;
	[sflag:s22] =	ssyncadd.s32 $0xFFFFC000  }
0x4f: {  	[spmem:s2] =	stream.indirect.scatter.add.f32 [tilespmem:s20], [sflag:$0x3], $0x80, s31, s19, $0xb8;
	[tilespmem:$0x1E800] =	vst v63  }
0x50: {  	_ =	swait.ge [sflag:s17], $0x4000  }
0x51: {  	s28 =	simm.s32 $0x800;
	s26 =	simm.s32 $0x100;
	[sflag:s17] =	ssyncset.done $0x0  }
.LBB2_4:
0x52: {  	s29 =	sadd.s32 $0x80, s26  }
0x53: {  	[sflag:s17] =	ssyncadd.s32 $0xFFFFC000;
	s30 =	smov.u32 s28;
	s31 =	sadd.s32 $0x400, s28  }
0x54: {  	[tilespmem:s20], [sflag:$0x2] =	stream.indirect.gather [hbm4b:s4+s19], $0x80, s29, s19, $0xb8;
	[tilespmem:$0x1E800] =	vst v63  }
0x55: {  	p0 =	sne.s32 s28, $0x4800;
	_ =	swait.ge [sflag:s21], $0x4000  }
0x56: {  	[sflag:s21] =	ssyncset.done $0x0  }
0x57: {  	s28 =	sadd.s32 $0x1400, s26;
	[sflag:s21] =	ssyncadd.s32 $0xFFFFC000  }
0x58: {  	[spmem:s2] =	stream.indirect.scatter.add.f32 [tilespmem:s16], [sflag:$0x3], $0x80, s28, s19, $0xb8;
	[tilespmem:$0x1E800] =	vst v63  }
0x59: {  	_ =	swait.ge [sflag:s17], $0x4000  }
0x5a: {  	[sflag:s17] =	ssyncset.done $0x0  }
0x5b: {  	s28 =	sadd.s32 $0x100, s26;
	[sflag:s17] =	ssyncadd.s32 $0xFFFFC000  }
0x5c: {  	[tilespmem:s16], [sflag:$0x1] =	stream.indirect.gather [hbm4b:s4+s19], $0x80, s28, s19, $0xb8;
	[tilespmem:$0x1E800] =	vst v63  }
0x5d: {  	_ =	swait.ge [sflag:s22], $0x4000  }
.Ltmp1:
0x5e: {  	[sflag:s22] =	ssyncset.done $0x0;
	(pc) =	sbr.rel @p0 .LBB2_4-.Ltmp1, $4  }
0x5f: {  	s26 =	sadd.s32 $0x1480, s26;
	[sflag:s22] =	ssyncadd.s32 $0xFFFFC000  }
0x60: {  	[spmem:s2] =	stream.indirect.scatter.add.f32 [tilespmem:s20], [sflag:$0x3], $0x80, s26, s19, $0xb8;
	[tilespmem:$0x1E800] =	vst v63  }
0x61: {  	_ =	swait.ge [sflag:s17], $0x4000  }
0x62: {  	s28 =	smov.u32 s31;
	s26 =	sshra.s32 s30, $0x2;
	[sflag:s17] =	ssyncset.done $0x0  }
0x63: {  	s28 =	sadd.s32 $0x80, s26;
	[sflag:s17] =	ssyncadd.s32 $0xFFFFC000  }
0x64: {  	[tilespmem:s20], [sflag:$0x2] =	stream.indirect.gather [hbm4b:s4+s19], $0x80, s28, s19, $0xb8;
	[tilespmem:$0x1E800] =	vst v63  }
0x65: {  	_ =	swait.ge [sflag:s21], $0x4000  }
0x66: {  	[sflag:s21] =	ssyncset.done $0x0  }
0x67: {  	s28 =	sadd.s32 $0x1400, s26;
	[sflag:s21] =	ssyncadd.s32 $0xFFFFC000  }
0x68: {  	[spmem:s2] =	stream.indirect.scatter.add.f32 [tilespmem:s16], [sflag:$0x3], $0x80, s28, s19, $0xb8;
	[tilespmem:$0x1E800] =	vst v63  }
0x69: {  	_ =	swait.ge [sflag:s17], $0x4000  }
0x6a: {  	[sflag:s17] =	ssyncset.done $0x0  }
0x6b: {  	s28 =	sadd.s32 $0x100, s26;
	[sflag:s17] =	ssyncadd.s32 $0xFFFFC000  }
0x6c: {  	[tilespmem:s16], [sflag:$0x1] =	stream.indirect.gather [hbm4b:s4+s19], $0x80, s28, s19, $0xb8;
	[tilespmem:$0x1E800] =	vst v63  }
0x6d: {  	_ =	swait.ge [sflag:s22], $0x4000  }
0x6e: {  	[sflag:s22] =	ssyncset.done $0x0  }
0x6f: {  	s29 =	sadd.s32 $0x1480, s26;
	[sflag:s22] =	ssyncadd.s32 $0xFFFFC000  }
0x70: {  	[spmem:s2] =	stream.indirect.scatter.add.f32 [tilespmem:s20], [sflag:$0x3], $0x80, s29, s19, $0xb8;
	[tilespmem:$0x1E800] =	vst v63  }
0x71: {  	_ =	swait.ge [sflag:s17], $0x4000  }
0x72: {  	[sflag:s17] =	ssyncset.done $0x0  }
0x73: {  	[sflag:s17] =	ssyncadd.s32 $0xFFFFC000  }
0x74: {  	[tilespmem:s20], [sflag:$0x2] =	stream.indirect.gather [hbm4b:s4+s19], $0x80, s23, s19, $0xb8;
	[tilespmem:$0x1E800] =	vst v63  }
0x75: {  	_ =	swait.ge [sflag:s21], $0x4000  }
0x76: {  	[sflag:s21] =	ssyncset.done $0x0  }
0x77: {  	[sflag:s21] =	ssyncadd.s32 $0xFFFFC000  }
0x78: {  	[spmem:s2] =	stream.indirect.scatter.add.f32 [tilespmem:s16], [sflag:$0x3], $0x80, s24, s19, $0xb8;
	[tilespmem:$0x1E800] =	vst v63  }
0x79: {  	_ =	swait.ge [sflag:s17], $0x4000  }
0x7a: {  	[sflag:s17] =	ssyncset.done $0x0  }
0x7b: {  	[sflag:s17] =	ssyncadd.s32 $0xFFFFC000  }
0x7c: {  	_ =	swait.ge [sflag:s22], $0x4000  }
0x7d: {  	[sflag:s22] =	ssyncset.done $0x0  }
0x7e: {  	[sflag:s22] =	ssyncadd.s32 $0xFFFFC000  }
0x7f: {  	[spmem:s2] =	stream.indirect.scatter.add.f32 [tilespmem:s20], [sflag:$0x3], $0x80, s25, s19, $0xb8;
	[tilespmem:$0x1E800] =	vst v63  }
0x80: {  	_ =	swait.ge [sflag:s17], $0x4000  }
0x81: {  	[sflag:s17] =	ssyncset.done $0x0  }
0x82: {  	s30 =	simm.s32 $0x0;
	[sflag:s17] =	ssyncadd.s32 $0xFFFFC000  }
0x83: {  	[tilespmem:s30], [sflag:$0x3] =	stream.linear.gather [hbm4b:s12+s30], $0x1400, $0x38;
	[tilespmem:$0x1E800] =	vst v63  }
0x84: {  	_ =	swait.ge [sflag:s17], $0x1400  }
0x85: {  	[sflag:s17] =	ssyncset.done $0x0  }
0x86: {  	[sflag:s17] =	ssyncadd.s32 $0xFFFFEC00  }
0x87: {  	[tilespmem:s18], [sflag:$0x3] =	stream.linear.gather [hbm4b:s13+s30], $0x1400, $0x38;
	[tilespmem:$0x1E800] =	vst v63  }
0x88: {  	_ =	swait.ge [sflag:s17], $0x1400  }
0x89: {  	[sflag:s17] =	ssyncset.done $0x0  }
0x8a: {  	[sflag:s17] =	ssyncadd.s32 $0xFFFFEC00  }
0x8b: {  	[tilespmem:s16], [sflag:$0x1] =	stream.indirect.gather [hbm4b:s4+s19], $0x80, s30, s19, $0xb8;
	[tilespmem:$0x1E800] =	vst v63  }
0x8c: {  	s31 =	simm.s32 $0x80  }
0x8d: {  	[tilespmem:s20], [sflag:$0x2] =	stream.indirect.gather [hbm4b:s4+s19], $0x80, s31, s19, $0xb8;
	[tilespmem:$0x1E800] =	vst v63  }
0x8e: {  	_ =	swait.ge [sflag:s21], $0x4000  }
0x8f: {  	[sflag:s21] =	ssyncset.done $0x0  }
0x90: {  	s29 =	simm.s32 $0x1400;
	[sflag:s21] =	ssyncadd.s32 $0xFFFFC000  }
0x91: {  	[spmem:s2] =	stream.indirect.scatter.add.f32 [tilespmem:s16], [sflag:$0x3], $0x80, s29, s19, $0xb8;
	[tilespmem:$0x1E800] =	vst v63  }
0x92: {  	_ =	swait.ge [sflag:s17], $0x4000  }
0x93: {  	[sflag:s17] =	ssyncset.done $0x0  }
0x94: {  	s30 =	simm.s32 $0x100;
	[sflag:s17] =	ssyncadd.s32 $0xFFFFC000  }
0x95: {  	[tilespmem:s16], [sflag:$0x1] =	stream.indirect.gather [hbm4b:s4+s19], $0x80, s30, s19, $0xb8;
	[tilespmem:$0x1E800] =	vst v63  }
0x96: {  	_ =	swait.ge [sflag:s22], $0x4000  }
0x97: {  	[sflag:s22] =	ssyncset.done $0x0  }
0x98: {  	s31 =	simm.s32 $0x1480;
	[sflag:s22] =	ssyncadd.s32 $0xFFFFC000  }
0x99: {  	[spmem:s2] =	stream.indirect.scatter.add.f32 [tilespmem:s20], [sflag:$0x3], $0x80, s31, s19, $0xb8;
	[tilespmem:$0x1E800] =	vst v63  }
0x9a: {  	_ =	swait.ge [sflag:s17], $0x4000  }
0x9b: {  	s26 =	simm.s32 $0x100;
	s28 =	simm.s32 $0x800;
	[sflag:s17] =	ssyncset.done $0x0  }
.LBB2_6:
0x9c: {  	s29 =	sadd.s32 $0x80, s26  }
0x9d: {  	[sflag:s17] =	ssyncadd.s32 $0xFFFFC000;
	s30 =	smov.u32 s28;
	s31 =	sadd.s32 $0x400, s28  }
0x9e: {  	[tilespmem:s20], [sflag:$0x2] =	stream.indirect.gather [hbm4b:s4+s19], $0x80, s29, s19, $0xb8;
	[tilespmem:$0x1E800] =	vst v63  }
0x9f: {  	p0 =	sne.s32 s28, $0x4800;
	_ =	swait.ge [sflag:s21], $0x4000  }
0xa0: {  	[sflag:s21] =	ssyncset.done $0x0  }
0xa1: {  	s28 =	sadd.s32 $0x1400, s26;
	[sflag:s21] =	ssyncadd.s32 $0xFFFFC000  }
0xa2: {  	[spmem:s2] =	stream.indirect.scatter.add.f32 [tilespmem:s16], [sflag:$0x3], $0x80, s28, s19, $0xb8;
	[tilespmem:$0x1E800] =	vst v63  }
0xa3: {  	_ =	swait.ge [sflag:s17], $0x4000  }
0xa4: {  	[sflag:s17] =	ssyncset.done $0x0  }
0xa5: {  	s28 =	sadd.s32 $0x100, s26;
	[sflag:s17] =	ssyncadd.s32 $0xFFFFC000  }
0xa6: {  	[tilespmem:s16], [sflag:$0x1] =	stream.indirect.gather [hbm4b:s4+s19], $0x80, s28, s19, $0xb8;
	[tilespmem:$0x1E800] =	vst v63  }
0xa7: {  	_ =	swait.ge [sflag:s22], $0x4000  }
.Ltmp2:
0xa8: {  	[sflag:s22] =	ssyncset.done $0x0;
	(pc) =	sbr.rel @p0 .LBB2_6-.Ltmp2, $4  }
0xa9: {  	s26 =	sadd.s32 $0x1480, s26;
	[sflag:s22] =	ssyncadd.s32 $0xFFFFC000  }
0xaa: {  	[spmem:s2] =	stream.indirect.scatter.add.f32 [tilespmem:s20], [sflag:$0x3], $0x80, s26, s19, $0xb8;
	[tilespmem:$0x1E800] =	vst v63  }
0xab: {  	_ =	swait.ge [sflag:s17], $0x4000  }
0xac: {  	s28 =	smov.u32 s31;
	s26 =	sshra.s32 s30, $0x2;
	[sflag:s17] =	ssyncset.done $0x0  }
0xad: {  	s28 =	sadd.s32 $0x80, s26;
	[sflag:s17] =	ssyncadd.s32 $0xFFFFC000  }
0xae: {  	[tilespmem:s20], [sflag:$0x2] =	stream.indirect.gather [hbm4b:s4+s19], $0x80, s28, s19, $0xb8;
	[tilespmem:$0x1E800] =	vst v63  }
0xaf: {  	_ =	swait.ge [sflag:s21], $0x4000  }
0xb0: {  	[sflag:s21] =	ssyncset.done $0x0  }
0xb1: {  	s30 =	sadd.s32 $0x1400, s26;
	[sflag:s21] =	ssyncadd.s32 $0xFFFFC000  }
0xb2: {  	[spmem:s2] =	stream.indirect.scatter.add.f32 [tilespmem:s16], [sflag:$0x3], $0x80, s30, s19, $0xb8;
	[tilespmem:$0x1E800] =	vst v63  }
0xb3: {  	_ =	swait.ge [sflag:s17], $0x4000  }
0xb4: {  	[sflag:s17] =	ssyncset.done $0x0  }
0xb5: {  	s31 =	sadd.s32 $0x100, s26;
	[sflag:s17] =	ssyncadd.s32 $0xFFFFC000  }
0xb6: {  	[tilespmem:s16], [sflag:$0x1] =	stream.indirect.gather [hbm4b:s4+s19], $0x80, s31, s19, $0xb8;
	[tilespmem:$0x1E800] =	vst v63  }
0xb7: {  	_ =	swait.ge [sflag:s22], $0x4000  }
0xb8: {  	[sflag:s22] =	ssyncset.done $0x0  }
0xb9: {  	s29 =	sadd.s32 $0x1480, s26;
	[sflag:s22] =	ssyncadd.s32 $0xFFFFC000  }
0xba: {  	[spmem:s2] =	stream.indirect.scatter.add.f32 [tilespmem:s20], [sflag:$0x3], $0x80, s29, s19, $0xb8;
	[tilespmem:$0x1E800] =	vst v63  }
0xbb: {  	_ =	swait.ge [sflag:s17], $0x4000  }
0xbc: {  	[sflag:s17] =	ssyncset.done $0x0  }
0xbd: {  	[sflag:s17] =	ssyncadd.s32 $0xFFFFC000  }
0xbe: {  	[tilespmem:s20], [sflag:$0x2] =	stream.indirect.gather [hbm4b:s4+s19], $0x80, s23, s19, $0xb8;
	[tilespmem:$0x1E800] =	vst v63  }
0xbf: {  	_ =	swait.ge [sflag:s21], $0x4000  }
0xc0: {  	[sflag:s21] =	ssyncset.done $0x0  }
0xc1: {  	[sflag:s21] =	ssyncadd.s32 $0xFFFFC000  }
0xc2: {  	[spmem:s2] =	stream.indirect.scatter.add.f32 [tilespmem:s16], [sflag:$0x3], $0x80, s24, s19, $0xb8;
	[tilespmem:$0x1E800] =	vst v63  }
0xc3: {  	_ =	swait.ge [sflag:s17], $0x4000  }
0xc4: {  	[sflag:s17] =	ssyncset.done $0x0  }
0xc5: {  	[sflag:s17] =	ssyncadd.s32 $0xFFFFC000  }
0xc6: {  	_ =	swait.ge [sflag:s22], $0x4000  }
0xc7: {  	[sflag:s22] =	ssyncset.done $0x0  }
0xc8: {  	[sflag:s22] =	ssyncadd.s32 $0xFFFFC000  }
0xc9: {  	[spmem:s2] =	stream.indirect.scatter.add.f32 [tilespmem:s20], [sflag:$0x3], $0x80, s25, s19, $0xb8;
	[tilespmem:$0x1E800] =	vst v63  }
0xca: {  	_ =	swait.ge [sflag:s17], $0x4000  }
0xcb: {  	s3 =	sadd.s32 $0x1, s3;
	s30 =	sshll.u32 s1, $0x6;
	[sflag:s17] =	ssyncset.done $0x0  }
0xcc: {  	p0 =	sne.s32 s3, s15;
	s26 =	sor.u32 $0x1C03, s30;
	[sflag:s17] =	ssyncadd.s32 $0xFFFFC000  }
.Ltmp3:
0xcd: {  	s31 =	sshrl.u32 s5, $0x3;
	[bflag:$0x0] =	sbarrier.arrive $0xFFFF;
	(pc) =	sbr.rel @p0 .LBB2_1-.Ltmp3, $4  }
0xce: {  	[hbm:s14], [sflag:s26] =	dma.local [spmem:s31], $0x2800  }
0xcf: {  	_ =	swait.ge [sflag:s17], $0x2800  }
0xd0: {  	[sflag:s17] =	ssyncset.done $0x0  }
0xd1: {  	[sflag:s17] =	ssyncadd.s32 $0xFFFFD800  }
0xd2: {  	_ =	sfence.sel $0x180000  }
0xd3: {  	[bflag:$0x0] =	sbarrier.arrive $0xFFFF  }
0xd4: {  	p0 =	sne.s32 s1, $0x0;
	_ =	strace $0x9000004D  }
0xd5: {  	s0 =	sadd.s32 @!p0 $0x100000, s0;
	[bflag:$0x2] =	sbarrier.arrive $0xFFFF  }
0xd6: {  	[sflag:s0] =	ssyncadd.tile.s32 @!p0 $0x1;
	_ =	shalt  }
.Lfunc_end2:
_tile_overlayer_lowered:
.L_overlay_start_2:
0xd7: {  	(tag) =	ssettag $0x2  }
0xd8: {  	s0 =	rddreg [dreg:$0x0];
	s2 =	stileid.u32  }
0xd9: {  	s1 =	rddreg [dreg:$0x1];
	p0 =	sne.s32 s2, $0x0  }
0xda: {  	s3 =	rddreg [dreg:$0x2];
	[bflag:$0x3] =	sbarrier.arrive $0xFFFF;
	s2 =	simm.s32 @!p0 $0x1C03  }
0xdb: {  	[timem:s3], [sflag:s2] =	dma.local @!p0 [hbm:s0], s1  }
0xdc: {  	s0 =	simm.s32 @!p0 $0x3  }
0xdd: {  	_ =	swait.ge @!p0 [sflag:s0], s1  }
0xde: {  	s1 =	ssub.s32 @!p0 $0x0, s1;
	[sflag:s0] =	ssyncset.done @!p0 $0x0  }
0xdf: {  	[sflag:s0] =	ssyncadd.s32 @!p0 s1  }
0xe0: {  	[bflag:$0x3] =	sbarrier.arrive $0xFFFF  }
0xe1: {  	_ =	shalt  }

// kernel: kernel.20.cloned.1.call-start
scs
__scs_entry_jumppad:
0x0: {  	(pc) =	sbr.rel $0x88, $3  }
0x1: {  	(tag) =	ssettag $0x0;
	lr =	simm.s32 $0x1  }
0x2: {  	[smem:$0x3F94] =	sst lr;
	_ =	strace $0xD0000000  }
0x3: {  	_ = 	snop  }
0x4: {  	_ = 	snop  }
0x5: {  	_ = 	snop  }
0x6: {  	_ = 	snop  }
0x7: {  	_ = 	snop  }
__scs_overlays_trampoline_lowered:
0x8: {  	[smem:$0x3FA3] =	sst s0  }
0x9: {  	[smem:$0x3FA4] =	sst s1  }
0xa: {  	[smem:$0x3FA5] =	sst s2  }
0xb: {  	[smem:$0x3FA6] =	sst s3  }
0xc: {  	[smem:$0x3FA7] =	sst s4  }
0xd: {  	[smem:$0x3FA8] =	sst s5  }
0xe: {  	[smem:$0x3FA9] =	sst s6  }
0xf: {  	[smem:$0x3FAA] =	sst s7  }
0x10: {  	[smem:$0x3FAB] =	sst s8  }
0x11: {  	[smem:$0x3FAC] =	sst s9;
	s0 =	simm.s32 @!p0 $0x0  }
0x12: {  	s1 =	sld [smem:$0x3F92];
	s0 =	simm.s32 @p0 $0x1  }
0x13: {  	[smem:$0x3FAD] =	sst s0;
	s0 =	simm.s32 @!p1 $0x0  }
0x14: {  	s2 =	sld [smem:$0x3F91];
	s0 =	simm.s32 @p1 $0x1  }
0x15: {  	[smem:$0x3FAE] =	sst s0;
	s0 =	simm.s32 @!p2 $0x0  }
0x16: {  	s3 =	sld [smem:$0x3FDB];
	s0 =	simm.s32 @p2 $0x1  }
0x17: {  	s4 =	simm.s32 $0x1BF5;
	[smem:$0x3FB0] =	sst s0  }
0x18: {  	s0 =	sld [smem:$0x3F93];
	_ =	swait.ge [sflag:s4], $0x0  }
0x19: {  	s7 =	sld [smem:$0x3F94]  }
0x1a: {  	s8 =	sadd.s32 $0xFFFFE003, lr  }
0x1b: {  	s9 =	sadd.s32 $0xFFFFFEF7, lr;
	s5 =	simm.s32 $0xFFFFFFFF;
	p2 =	slt.u32 s8, $0xFFFFF086  }
0x1c: {  	p1 =	slt.u32 s9, $0xF7A;
	s5 =	simm.s32 @!p2 $0x0  }
0x1d: {  	s5 =	simm.s32 @p1 $0x1;
	p0 =	seq.s32 s7, s2  }
0x1e: {  	s7 =	smul.u32 @!p0 $0xF7A, s2;
	p2 =	seq.s32 @!p0 s5, $0x0  }
0x1f: {  	s9 =	smul.u32 $0xF7A, s1;
	s8 =	simm.s32 @!p0 $0x1BF5;
	p2 =	por !p2, p0  }
0x20: {  	[sflag:s8] =	ssyncset.s32 @!p0 $0xFFFFF086;
	s6 =	sadd.s32 @!p0 s3, s7;
	s7 =	simm.s32 @!p0 $0x108  }
0x21: {  	s3 =	sadd.s32 s3, s9;
	s6 =	sadd.s32 @!p0 $0x88, s6;
	s7 =	simm.s32 @p2 $0x1082  }
0x22: {  	[simem:s7], [sflag:s8] =	dma.local @!p0 [hbm:s6], $0xF7A  }
0x23: {  	s9 =	sor.u32 $0xD0000000, s2;
	s6 =	simm.s32 $0x108;
	_ =	swait.ge @!p0 [sflag:s8], $0x0  }
0x24: {  	s3 =	sadd.s32 $0x88, s3;
	s6 =	simm.s32 @!p1 $0x1082;
	[sflag:s4] =	ssyncset.s32 $0xFFFFF086  }
0x25: {  	[simem:s6], [sflag:s4] =	dma.local [hbm:s3], $0xF7A  }
0x26: {  	[smem:$0x3F94] =	sst s1;
	(tag) =	ssettag s2;
	_ =	strace s9  }
0x27: {  	s1 =	sld [smem:$0x3FA4]  }
0x28: {  	s2 =	sld [smem:$0x3FA5]  }
0x29: {  	s4 =	sld [smem:$0x3FA7]  }
0x2a: {  	p0 =	seq.s32 s5, $0x0;
	s5 =	sld [smem:$0x3FA8]  }
0x2b: {  	s6 =	sld [smem:$0x3FA9]  }
0x2c: {  	s7 =	sld [smem:$0x3FAA]  }
0x2d: {  	s3 =	simm.s32 $0x108;
	s8 =	sld [smem:$0x3FAB]  }
0x2e: {  	s3 =	simm.s32 @!p0 $0x1082;
	s9 =	sld [smem:$0x3FAC]  }
0x2f: {  	lr =	sadd.s32 s0, s3;
	s0 =	sld [smem:$0x3FA3]  }
0x30: {  	s3 =	sld [smem:$0x3FA6]  }
0x31: {  	[smem:$0x3FAF] =	sst s10  }
0x32: {  	s10 =	sld [smem:$0x3FAD];
	_ =	sdelay $0x3  }
0x33: {  	p0 =	seq.s32 s10, $0x1;
	s10 =	sld [smem:$0x3FAF];
	_ =	sdelay $0x3  }
0x34: {  	[smem:$0x3FAF] =	sst s10  }
0x35: {  	s10 =	sld [smem:$0x3FAE];
	_ =	sdelay $0x3  }
0x36: {  	p1 =	seq.s32 s10, $0x1;
	s10 =	sld [smem:$0x3FAF];
	_ =	sdelay $0x3  }
0x37: {  	[smem:$0x3FAF] =	sst s10  }
0x38: {  	s10 =	sld [smem:$0x3FB0]  }
0x39: {  	_ = 	snop;
	(pc) =	sbr.ind lr, $3  }
0x3a: {  	_ = 	snop  }
0x3b: {  	_ = 	snop  }
0x3c: {  	p2 =	seq.s32 s10, $0x1;
	s10 =	sld [smem:$0x3FAF]  }
0x3d: {  	_ =	shalt  }
0x3e: {  	_ =	shalt  }
0x3f: {  	_ =	shalt  }
0x40: {  	_ =	shalt  }
0x41: {  	_ =	shalt  }
0x42: {  	_ =	shalt  }
0x43: {  	_ =	shalt  }
0x44: {  	_ =	shalt  }
0x45: {  	_ =	shalt  }
0x46: {  	_ =	shalt  }
0x47: {  	_ =	shalt  }
0x48: {  	_ =	shalt  }
0x49: {  	_ =	shalt  }
0x4a: {  	_ =	shalt  }
0x4b: {  	_ =	shalt  }
0x4c: {  	_ =	shalt  }
0x4d: {  	_ =	shalt  }
0x4e: {  	_ =	shalt  }
0x4f: {  	_ =	shalt  }
0x50: {  	_ =	shalt  }
0x51: {  	_ =	shalt  }
0x52: {  	_ =	shalt  }
0x53: {  	_ =	shalt  }
0x54: {  	_ =	shalt  }
0x55: {  	_ =	shalt  }
0x56: {  	_ =	shalt  }
0x57: {  	_ =	shalt  }
0x58: {  	_ =	shalt  }
0x59: {  	_ =	shalt  }
0x5a: {  	_ =	shalt  }
0x5b: {  	_ =	shalt  }
0x5c: {  	_ =	shalt  }
0x5d: {  	_ =	shalt  }
0x5e: {  	_ =	shalt  }
0x5f: {  	_ =	shalt  }
0x60: {  	_ =	shalt  }
0x61: {  	_ =	shalt  }
0x62: {  	_ =	shalt  }
0x63: {  	_ =	shalt  }
0x64: {  	_ =	shalt  }
0x65: {  	_ =	shalt  }
0x66: {  	_ =	shalt  }
0x67: {  	_ =	shalt  }
0x68: {  	_ =	shalt  }
0x69: {  	_ =	shalt  }
0x6a: {  	_ =	shalt  }
0x6b: {  	_ =	shalt  }
0x6c: {  	_ =	shalt  }
0x6d: {  	_ =	shalt  }
0x6e: {  	_ =	shalt  }
0x6f: {  	_ =	shalt  }
0x70: {  	_ =	shalt  }
0x71: {  	_ =	shalt  }
0x72: {  	_ =	shalt  }
0x73: {  	_ =	shalt  }
0x74: {  	_ =	shalt  }
0x75: {  	_ =	shalt  }
0x76: {  	_ =	shalt  }
0x77: {  	_ =	shalt  }
0x78: {  	_ =	shalt  }
0x79: {  	_ =	shalt  }
0x7a: {  	_ =	shalt  }
0x7b: {  	_ =	shalt  }
0x7c: {  	_ =	shalt  }
0x7d: {  	_ =	shalt  }
0x7e: {  	_ =	shalt  }
0x7f: {  	_ =	shalt  }
0x80: {  	_ =	shalt  }
0x81: {  	_ =	shalt  }
0x82: {  	_ =	shalt  }
0x83: {  	_ =	shalt  }
0x84: {  	_ =	shalt  }
0x85: {  	_ =	shalt  }
0x86: {  	_ =	shalt  }
0x87: {  	_ =	shalt  }
.Lfunc_end0:
.L_simem_size_0:
called_computation.3_lowered:
.L_overlay_start_0:
0x88: {  	s2 =	sld [smem:$0x3FD9]  }
0x89: {  	s3 =	sld [smem:$0x3FFE];
	_ =	sdelay $0x1  }
0x8a: {  	s1 =	srdreg.scid  }
0x8b: {  	s0 =	sand.u32 $0x1, s1  }
0x8c: {  	s16 =	sshll.u32 s0, $0xA;
	s2 =	sadd.s32 s3, s2  }
0x8d: {  	s2 =	sadd.s32 s2, s16  }
0x8e: {  	[smem:$0x3FBB] =	sst s2  }
0x8f: {  	_ = 	snop  }
0x90: {  	(tm) =	ssettm $0x1  }
0x91: {  	s17 =	sld [smem:$0x3FFB];
	_ =	sdelay $0x3  }
0x92: {  	_ =	strace s17  }
0x93: {  	s2 =	sld [smem:$0x3FFC];
	_ =	sdelay $0x3  }
0x94: {  	_ =	strace s2  }
0x95: {  	s2 =	sld [smem:$0x3FFD];
	_ =	sdelay $0x3  }
0x96: {  	_ =	strace s2  }
0x97: {  	_ =	strace $0x8FFFFFFF  }
0x98: {  	s18 =	sld [smem:$0x3FDB];
	_ =	sdelay $0x1  }
0x99: {  	s19 =	simm.s32 $_scs_section_size  }
0x9a: {  	s4 =	simm.s32 $_size__tile_overlayer_lowered;
	s5 =	simm.s32 $_tile_overlayer_lowered  }
0x9b: {  	s22 =	simm.s32 $0x1BFF;
	s21 =	sshll.u32 s5, $0x1;
	s2 =	sadd.s32 s19, s18  }
0x9c: {  	s6 =	simm.s32 $0x0;
	s20 =	sshll.u32 s4, $0x1;
	s4 =	sadd.s32 s21, s2  }
0x9d: {  	[timem:s6], [sflag:s22] =	dma.local [hbm:s4], s20  }
0x9e: {  	_ =	swait.ge [sflag:s22], s20  }
0x9f: {  	s3 =	ssub.s32 $0x0, s20;
	[sflag:s22] =	ssyncset.done $0x0  }
0xa0: {  	[sflag:s22] =	ssyncadd.s32 s3;
	_ =	sdelay $0x1  }
0xa1: {  	s23 =	simm.s32 $0x1B8B  }
0xa2: {  	_ =	swait.ge [sflag:s23], $0x1  }
0xa3: {  	[sflag:s23] =	ssyncset.done $0x0  }
0xa4: {  	s25 =	simm.s32 $0x1B8E;
	s24 =	sld [smem:$0x3FFE];
	[sflag:s23] =	ssyncadd.s32 $0xFFFFFFFF  }
0xa5: {  	s26 =	simm.s32 $execute0_lowered;
	[smem:$0x3FD2] =	sst s25  }
0xa6: {  	s4 =	sshll.u32 s26, $0x1;
	_ =	strace $0x8000004F;
	[dreg:$0x1] =	wrdreg $0xFFFFFFFF  }
0xa7: {  	s28 =	simm.s32 $_size_execute0_lowered;
	s2 =	sadd.s32 s2, s4;
	[dreg:$0x0] =	wrdreg $0x0  }
0xa8: {  	s4 =	sshll.u32 s28, $0x1;
	[dreg:$0x2] =	wrdreg s2  }
0xa9: {  	[dreg:$0x3] =	wrdreg s4  }
0xaa: {  	[dreg:$0x4] =	wrdreg $0xC0  }
0xab: {  	_ =	task [dreg:s6], $0x5FFFF  }
0xac: {  	[dreg:$0x1] =	wrdreg $0xFFFFFFFF  }
0xad: {  	[dreg:$0x0] =	wrdreg $0x60  }
0xae: {  	[dreg:$0x2] =	wrdreg s24  }
0xaf: {  	[dreg:$0x3] =	wrdreg $0xA8000  }
0xb0: {  	[dreg:$0x4] =	wrdreg $0x9  }
0xb1: {  	_ =	task.clear_ibuf [dreg:s6], $0x5FFFF;
	_ =	strace $0x9000004F  }
0xb2: {  	s29 =	simm.s32 $0x9;
	_ =	strace $0x80000051  }
0xb3: {  	_ =	swait.ge [sflag:s29], $0x1  }
0xb4: {  	[sflag:s29] =	ssyncadd.s32 $0xFFFFFFFF  }
0xb5: {  	_ =	strace $0x90000051  }
0xb6: {  	_ =	sfence  }
0xb7: {  	s30 =	sld [smem:$0x0];
	_ =	sdelay $0x2  }
0xb8: {  	s31 =	sshll.u32 s1, $0xD;
	s1 =	sshrl.u32 s1, $0x2  }
0xb9: {  	s3 =	sand.u32 $0x4000, s31;
	s1 =	sadd.s32 s1, s30  }
0xba: {  	s0 =	sor.u32 s3, s0;
	s1 =	sshll.u32 s1, $0x11  }
0xbb: {  	s0 =	sor.u32 s1, s0  }
0xbc: {  	s0 =	sadd.s32 $0x8F2B, s0  }
0xbd: {  	[sflag:s0] =	ssyncadd.remote.s32 $0x1  }
0xbe: {  	_ =	sfence.sel $0xFFFF  }
0xbf: {  	[dreg:$0x0] =	wrdreg $0xFFFFFFFF;
	(pc) =	sbr.abs _section_cstart, $3  }
0xc0: {  	[dreg:$0x1] =	wrdreg $0xFFFFFFFF  }
0xc1: {  	_ =	task.clear_ibuf [dreg:s6], $0x2FFFF;
	_ =	strace $0x9FFFFFFF  }
0xc2: {  	(tm) =	ssettm $0x7FFFFFFF  }
0xc3: {  	_ =	shalt  }
tec
execute0_lowered:
.L_overlay_start_1:
0x0: {  	(tag) =	ssettag $0x1  }
0x1: {  	s5 =	rddreg [dreg:$0x0]  }
0x2: {  	s2 =	rddreg [dreg:$0x1]  }
0x3: {  	s0 =	rddreg [dreg:$0x2]  }
0x4: {  	s4 =	srdreg.scid;
	s1 =	stileid.u32;
	s3 =	simm.s32 $0x0  }
0x5: {  	s17 =	simm.s32 $0x3;
	s18 =	simm.s32 $0x1400;
	s19 =	simm.s32 $0x80  }
0x6: {  	s20 =	simm.s32 $0x6800;
	s21 =	simm.s32 $0x1;
	s22 =	simm.s32 $0x2  }
0x7: {  	s23 =	simm.s32 $0x1380;
	s24 =	simm.s32 $0x2700;
	s25 =	simm.s32 $0x2780  }
0x8: {  	s6 =	sand.u32 $0x1, s4;
	s7 =	smul.u32 $0x2800, s1;
	[smem:$0x7FF] =	sst s3  }
0x9: {  	s4 =	sadd.s32 $0x68400, s5;
	s12 =	sadd.s32 $0xE400, s5;
	s26 =	smul.u32 $0x50000, s1  }
0xa: {  	s13 =	sadd.s32 $0x4400, s5;
	s8 =	smul.u32 $0x28000, s6;
	s28 =	sshll.u32 s6, $0x4  }
0xb: {  	_ =	strace $0x80000050;
	s6 =	ssub.s32 $0x2, s6;
	s29 =	sor.u32 s1, s28  }
0xc: {  	s30 =	sshrl.u32 s26, $0x2;
	s31 =	sshrl.u32 s6, $0x1;
	s9 =	smul.u32 $0x2800, s29  }
0xd: {  	s7 =	sadd.s32 s7, s8;
	s15 =	ssub.s32 s6, s31;
	s11 =	smul.u32 $0x500, s29  }
0xe: {  	s14 =	sadd.s32 s7, s5;
	s5 =	sadd.s32 s30, s2;
	s15 =	smax.u32 s15, $0x1  }
0xf: {  	s6 =	sadd.s32 $0x4000, s5;
	s7 =	sadd.s32 $0x8000, s5;
	s8 =	sadd.s32 $0xC000, s5  }
0x10: {  	s16 =	sshrl.u32 s9, $0x3;
	s9 =	sadd.s32 $0x10000, s5;
	s10 =	sadd.s32 s12, s11  }
0x11: {  	s11 =	sadd.s32 s13, s11;
	s14 =	sadd.s32 $0x8F600, s14;
	s16 =	sadd.s32 $0x280, s16  }
0x12: {  	v0 =	vimm.f32 $0.0e+00;
	s12 =	sadd.s32 s12, s16;
	s13 =	sadd.s32 s13, s16;
	s16 =	simm.s32 $0x2800  }
.LBB2_1:
0x13: {  	s26 =	simm.s32 $0x0;
	s28 =	simm.s32 $0x200  }
.LBB2_2:
0x14: {  	p0 =	sne.s32 s28, $0xFE00;
	[tilespmem:s26+$0x2870] =	vst v0  }
0x15: {  	[tilespmem:s26+$0x2800] =	vst v0  }
0x16: {  	[tilespmem:s26+$0x2810] =	vst v0  }
.Ltmp0:
0x17: {  	[tilespmem:s26+$0x2820] =	vst v0;
	(pc) =	sbr.rel @p0 .LBB2_2-.Ltmp0, $4  }
0x18: {  	[tilespmem:s26+$0x2830] =	vst v0  }
0x19: {  	[tilespmem:s26+$0x2840] =	vst v0  }
0x1a: {  	[tilespmem:s26+$0x2850] =	vst v0  }
0x1b: {  	[tilespmem:s26+$0x2860] =	vst v0;
	s26 =	sshra.s32 s28, $0x2;
	s28 =	sadd.s32 $0x200, s28  }
0x1c: {  	[tilespmem:s26+$0x2870] =	vst v0  }
0x1d: {  	[tilespmem:s26+$0x2800] =	vst v0  }
0x1e: {  	[tilespmem:s26+$0x2810] =	vst v0  }
0x1f: {  	[tilespmem:s26+$0x2820] =	vst v0  }
0x20: {  	[tilespmem:s26+$0x2830] =	vst v0  }
0x21: {  	[tilespmem:s26+$0x2840] =	vst v0  }
0x22: {  	[tilespmem:s26+$0x2850] =	vst v0  }
0x23: {  	[tilespmem:s26+$0x2860] =	vst v0  }
0x24: {  	[spmem:s5] =	stream.linear.scatter [tilespmem:s16], [sflag:$0x3], $0x4000, $0x38;
	[tilespmem:$0x1E800] =	vst v63  }
0x25: {  	_ =	swait.ge [sflag:s17], $0x4000  }
0x26: {  	[sflag:s17] =	ssyncset.done $0x0  }
0x27: {  	[sflag:s17] =	ssyncadd.s32 $0xFFFFC000  }
0x28: {  	[spmem:s6] =	stream.linear.scatter [tilespmem:s16], [sflag:$0x3], $0x4000, $0x38;
	[tilespmem:$0x1E800] =	vst v63  }
0x29: {  	_ =	swait.ge [sflag:s17], $0x4000  }
0x2a: {  	[sflag:s17] =	ssyncset.done $0x0  }
0x2b: {  	[sflag:s17] =	ssyncadd.s32 $0xFFFFC000  }
0x2c: {  	[spmem:s7] =	stream.linear.scatter [tilespmem:s16], [sflag:$0x3], $0x4000, $0x38;
	[tilespmem:$0x1E800] =	vst v63  }
0x2d: {  	_ =	swait.ge [sflag:s17], $0x4000  }
0x2e: {  	[sflag:s17] =	ssyncset.done $0x0  }
0x2f: {  	[sflag:s17] =	ssyncadd.s32 $0xFFFFC000  }
0x30: {  	[spmem:s8] =	stream.linear.scatter [tilespmem:s16], [sflag:$0x3], $0x4000, $0x38;
	[tilespmem:$0x1E800] =	vst v63  }
0x31: {  	_ =	swait.ge [sflag:s17], $0x4000  }
0x32: {  	[sflag:s17] =	ssyncset.done $0x0  }
0x33: {  	[sflag:s17] =	ssyncadd.s32 $0xFFFFC000  }
0x34: {  	[spmem:s9] =	stream.linear.scatter [tilespmem:s16], [sflag:$0x3], $0x4000, $0x38;
	[tilespmem:$0x1E800] =	vst v63  }
0x35: {  	_ =	swait.ge [sflag:s17], $0x4000  }
0x36: {  	[sflag:s17] =	ssyncset.done $0x0  }
0x37: {  	[sflag:s17] =	ssyncadd.s32 $0xFFFFC000  }
0x38: {  	s30 =	simm.s32 $0x0;
	[bflag:$0x0] =	sbarrier.arrive $0xFFFF  }
0x39: {  	[tilespmem:s30], [sflag:$0x3] =	stream.linear.gather [hbm4b:s10+s30], $0x1400, $0x38;
	[tilespmem:$0x1E800] =	vst v63  }
0x3a: {  	_ =	swait.ge [sflag:s17], $0x1400  }
0x3b: {  	[sflag:s17] =	ssyncset.done $0x0  }
0x3c: {  	[sflag:s17] =	ssyncadd.s32 $0xFFFFEC00  }
0x3d: {  	[tilespmem:s18], [sflag:$0x3] =	stream.linear.gather [hbm4b:s11+s30], $0x1400, $0x38;
	[tilespmem:$0x1E800] =	vst v63  }
0x3e: {  	_ =	swait.ge [sflag:s17], $0x1400  }
0x3f: {  	[sflag:s17] =	ssyncset.done $0x0  }
0x40: {  	[sflag:s17] =	ssyncadd.s32 $0xFFFFEC00  }
0x41: {  	[tilespmem:s16], [sflag:$0x1] =	stream.indirect.gather [hbm4b:s4+s19], $0x80, s30, s19, $0xb8;
	[tilespmem:$0x1E800] =	vst v63  }
0x42: {  	s31 =	simm.s32 $0x80  }
0x43: {  	[tilespmem:s20], [sflag:$0x2] =	stream.indirect.gather [hbm4b:s4+s19], $0x80, s31, s19, $0xb8;
	[tilespmem:$0x1E800] =	vst v63  }
0x44: {  	_ =	swait.ge [sflag:s21], $0x4000  }
0x45: {  	[sflag:s21] =	ssyncset.done $0x0  }
0x46: {  	s29 =	simm.s32 $0x1400;
	[sflag:s21] =	ssyncadd.s32 $0xFFFFC000  }
0x47: {  	[spmem:s2] =	stream.indirect.scatter.add.f32 [tilespmem:s16], [sflag:$0x3], $0x80, s29, s19, $0xb8;
	[tilespmem:$0x1E800] =	vst v63  }
0x48: {  	_ =	swait.ge [sflag:s17], $0x4000  }
0x49: {  	[sflag:s17] =	ssyncset.done $0x0  }
0x4a: {  	s30 =	simm.s32 $0x100;
	[sflag:s17] =	ssyncadd.s32 $0xFFFFC000  }
0x4b: {  	[tilespmem:s16], [sflag:$0x1] =	stream.indirect.gather [hbm4b:s4+s19], $0x80, s30, s19, $0xb8;
	[tilespmem:$0x1E800] =	vst v63  }
0x4c: {  	_ =	swait.ge [sflag:s22], $0x4000  }
0x4d: {  	[sflag:s22] =	ssyncset.done $0x0  }
0x4e: {  	s31 =	simm.s32 $0x1480;
	[sflag:s22] =	ssyncadd.s32 $0xFFFFC000  }
0x4f: {  	[spmem:s2] =	stream.indirect.scatter.add.f32 [tilespmem:s20], [sflag:$0x3], $0x80, s31, s19, $0xb8;
	[tilespmem:$0x1E800] =	vst v63  }
0x50: {  	_ =	swait.ge [sflag:s17], $0x4000  }
0x51: {  	s28 =	simm.s32 $0x800;
	s26 =	simm.s32 $0x100;
	[sflag:s17] =	ssyncset.done $0x0  }
.LBB2_4:
0x52: {  	s29 =	sadd.s32 $0x80, s26  }
0x53: {  	[sflag:s17] =	ssyncadd.s32 $0xFFFFC000;
	s30 =	smov.u32 s28;
	s31 =	sadd.s32 $0x400, s28  }
0x54: {  	[tilespmem:s20], [sflag:$0x2] =	stream.indirect.gather [hbm4b:s4+s19], $0x80, s29, s19, $0xb8;
	[tilespmem:$0x1E800] =	vst v63  }
0x55: {  	p0 =	sne.s32 s28, $0x4800;
	_ =	swait.ge [sflag:s21], $0x4000  }
0x56: {  	[sflag:s21] =	ssyncset.done $0x0  }
0x57: {  	s28 =	sadd.s32 $0x1400, s26;
	[sflag:s21] =	ssyncadd.s32 $0xFFFFC000  }
0x58: {  	[spmem:s2] =	stream.indirect.scatter.add.f32 [tilespmem:s16], [sflag:$0x3], $0x80, s28, s19, $0xb8;
	[tilespmem:$0x1E800] =	vst v63  }
0x59: {  	_ =	swait.ge [sflag:s17], $0x4000  }
0x5a: {  	[sflag:s17] =	ssyncset.done $0x0  }
0x5b: {  	s28 =	sadd.s32 $0x100, s26;
	[sflag:s17] =	ssyncadd.s32 $0xFFFFC000  }
0x5c: {  	[tilespmem:s16], [sflag:$0x1] =	stream.indirect.gather [hbm4b:s4+s19], $0x80, s28, s19, $0xb8;
	[tilespmem:$0x1E800] =	vst v63  }
0x5d: {  	_ =	swait.ge [sflag:s22], $0x4000  }
.Ltmp1:
0x5e: {  	[sflag:s22] =	ssyncset.done $0x0;
	(pc) =	sbr.rel @p0 .LBB2_4-.Ltmp1, $4  }
0x5f: {  	s26 =	sadd.s32 $0x1480, s26;
	[sflag:s22] =	ssyncadd.s32 $0xFFFFC000  }
0x60: {  	[spmem:s2] =	stream.indirect.scatter.add.f32 [tilespmem:s20], [sflag:$0x3], $0x80, s26, s19, $0xb8;
	[tilespmem:$0x1E800] =	vst v63  }
0x61: {  	_ =	swait.ge [sflag:s17], $0x4000  }
0x62: {  	s28 =	smov.u32 s31;
	s26 =	sshra.s32 s30, $0x2;
	[sflag:s17] =	ssyncset.done $0x0  }
0x63: {  	s28 =	sadd.s32 $0x80, s26;
	[sflag:s17] =	ssyncadd.s32 $0xFFFFC000  }
0x64: {  	[tilespmem:s20], [sflag:$0x2] =	stream.indirect.gather [hbm4b:s4+s19], $0x80, s28, s19, $0xb8;
	[tilespmem:$0x1E800] =	vst v63  }
0x65: {  	_ =	swait.ge [sflag:s21], $0x4000  }
0x66: {  	[sflag:s21] =	ssyncset.done $0x0  }
0x67: {  	s28 =	sadd.s32 $0x1400, s26;
	[sflag:s21] =	ssyncadd.s32 $0xFFFFC000  }
0x68: {  	[spmem:s2] =	stream.indirect.scatter.add.f32 [tilespmem:s16], [sflag:$0x3], $0x80, s28, s19, $0xb8;
	[tilespmem:$0x1E800] =	vst v63  }
0x69: {  	_ =	swait.ge [sflag:s17], $0x4000  }
0x6a: {  	[sflag:s17] =	ssyncset.done $0x0  }
0x6b: {  	s28 =	sadd.s32 $0x100, s26;
	[sflag:s17] =	ssyncadd.s32 $0xFFFFC000  }
0x6c: {  	[tilespmem:s16], [sflag:$0x1] =	stream.indirect.gather [hbm4b:s4+s19], $0x80, s28, s19, $0xb8;
	[tilespmem:$0x1E800] =	vst v63  }
0x6d: {  	_ =	swait.ge [sflag:s22], $0x4000  }
0x6e: {  	[sflag:s22] =	ssyncset.done $0x0  }
0x6f: {  	s29 =	sadd.s32 $0x1480, s26;
	[sflag:s22] =	ssyncadd.s32 $0xFFFFC000  }
0x70: {  	[spmem:s2] =	stream.indirect.scatter.add.f32 [tilespmem:s20], [sflag:$0x3], $0x80, s29, s19, $0xb8;
	[tilespmem:$0x1E800] =	vst v63  }
0x71: {  	_ =	swait.ge [sflag:s17], $0x4000  }
0x72: {  	[sflag:s17] =	ssyncset.done $0x0  }
0x73: {  	[sflag:s17] =	ssyncadd.s32 $0xFFFFC000  }
0x74: {  	[tilespmem:s20], [sflag:$0x2] =	stream.indirect.gather [hbm4b:s4+s19], $0x80, s23, s19, $0xb8;
	[tilespmem:$0x1E800] =	vst v63  }
0x75: {  	_ =	swait.ge [sflag:s21], $0x4000  }
0x76: {  	[sflag:s21] =	ssyncset.done $0x0  }
0x77: {  	[sflag:s21] =	ssyncadd.s32 $0xFFFFC000  }
0x78: {  	[spmem:s2] =	stream.indirect.scatter.add.f32 [tilespmem:s16], [sflag:$0x3], $0x80, s24, s19, $0xb8;
	[tilespmem:$0x1E800] =	vst v63  }
0x79: {  	_ =	swait.ge [sflag:s17], $0x4000  }
0x7a: {  	[sflag:s17] =	ssyncset.done $0x0  }
0x7b: {  	[sflag:s17] =	ssyncadd.s32 $0xFFFFC000  }
0x7c: {  	_ =	swait.ge [sflag:s22], $0x4000  }
0x7d: {  	[sflag:s22] =	ssyncset.done $0x0  }
0x7e: {  	[sflag:s22] =	ssyncadd.s32 $0xFFFFC000  }
0x7f: {  	[spmem:s2] =	stream.indirect.scatter.add.f32 [tilespmem:s20], [sflag:$0x3], $0x80, s25, s19, $0xb8;
	[tilespmem:$0x1E800] =	vst v63  }
0x80: {  	_ =	swait.ge [sflag:s17], $0x4000  }
0x81: {  	[sflag:s17] =	ssyncset.done $0x0  }
0x82: {  	s30 =	simm.s32 $0x0;
	[sflag:s17] =	ssyncadd.s32 $0xFFFFC000  }
0x83: {  	[tilespmem:s30], [sflag:$0x3] =	stream.linear.gather [hbm4b:s12+s30], $0x1400, $0x38;
	[tilespmem:$0x1E800] =	vst v63  }
0x84: {  	_ =	swait.ge [sflag:s17], $0x1400  }
0x85: {  	[sflag:s17] =	ssyncset.done $0x0  }
0x86: {  	[sflag:s17] =	ssyncadd.s32 $0xFFFFEC00  }
0x87: {  	[tilespmem:s18], [sflag:$0x3] =	stream.linear.gather [hbm4b:s13+s30], $0x1400, $0x38;
	[tilespmem:$0x1E800] =	vst v63  }
0x88: {  	_ =	swait.ge [sflag:s17], $0x1400  }
0x89: {  	[sflag:s17] =	ssyncset.done $0x0  }
0x8a: {  	[sflag:s17] =	ssyncadd.s32 $0xFFFFEC00  }
0x8b: {  	[tilespmem:s16], [sflag:$0x1] =	stream.indirect.gather [hbm4b:s4+s19], $0x80, s30, s19, $0xb8;
	[tilespmem:$0x1E800] =	vst v63  }
0x8c: {  	s31 =	simm.s32 $0x80  }
0x8d: {  	[tilespmem:s20], [sflag:$0x2] =	stream.indirect.gather [hbm4b:s4+s19], $0x80, s31, s19, $0xb8;
	[tilespmem:$0x1E800] =	vst v63  }
0x8e: {  	_ =	swait.ge [sflag:s21], $0x4000  }
0x8f: {  	[sflag:s21] =	ssyncset.done $0x0  }
0x90: {  	s29 =	simm.s32 $0x1400;
	[sflag:s21] =	ssyncadd.s32 $0xFFFFC000  }
0x91: {  	[spmem:s2] =	stream.indirect.scatter.add.f32 [tilespmem:s16], [sflag:$0x3], $0x80, s29, s19, $0xb8;
	[tilespmem:$0x1E800] =	vst v63  }
0x92: {  	_ =	swait.ge [sflag:s17], $0x4000  }
0x93: {  	[sflag:s17] =	ssyncset.done $0x0  }
0x94: {  	s30 =	simm.s32 $0x100;
	[sflag:s17] =	ssyncadd.s32 $0xFFFFC000  }
0x95: {  	[tilespmem:s16], [sflag:$0x1] =	stream.indirect.gather [hbm4b:s4+s19], $0x80, s30, s19, $0xb8;
	[tilespmem:$0x1E800] =	vst v63  }
0x96: {  	_ =	swait.ge [sflag:s22], $0x4000  }
0x97: {  	[sflag:s22] =	ssyncset.done $0x0  }
0x98: {  	s31 =	simm.s32 $0x1480;
	[sflag:s22] =	ssyncadd.s32 $0xFFFFC000  }
0x99: {  	[spmem:s2] =	stream.indirect.scatter.add.f32 [tilespmem:s20], [sflag:$0x3], $0x80, s31, s19, $0xb8;
	[tilespmem:$0x1E800] =	vst v63  }
0x9a: {  	_ =	swait.ge [sflag:s17], $0x4000  }
0x9b: {  	s26 =	simm.s32 $0x100;
	s28 =	simm.s32 $0x800;
	[sflag:s17] =	ssyncset.done $0x0  }
.LBB2_6:
0x9c: {  	s29 =	sadd.s32 $0x80, s26  }
0x9d: {  	[sflag:s17] =	ssyncadd.s32 $0xFFFFC000;
	s30 =	smov.u32 s28;
	s31 =	sadd.s32 $0x400, s28  }
0x9e: {  	[tilespmem:s20], [sflag:$0x2] =	stream.indirect.gather [hbm4b:s4+s19], $0x80, s29, s19, $0xb8;
	[tilespmem:$0x1E800] =	vst v63  }
0x9f: {  	p0 =	sne.s32 s28, $0x4800;
	_ =	swait.ge [sflag:s21], $0x4000  }
0xa0: {  	[sflag:s21] =	ssyncset.done $0x0  }
0xa1: {  	s28 =	sadd.s32 $0x1400, s26;
	[sflag:s21] =	ssyncadd.s32 $0xFFFFC000  }
0xa2: {  	[spmem:s2] =	stream.indirect.scatter.add.f32 [tilespmem:s16], [sflag:$0x3], $0x80, s28, s19, $0xb8;
	[tilespmem:$0x1E800] =	vst v63  }
0xa3: {  	_ =	swait.ge [sflag:s17], $0x4000  }
0xa4: {  	[sflag:s17] =	ssyncset.done $0x0  }
0xa5: {  	s28 =	sadd.s32 $0x100, s26;
	[sflag:s17] =	ssyncadd.s32 $0xFFFFC000  }
0xa6: {  	[tilespmem:s16], [sflag:$0x1] =	stream.indirect.gather [hbm4b:s4+s19], $0x80, s28, s19, $0xb8;
	[tilespmem:$0x1E800] =	vst v63  }
0xa7: {  	_ =	swait.ge [sflag:s22], $0x4000  }
.Ltmp2:
0xa8: {  	[sflag:s22] =	ssyncset.done $0x0;
	(pc) =	sbr.rel @p0 .LBB2_6-.Ltmp2, $4  }
0xa9: {  	s26 =	sadd.s32 $0x1480, s26;
	[sflag:s22] =	ssyncadd.s32 $0xFFFFC000  }
0xaa: {  	[spmem:s2] =	stream.indirect.scatter.add.f32 [tilespmem:s20], [sflag:$0x3], $0x80, s26, s19, $0xb8;
	[tilespmem:$0x1E800] =	vst v63  }
0xab: {  	_ =	swait.ge [sflag:s17], $0x4000  }
0xac: {  	s28 =	smov.u32 s31;
	s26 =	sshra.s32 s30, $0x2;
	[sflag:s17] =	ssyncset.done $0x0  }
0xad: {  	s28 =	sadd.s32 $0x80, s26;
	[sflag:s17] =	ssyncadd.s32 $0xFFFFC000  }
0xae: {  	[tilespmem:s20], [sflag:$0x2] =	stream.indirect.gather [hbm4b:s4+s19], $0x80, s28, s19, $0xb8;
	[tilespmem:$0x1E800] =	vst v63  }
0xaf: {  	_ =	swait.ge [sflag:s21], $0x4000  }
0xb0: {  	[sflag:s21] =	ssyncset.done $0x0  }
0xb1: {  	s30 =	sadd.s32 $0x1400, s26;
	[sflag:s21] =	ssyncadd.s32 $0xFFFFC000  }
0xb2: {  	[spmem:s2] =	stream.indirect.scatter.add.f32 [tilespmem:s16], [sflag:$0x3], $0x80, s30, s19, $0xb8;
	[tilespmem:$0x1E800] =	vst v63  }
0xb3: {  	_ =	swait.ge [sflag:s17], $0x4000  }
0xb4: {  	[sflag:s17] =	ssyncset.done $0x0  }
0xb5: {  	s31 =	sadd.s32 $0x100, s26;
	[sflag:s17] =	ssyncadd.s32 $0xFFFFC000  }
0xb6: {  	[tilespmem:s16], [sflag:$0x1] =	stream.indirect.gather [hbm4b:s4+s19], $0x80, s31, s19, $0xb8;
	[tilespmem:$0x1E800] =	vst v63  }
0xb7: {  	_ =	swait.ge [sflag:s22], $0x4000  }
0xb8: {  	[sflag:s22] =	ssyncset.done $0x0  }
0xb9: {  	s29 =	sadd.s32 $0x1480, s26;
	[sflag:s22] =	ssyncadd.s32 $0xFFFFC000  }
0xba: {  	[spmem:s2] =	stream.indirect.scatter.add.f32 [tilespmem:s20], [sflag:$0x3], $0x80, s29, s19, $0xb8;
	[tilespmem:$0x1E800] =	vst v63  }
0xbb: {  	_ =	swait.ge [sflag:s17], $0x4000  }
0xbc: {  	[sflag:s17] =	ssyncset.done $0x0  }
0xbd: {  	[sflag:s17] =	ssyncadd.s32 $0xFFFFC000  }
0xbe: {  	[tilespmem:s20], [sflag:$0x2] =	stream.indirect.gather [hbm4b:s4+s19], $0x80, s23, s19, $0xb8;
	[tilespmem:$0x1E800] =	vst v63  }
0xbf: {  	_ =	swait.ge [sflag:s21], $0x4000  }
0xc0: {  	[sflag:s21] =	ssyncset.done $0x0  }
0xc1: {  	[sflag:s21] =	ssyncadd.s32 $0xFFFFC000  }
0xc2: {  	[spmem:s2] =	stream.indirect.scatter.add.f32 [tilespmem:s16], [sflag:$0x3], $0x80, s24, s19, $0xb8;
	[tilespmem:$0x1E800] =	vst v63  }
0xc3: {  	_ =	swait.ge [sflag:s17], $0x4000  }
0xc4: {  	[sflag:s17] =	ssyncset.done $0x0  }
0xc5: {  	[sflag:s17] =	ssyncadd.s32 $0xFFFFC000  }
0xc6: {  	_ =	swait.ge [sflag:s22], $0x4000  }
0xc7: {  	[sflag:s22] =	ssyncset.done $0x0  }
0xc8: {  	[sflag:s22] =	ssyncadd.s32 $0xFFFFC000  }
0xc9: {  	[spmem:s2] =	stream.indirect.scatter.add.f32 [tilespmem:s20], [sflag:$0x3], $0x80, s25, s19, $0xb8;
	[tilespmem:$0x1E800] =	vst v63  }
0xca: {  	_ =	swait.ge [sflag:s17], $0x4000  }
0xcb: {  	s3 =	sadd.s32 $0x1, s3;
	s30 =	sshll.u32 s1, $0x6;
	[sflag:s17] =	ssyncset.done $0x0  }
0xcc: {  	p0 =	sne.s32 s3, s15;
	s26 =	sor.u32 $0x1C03, s30;
	[sflag:s17] =	ssyncadd.s32 $0xFFFFC000  }
.Ltmp3:
0xcd: {  	s31 =	sshrl.u32 s5, $0x3;
	[bflag:$0x0] =	sbarrier.arrive $0xFFFF;
	(pc) =	sbr.rel @p0 .LBB2_1-.Ltmp3, $4  }
0xce: {  	[hbm:s14], [sflag:s26] =	dma.local [spmem:s31], $0x2800  }
0xcf: {  	_ =	swait.ge [sflag:s17], $0x2800  }
0xd0: {  	[sflag:s17] =	ssyncset.done $0x0  }
0xd1: {  	[sflag:s17] =	ssyncadd.s32 $0xFFFFD800  }
0xd2: {  	_ =	sfence.sel $0x180000  }
0xd3: {  	[bflag:$0x0] =	sbarrier.arrive $0xFFFF  }
0xd4: {  	p0 =	sne.s32 s1, $0x0;
	_ =	strace $0x90000050  }
0xd5: {  	s0 =	sadd.s32 @!p0 $0x100000, s0;
	[bflag:$0x2] =	sbarrier.arrive $0xFFFF  }
0xd6: {  	[sflag:s0] =	ssyncadd.tile.s32 @!p0 $0x1;
	_ =	shalt  }
.Lfunc_end2:
_tile_overlayer_lowered:
.L_overlay_start_2:
0xd7: {  	(tag) =	ssettag $0x2  }
0xd8: {  	s0 =	rddreg [dreg:$0x0];
	s2 =	stileid.u32  }
0xd9: {  	s1 =	rddreg [dreg:$0x1];
	p0 =	sne.s32 s2, $0x0  }
0xda: {  	s3 =	rddreg [dreg:$0x2];
	[bflag:$0x3] =	sbarrier.arrive $0xFFFF;
	s2 =	simm.s32 @!p0 $0x1C03  }
0xdb: {  	[timem:s3], [sflag:s2] =	dma.local @!p0 [hbm:s0], s1  }
0xdc: {  	s0 =	simm.s32 @!p0 $0x3  }
0xdd: {  	_ =	swait.ge @!p0 [sflag:s0], s1  }
0xde: {  	s1 =	ssub.s32 @!p0 $0x0, s1;
	[sflag:s0] =	ssyncset.done @!p0 $0x0  }
0xdf: {  	[sflag:s0] =	ssyncadd.s32 @!p0 s1  }
0xe0: {  	[bflag:$0x3] =	sbarrier.arrive $0xFFFF  }
0xe1: {  	_ =	shalt  }

</sc_bundles>
